<compile_context>
chip_gen: v7x
topology: tpu7x:2x2x1
jax: 0.10.2.dev20260603
libtpu: 0.0.44.dev20260713+nightly
codegen_flags: <defaults>
</compile_context>

<pallas_src>
import functools

import jax
import jax.numpy as jnp
from jax import lax
from jax.experimental import pallas as pl
from jax.experimental.pallas import tpu as pltpu
from jax.experimental.pallas import tpu_sc as plsc

_NC = 2
_NS = 16
_NW = _NC * _NS
_LANES = 16

_TC_TILE = 1024
_NCHUNKS = 1


def _argmax_body(trt_ref, keyst_ref, idx_ref):
    tr_cm = trt_ref[0]
    keys_cm = keyst_ref[...]
    s = lax.dot_general(keys_cm, tr_cm, (((0,), (0,)), ((), ())),
                        preferred_element_type=jnp.float32)
    idx_ref[0, 0, :] = jnp.argmax(s, axis=0).astype(jnp.int32)


def _tc_argmax(trt3, keys_t, row_off, n_rows):
    b, c, l = trt3.shape
    m = keys_t.shape[1]
    jpr = l // _TC_TILE
    chunk_t = n_rows * l
    idx3 = pl.pallas_call(
        _argmax_body,
        grid=(n_rows, jpr),
        in_specs=[
            pl.BlockSpec((1, c, _TC_TILE), lambda bb, j: (bb + row_off, 0, j)),
            pl.BlockSpec((c, m), lambda bb, j: (0, 0)),
        ],
        out_specs=pl.BlockSpec((1, 1, _TC_TILE),
                               lambda bb, j: (bb * jpr + j, 0, 0)),
        out_shape=jax.ShapeDtypeStruct((n_rows * jpr, 1, _TC_TILE), jnp.int32),
        compiler_params=pltpu.CompilerParams(
            dimension_semantics=("parallel", "parallel"),
            fuse_transposed_lhs_in_matmul=True),
    )(trt3, keys_t)
    return idx3.reshape(chunk_t)


def _make_sc_mse(b, l, c, m, chunk_t):
    per_w = chunk_t // _NW
    n_groups = per_w // _LANES
    wpr = l // per_w
    mesh = plsc.VectorSubcoreMesh(core_axis_name="c", subcore_axis_name="s",
                                  num_cores=_NC, num_subcores=_NS)

    def make(row_off):
        @functools.partial(
            pl.kernel,
            out_type=[jax.ShapeDtypeStruct((b, l), jnp.float32),
                      jax.ShapeDtypeStruct((b, l), jnp.float32)],
            mesh=mesh,
            scratch_types=[
                pltpu.VMEM((c, m), jnp.float32),
                pltpu.VMEM((c, m), jnp.float32),
                pltpu.VMEM((c, 512), jnp.float32),
                pltpu.VMEM((c, 512), jnp.float32),
                pltpu.VMEM((per_w,), jnp.int32),
                pltpu.VMEM((per_w,), jnp.float32),
                pltpu.VMEM((per_w,), jnp.float32),
                pltpu.SemaphoreType.DMA,
                pltpu.SemaphoreType.DMA,
                pltpu.SemaphoreType.DMA,
                pltpu.SemaphoreType.DMA,
                pltpu.SemaphoreType.DMA,
            ],
            compiler_params=pltpu.CompilerParams(needs_layout_passes=False),
        )
        def sc_mse(trt_hbm, rept_hbm, keyst_hbm, valuest_hbm, idx_hbm,
                   outk_hbm, outv_hbm,
                   keys_v, values_v, tr_v, rep_v, idx_v, outk_v, outv_v,
                   sem0, sem1, sem2, sem3, sem4):
            wid = lax.axis_index("s") * _NC + lax.axis_index("c")
            base = wid * per_w
            bb = row_off + wid // wpr
            l0 = (wid % wpr) * per_w
            sub = min(per_w, 512)
            nsub = per_w // sub
            cps = [
                pltpu.async_copy(keyst_hbm, keys_v, sem0),
                pltpu.async_copy(valuest_hbm, values_v, sem1),
                pltpu.async_copy(idx_hbm.at[pl.ds(base, per_w)], idx_v, sem4),
            ]
            for cp in cps:
                cp.wait()
            lanes = lax.iota(jnp.int32, _LANES)

            for ci in range(nsub):
                tr_cp = pltpu.async_copy(
                    trt_hbm.at[bb, :, pl.ds(l0 + ci * sub, sub)], tr_v, sem2)
                rep_cp = pltpu.async_copy(
                    rept_hbm.at[bb, :, pl.ds(l0 + ci * sub, sub)], rep_v, sem3)
                tr_cp.wait()
                rep_cp.wait()

                def group_body(g, carry, ci=ci):
                    loc = [g * 2 * _LANES + lanes,
                           g * 2 * _LANES + _LANES + lanes]
                    rows = [r + ci * sub for r in loc]
                    idxs = [plsc.load_gather(idx_v, [r]) for r in rows]
                    acck = [[jnp.zeros((_LANES,), jnp.float32)
                             for _ in range(2)] for _ in range(2)]
                    accv = [[jnp.zeros((_LANES,), jnp.float32)
                             for _ in range(2)] for _ in range(2)]
                    for cc in range(c):
                        col = jnp.full((_LANES,), cc, jnp.int32)
                        par = cc & 1
                        for gi in range(2):
                            trc = plsc.load_gather(tr_v, [col, loc[gi]])
                            kc = plsc.load_gather(keys_v, [col, idxs[gi]])
                            dk = trc - kc
                            acck[gi][par] = acck[gi][par] + dk * dk
                            rc = plsc.load_gather(rep_v, [col, loc[gi]])
                            vc = plsc.load_gather(values_v, [col, idxs[gi]])
                            dv = rc - vc
                            accv[gi][par] = accv[gi][par] + dv * dv
                    for gi in range(2):
                        plsc.store_scatter(outk_v, [rows[gi]],
                                           acck[gi][0] + acck[gi][1])
                        plsc.store_scatter(outv_v, [rows[gi]],
                                           accv[gi][0] + accv[gi][1])
                    return carry

                lax.fori_loop(0, sub // (2 * _LANES), group_body, 0)

            pltpu.sync_copy(outk_v, outk_hbm.at[bb, pl.ds(l0, per_w)])
            pltpu.sync_copy(outv_v, outv_hbm.at[bb, pl.ds(l0, per_w)])

        return sc_mse

    return make


def kernel(trend_representation, representation, keys, values):
    b, l, c = trend_representation.shape
    m = keys.shape[0]
    trt3 = jnp.transpose(trend_representation, (0, 2, 1))
    rept3 = jnp.transpose(representation, (0, 2, 1))
    keys_t = keys.T
    values_t = values.T
    rows_per_chunk = b // _NCHUNKS
    chunk_t = rows_per_chunk * l
    sc_make = _make_sc_mse(b, l, c, m, chunk_t)
    idx = _tc_argmax(trt3, keys_t, 0, rows_per_chunk)
    kg, vg = sc_make(0)(trt3, rept3, keys_t, values_t, idx)
    return kg, vg

# --- scband reference (transcript-rebuilt; emitter-appended) ---
"""Pipeline reference for scband-gathering-loss-68977174774316 (READ-ONLY COPY).

The authoritative reference and input builder live on the scoring server;
editing this copy changes nothing except your own understanding.
"""

import jax, jax.numpy as jnp
import numpy as np


def setup_inputs(seed: int = 0) -> dict:
    key = jax.random.key(seed)
    k1, k2, k3, k4 = jax.random.split(key, 4)
    B, L, C, M = 32, 1024, 32, 1024
    return {
        "trend_representation": jax.random.normal(k1, (B, L, C), dtype=jnp.float32),
        "representation": jax.random.normal(k2, (B, L, C), dtype=jnp.float32),
        "keys": jax.random.normal(k3, (M, C), dtype=jnp.float32),
        "values": jax.random.normal(k4, (M, C), dtype=jnp.float32),
    }


def reference(trend_representation, representation, keys, values):
    # GatheringLoss.forward with reduce=False (elementwise MSE, i.e. reduction='none')
    B = representation.shape[0]
    C = representation.shape[-1]
    tr = trend_representation.reshape(-1, C)   # (T, C)
    rep = representation.reshape(-1, C)        # (T, C)
    # get_score: softmax(query @ key^T)
    score = jax.nn.softmax(jnp.matmul(tr, keys.T), axis=-1)  # (T, M)
    # top-1 codebook index per token
    _, indices = jax.lax.top_k(score, 1)       # (T, 1)
    idx = indices[:, 0]                        # (T,)
    # keys gathering: elementwise MSE then sum over channel dim
    k_sel = jnp.take(keys, idx, axis=0)        # gather (T, C)
    keys_gathering = jnp.sum((tr - k_sel) ** 2, axis=-1).reshape(B, -1)
    # values gathering
    v_sel = jnp.take(values, idx, axis=0)      # gather (T, C)
    values_gathering = jnp.sum((rep - v_sel) ** 2, axis=-1).reshape(B, -1)
    return (keys_gathering, values_gathering)

if __name__ == "__main__":
    import jax
    _d = setup_inputs()
    print(jax.jit(kernel)(*tuple(_d.values())))

</pallas_src>

<mosaic_0001>
#map = affine_map<(d0, d1) -> (0, 0, 0)>
#map1 = affine_map<(d0, d1) -> (0, 0)>
#map2 = affine_map<(d0, d1) -> (0)>
module attributes {stable_mosaic.version = 14 : i64} {
  func.func @sc_mse(%arg0: i32, %arg1: i32, %arg2: memref<32x32x1024xf32, #tpu.memory_space<hbm>>, %arg3: memref<32x32x1024xf32, #tpu.memory_space<hbm>>, %arg4: memref<32x1024xf32, #tpu.memory_space<hbm>>, %arg5: memref<32x1024xf32, #tpu.memory_space<hbm>>, %arg6: memref<32768xi32, #tpu.memory_space<hbm>>, %arg7: memref<32x1024xf32, #tpu.memory_space<hbm>>, %arg8: memref<32x1024xf32, #tpu.memory_space<hbm>>, %arg9: memref<32x1024xf32, #tpu.memory_space<vmem>>, %arg10: memref<32x1024xf32, #tpu.memory_space<vmem>>, %arg11: memref<32x512xf32, #tpu.memory_space<vmem>>, %arg12: memref<32x512xf32, #tpu.memory_space<vmem>>, %arg13: memref<1024xi32, #tpu.memory_space<vmem>>, %arg14: memref<1024xf32, #tpu.memory_space<vmem>>, %arg15: memref<1024xf32, #tpu.memory_space<vmem>>, %arg16: memref<!tpu.dma_semaphore, #tpu.memory_space<semaphore_mem>>, %arg17: memref<!tpu.dma_semaphore, #tpu.memory_space<semaphore_mem>>, %arg18: memref<!tpu.dma_semaphore, #tpu.memory_space<semaphore_mem>>, %arg19: memref<!tpu.dma_semaphore, #tpu.memory_space<semaphore_mem>>, %arg20: memref<!tpu.dma_semaphore, #tpu.memory_space<semaphore_mem>>) attributes {dimension_semantics = [#tpu.dimension_semantics<core_parallel>, #tpu.dimension_semantics<subcore_parallel>], iteration_bounds = array<i64: 2, 16>, scalar_prefetch = 0 : i64, scratch_operands = 12 : i64, tpu.core_type = #tpu.core_type<sc_vector_subcore>, window_params = [{transform_indices = #map}, {transform_indices = #map}, {transform_indices = #map1}, {transform_indices = #map1}, {transform_indices = #map2}, {transform_indices = #map1}, {transform_indices = #map1}]} {
    %mul3A = arith.constant 2 : i32
    %mul3A_0 = arith.muli %arg1, %mul3A : i32
    %add3A = arith.addi %mul3A_0, %arg0 : i32
    %mul3A_1 = arith.constant 1024 : i32
    %mul3A_2 = arith.muli %add3A, %mul3A_1 : i32
    %jit3A = arith.constant 1 : i32
    %div3A = arith.divsi %add3A, %jit3A : i32
    %sign3A = arith.constant 0 : i32
    %sign3A_3 = arith.cmpi sgt, %add3A, %sign3A : i32
    %sign3A_4 = arith.extui %sign3A_3 : i1 to i32
    %sign3A_5 = arith.constant 0 : i32
    %sign3A_6 = arith.cmpi slt, %add3A, %sign3A_5 : i32
    %sign3A_7 = arith.extui %sign3A_6 : i1 to i32
    %sign3A_8 = arith.subi %sign3A_4, %sign3A_7 : i32
    %sign3A_9 = arith.constant 0 : i32
    %sign3A_10 = arith.cmpi sgt, %jit3A, %sign3A_9 : i32
    %sign3A_11 = arith.extui %sign3A_10 : i1 to i32
    %sign3A_12 = arith.constant 0 : i32
    %sign3A_13 = arith.cmpi slt, %jit3A, %sign3A_12 : i32
    %sign3A_14 = arith.extui %sign3A_13 : i1 to i32
    %sign3A_15 = arith.subi %sign3A_11, %sign3A_14 : i32
    %ne3A = arith.cmpi ne, %sign3A_8, %sign3A_15 : i32
    %rem3A = arith.remsi %add3A, %jit3A : i32
    %ne3A_16 = arith.constant 0 : i32
    %ne3A_17 = arith.cmpi ne, %rem3A, %ne3A_16 : i32
    %and3A = arith.andi %ne3A, %ne3A_17 : i1
    %sub3A = arith.constant 1 : i32
    %sub3A_18 = arith.subi %div3A, %sub3A : i32
    %select_n3A = arith.select %and3A, %sub3A_18, %div3A : i32
    %add3A_19 = arith.constant 0 : i32
    %add3A_20 = arith.addi %add3A_19, %select_n3A : i32
    %jit3A_21 = arith.constant 1 : i32
    %eq3A = arith.constant 0 : i32
    %eq3A_22 = arith.cmpi eq, %jit3A_21, %eq3A : i32
    %jit3A_23 = arith.constant 1 : i32
    %select_n3A_24 = arith.select %eq3A_22, %jit3A_23, %jit3A_21 : i32
    %rem3A_25 = arith.remsi %add3A, %select_n3A_24 : i32
    %ne3A_26 = arith.constant 0 : i32
    %ne3A_27 = arith.cmpi ne, %rem3A_25, %ne3A_26 : i32
    %lt3A = arith.constant 0 : i32
    %lt3A_28 = arith.cmpi slt, %rem3A_25, %lt3A : i32
    %lt3A_29 = arith.constant 0 : i32
    %lt3A_30 = arith.cmpi slt, %select_n3A_24, %lt3A_29 : i32
    %ne3A_31 = arith.xori %lt3A_28, %lt3A_30 : i1
    %and3A_32 = arith.andi %ne3A_31, %ne3A_27 : i1
    %add3A_33 = arith.addi %rem3A_25, %select_n3A_24 : i32
    %select_n3A_34 = arith.select %and3A_32, %add3A_33, %rem3A_25 : i32
    %mul3A_35 = arith.constant 1024 : i32
    %mul3A_36 = arith.muli %select_n3A_34, %mul3A_35 : i32
    tpu.enqueue_dma source(%arg4 : memref<32x1024xf32, #tpu.memory_space<hbm>>) target(%arg9 : memref<32x1024xf32, #tpu.memory_space<vmem>>) target_semaphore(%arg16 : memref<!tpu.dma_semaphore, #tpu.memory_space<semaphore_mem>>)
    tpu.enqueue_dma source(%arg5 : memref<32x1024xf32, #tpu.memory_space<hbm>>) target(%arg10 : memref<32x1024xf32, #tpu.memory_space<vmem>>) target_semaphore(%arg17 : memref<!tpu.dma_semaphore, #tpu.memory_space<semaphore_mem>>)
    %dma_start3A = tpu.memref_slice %arg6[%mul3A_2] : memref<32768xi32, #tpu.memory_space<hbm>> -> memref<1024xi32, #tpu.memory_space<hbm>>
    %dma_start3A_37 = tpu.memref_slice %arg6[%mul3A_2] : memref<32768xi32, #tpu.memory_space<hbm>> -> memref<1024xi32, #tpu.memory_space<hbm>>
    tpu.enqueue_dma source(%dma_start3A_37 : memref<1024xi32, #tpu.memory_space<hbm>>) target(%arg13 : memref<1024xi32, #tpu.memory_space<vmem>>) target_semaphore(%arg20 : memref<!tpu.dma_semaphore, #tpu.memory_space<semaphore_mem>>)
    tpu.wait_dma2 semaphore(%arg16 : memref<!tpu.dma_semaphore, #tpu.memory_space<semaphore_mem>>) src(%arg4 : memref<32x1024xf32, #tpu.memory_space<hbm>>) dst(%arg9 : memref<32x1024xf32, #tpu.memory_space<vmem>>)
    tpu.wait_dma2 semaphore(%arg17 : memref<!tpu.dma_semaphore, #tpu.memory_space<semaphore_mem>>) src(%arg5 : memref<32x1024xf32, #tpu.memory_space<hbm>>) dst(%arg10 : memref<32x1024xf32, #tpu.memory_space<vmem>>)
    %dma_wait3A = tpu.memref_slice %arg6[%mul3A_2] : memref<32768xi32, #tpu.memory_space<hbm>> -> memref<1024xi32, #tpu.memory_space<hbm>>
    %dma_wait3A_38 = tpu.memref_slice %arg6[%mul3A_2] : memref<32768xi32, #tpu.memory_space<hbm>> -> memref<1024xi32, #tpu.memory_space<hbm>>
    tpu.wait_dma2 semaphore(%arg20 : memref<!tpu.dma_semaphore, #tpu.memory_space<semaphore_mem>>) src(%dma_wait3A_38 : memref<1024xi32, #tpu.memory_space<hbm>>) dst(%arg13 : memref<1024xi32, #tpu.memory_space<vmem>>)
    %iota3A = tpu.iota {dimensions = array<i32: 0>} : vector<16xi32>
    %add3A_39 = arith.constant 0 : i32
    %add3A_40 = arith.addi %mul3A_36, %add3A_39 : i32
    %dma_start3A_41 = arith.constant 0 : i32
    %dma_start3A_42 = tpu.memref_slice %arg2[%add3A_20, %dma_start3A_41, %add3A_40] : memref<32x32x1024xf32, #tpu.memory_space<hbm>> -> memref<1x32x512xf32, #tpu.memory_space<hbm>>
    %dma_start3A_43 = tpu.memref_squeeze %dma_start3A_42 : memref<1x32x512xf32, #tpu.memory_space<hbm>> -> memref<32x512xf32, #tpu.memory_space<hbm>>
    %dma_start3A_44 = arith.constant 0 : i32
    %dma_start3A_45 = tpu.memref_slice %arg2[%add3A_20, %dma_start3A_44, %add3A_40] : memref<32x32x1024xf32, #tpu.memory_space<hbm>> -> memref<1x32x512xf32, #tpu.memory_space<hbm>>
    %dma_start3A_46 = tpu.memref_squeeze %dma_start3A_45 : memref<1x32x512xf32, #tpu.memory_space<hbm>> -> memref<32x512xf32, #tpu.memory_space<hbm>>
    tpu.enqueue_dma source(%dma_start3A_46 : memref<32x512xf32, #tpu.memory_space<hbm>>) target(%arg11 : memref<32x512xf32, #tpu.memory_space<vmem>>) target_semaphore(%arg18 : memref<!tpu.dma_semaphore, #tpu.memory_space<semaphore_mem>>)
    %add3A_47 = arith.constant 0 : i32
    %add3A_48 = arith.addi %mul3A_36, %add3A_47 : i32
    %dma_start3A_49 = arith.constant 0 : i32
    %dma_start3A_50 = tpu.memref_slice %arg3[%add3A_20, %dma_start3A_49, %add3A_48] : memref<32x32x1024xf32, #tpu.memory_space<hbm>> -> memref<1x32x512xf32, #tpu.memory_space<hbm>>
    %dma_start3A_51 = tpu.memref_squeeze %dma_start3A_50 : memref<1x32x512xf32, #tpu.memory_space<hbm>> -> memref<32x512xf32, #tpu.memory_space<hbm>>
    %dma_start3A_52 = arith.constant 0 : i32
    %dma_start3A_53 = tpu.memref_slice %arg3[%add3A_20, %dma_start3A_52, %add3A_48] : memref<32x32x1024xf32, #tpu.memory_space<hbm>> -> memref<1x32x512xf32, #tpu.memory_space<hbm>>
    %dma_start3A_54 = tpu.memref_squeeze %dma_start3A_53 : memref<1x32x512xf32, #tpu.memory_space<hbm>> -> memref<32x512xf32, #tpu.memory_space<hbm>>
    tpu.enqueue_dma source(%dma_start3A_54 : memref<32x512xf32, #tpu.memory_space<hbm>>) target(%arg12 : memref<32x512xf32, #tpu.memory_space<vmem>>) target_semaphore(%arg19 : memref<!tpu.dma_semaphore, #tpu.memory_space<semaphore_mem>>)
    %dma_wait3A_55 = arith.constant 0 : i32
    %dma_wait3A_56 = tpu.memref_slice %arg2[%add3A_20, %dma_wait3A_55, %add3A_40] : memref<32x32x1024xf32, #tpu.memory_space<hbm>> -> memref<1x32x512xf32, #tpu.memory_space<hbm>>
    %dma_wait3A_57 = tpu.memref_squeeze %dma_wait3A_56 : memref<1x32x512xf32, #tpu.memory_space<hbm>> -> memref<32x512xf32, #tpu.memory_space<hbm>>
    %dma_wait3A_58 = arith.constant 0 : i32
    %dma_wait3A_59 = tpu.memref_slice %arg2[%add3A_20, %dma_wait3A_58, %add3A_40] : memref<32x32x1024xf32, #tpu.memory_space<hbm>> -> memref<1x32x512xf32, #tpu.memory_space<hbm>>
    %dma_wait3A_60 = tpu.memref_squeeze %dma_wait3A_59 : memref<1x32x512xf32, #tpu.memory_space<hbm>> -> memref<32x512xf32, #tpu.memory_space<hbm>>
    tpu.wait_dma2 semaphore(%arg18 : memref<!tpu.dma_semaphore, #tpu.memory_space<semaphore_mem>>) src(%dma_wait3A_60 : memref<32x512xf32, #tpu.memory_space<hbm>>) dst(%arg11 : memref<32x512xf32, #tpu.memory_space<vmem>>)
    %dma_wait3A_61 = arith.constant 0 : i32
    %dma_wait3A_62 = tpu.memref_slice %arg3[%add3A_20, %dma_wait3A_61, %add3A_48] : memref<32x32x1024xf32, #tpu.memory_space<hbm>> -> memref<1x32x512xf32, #tpu.memory_space<hbm>>
    %dma_wait3A_63 = tpu.memref_squeeze %dma_wait3A_62 : memref<1x32x512xf32, #tpu.memory_space<hbm>> -> memref<32x512xf32, #tpu.memory_space<hbm>>
    %dma_wait3A_64 = arith.constant 0 : i32
    %dma_wait3A_65 = tpu.memref_slice %arg3[%add3A_20, %dma_wait3A_64, %add3A_48] : memref<32x32x1024xf32, #tpu.memory_space<hbm>> -> memref<1x32x512xf32, #tpu.memory_space<hbm>>
    %dma_wait3A_66 = tpu.memref_squeeze %dma_wait3A_65 : memref<1x32x512xf32, #tpu.memory_space<hbm>> -> memref<32x512xf32, #tpu.memory_space<hbm>>
    tpu.wait_dma2 semaphore(%arg19 : memref<!tpu.dma_semaphore, #tpu.memory_space<semaphore_mem>>) src(%dma_wait3A_66 : memref<32x512xf32, #tpu.memory_space<hbm>>) dst(%arg12 : memref<32x512xf32, #tpu.memory_space<vmem>>)
    %scan3A = arith.constant 0 : i32
    %scan3A_67 = arith.constant 0 : i32
    %scan3A_68 = arith.constant 16 : i32
    %scan3A_69 = arith.addi %scan3A_67, %scan3A_68 : i32
    %scan3A_70 = arith.constant 1 : i32
    scf.for %scan3A_106 = %scan3A_67 to %scan3A_69 step %scan3A_70  : i32 {
      %mul3A_107 = arith.constant 2 : i32
      %mul3A_108 = arith.muli %scan3A_106, %mul3A_107 : i32
      %mul3A_109 = arith.constant 16 : i32
      %mul3A_110 = arith.muli %mul3A_108, %mul3A_109 : i32
      %add3A_111 = vector.broadcast %mul3A_110 : i32 to vector<16xi32>
      %add3A_112 = arith.addi %add3A_111, %iota3A : vector<16xi32>
      %mul3A_113 = arith.constant 2 : i32
      %mul3A_114 = arith.muli %scan3A_106, %mul3A_113 : i32
      %mul3A_115 = arith.constant 16 : i32
      %mul3A_116 = arith.muli %mul3A_114, %mul3A_115 : i32
      %add3A_117 = arith.constant 16 : i32
      %add3A_118 = arith.addi %mul3A_116, %add3A_117 : i32
      %add3A_119 = vector.broadcast %add3A_118 : i32 to vector<16xi32>
      %add3A_120 = arith.addi %add3A_119, %iota3A : vector<16xi32>
      %add3A_121 = arith.constant 0 : i32
      %add3A_122 = vector.broadcast %add3A_121 : i32 to vector<16xi32>
      %add3A_123 = arith.addi %add3A_112, %add3A_122 : vector<16xi32>
      %add3A_124 = arith.constant 0 : i32
      %add3A_125 = vector.broadcast %add3A_124 : i32 to vector<16xi32>
      %add3A_126 = arith.addi %add3A_120, %add3A_125 : vector<16xi32>
      %gather3A = tpu.vector_load_idx %arg13[%add3A_123] : memref<1024xi32, #tpu.memory_space<vmem>>[vector<16xi32>], vector<16xi32>,
      %gather3A_127 = tpu.vector_load_idx %arg13[%add3A_126] : memref<1024xi32, #tpu.memory_space<vmem>>[vector<16xi32>], vector<16xi32>,
      %broadcast_in_dim3A = arith.constant 0.000000e+00 : f32
      %broadcast_in_dim3A_128 = vector.broadcast %broadcast_in_dim3A : f32 to vector<16xf32>
      %broadcast_in_dim3A_129 = arith.constant 0.000000e+00 : f32
      %broadcast_in_dim3A_130 = vector.broadcast %broadcast_in_dim3A_129 : f32 to vector<16xf32>
      %broadcast_in_dim3A_131 = arith.constant 0.000000e+00 : f32
      %broadcast_in_dim3A_132 = vector.broadcast %broadcast_in_dim3A_131 : f32 to vector<16xf32>
      %broadcast_in_dim3A_133 = arith.constant 0.000000e+00 : f32
      %broadcast_in_dim3A_134 = vector.broadcast %broadcast_in_dim3A_133 : f32 to vector<16xf32>
      %broadcast_in_dim3A_135 = arith.constant 0.000000e+00 : f32
      %broadcast_in_dim3A_136 = vector.broadcast %broadcast_in_dim3A_135 : f32 to vector<16xf32>
      %broadcast_in_dim3A_137 = arith.constant 0.000000e+00 : f32
      %broadcast_in_dim3A_138 = vector.broadcast %broadcast_in_dim3A_137 : f32 to vector<16xf32>
      %broadcast_in_dim3A_139 = arith.constant 0.000000e+00 : f32
      %broadcast_in_dim3A_140 = vector.broadcast %broadcast_in_dim3A_139 : f32 to vector<16xf32>
      %broadcast_in_dim3A_141 = arith.constant 0.000000e+00 : f32
      %broadcast_in_dim3A_142 = vector.broadcast %broadcast_in_dim3A_141 : f32 to vector<16xf32>
      %broadcast_in_dim3A_143 = arith.constant 0 : i32
      %broadcast_in_dim3A_144 = vector.broadcast %broadcast_in_dim3A_143 : i32 to vector<16xi32>
      %gather3A_145 = tpu.vector_load_idx %arg11[%broadcast_in_dim3A_144, %add3A_112] : memref<32x512xf32, #tpu.memory_space<vmem>>[vector<16xi32>, vector<16xi32>], vector<16xf32>,
      %gather3A_146 = tpu.vector_load_idx %arg9[%broadcast_in_dim3A_144, %gather3A] : memref<32x1024xf32, #tpu.memory_space<vmem>>[vector<16xi32>, vector<16xi32>], vector<16xf32>,
      %sub3A_147 = arith.subf %gather3A_145, %gather3A_146 : vector<16xf32>
      %mul3A_148 = arith.mulf %sub3A_147, %sub3A_147 : vector<16xf32>
      %add3A_149 = arith.addf %broadcast_in_dim3A_128, %mul3A_148 : vector<16xf32>
      %gather3A_150 = tpu.vector_load_idx %arg12[%broadcast_in_dim3A_144, %add3A_112] : memref<32x512xf32, #tpu.memory_space<vmem>>[vector<16xi32>, vector<16xi32>], vector<16xf32>,
      %gather3A_151 = tpu.vector_load_idx %arg10[%broadcast_in_dim3A_144, %gather3A] : memref<32x1024xf32, #tpu.memory_space<vmem>>[vector<16xi32>, vector<16xi32>], vector<16xf32>,
      %sub3A_152 = arith.subf %gather3A_150, %gather3A_151 : vector<16xf32>
      %mul3A_153 = arith.mulf %sub3A_152, %sub3A_152 : vector<16xf32>
      %add3A_154 = arith.addf %broadcast_in_dim3A_136, %mul3A_153 : vector<16xf32>
      %gather3A_155 = tpu.vector_load_idx %arg11[%broadcast_in_dim3A_144, %add3A_120] : memref<32x512xf32, #tpu.memory_space<vmem>>[vector<16xi32>, vector<16xi32>], vector<16xf32>,
      %gather3A_156 = tpu.vector_load_idx %arg9[%broadcast_in_dim3A_144, %gather3A_127] : memref<32x1024xf32, #tpu.memory_space<vmem>>[vector<16xi32>, vector<16xi32>], vector<16xf32>,
      %sub3A_157 = arith.subf %gather3A_155, %gather3A_156 : vector<16xf32>
      %mul3A_158 = arith.mulf %sub3A_157, %sub3A_157 : vector<16xf32>
      %add3A_159 = arith.addf %broadcast_in_dim3A_132, %mul3A_158 : vector<16xf32>
      %gather3A_160 = tpu.vector_load_idx %arg12[%broadcast_in_dim3A_144, %add3A_120] : memref<32x512xf32, #tpu.memory_space<vmem>>[vector<16xi32>, vector<16xi32>], vector<16xf32>,
      %gather3A_161 = tpu.vector_load_idx %arg10[%broadcast_in_dim3A_144, %gather3A_127] : memref<32x1024xf32, #tpu.memory_space<vmem>>[vector<16xi32>, vector<16xi32>], vector<16xf32>,
      %sub3A_162 = arith.subf %gather3A_160, %gather3A_161 : vector<16xf32>
      %mul3A_163 = arith.mulf %sub3A_162, %sub3A_162 : vector<16xf32>
      %add3A_164 = arith.addf %broadcast_in_dim3A_140, %mul3A_163 : vector<16xf32>
      %broadcast_in_dim3A_165 = arith.constant 1 : i32
      %broadcast_in_dim3A_166 = vector.broadcast %broadcast_in_dim3A_165 : i32 to vector<16xi32>
      %gather3A_167 = tpu.vector_load_idx %arg11[%broadcast_in_dim3A_166, %add3A_112] : memref<32x512xf32, #tpu.memory_space<vmem>>[vector<16xi32>, vector<16xi32>], vector<16xf32>,
      %gather3A_168 = tpu.vector_load_idx %arg9[%broadcast_in_dim3A_166, %gather3A] : memref<32x1024xf32, #tpu.memory_space<vmem>>[vector<16xi32>, vector<16xi32>], vector<16xf32>,
      %sub3A_169 = arith.subf %gather3A_167, %gather3A_168 : vector<16xf32>
      %mul3A_170 = arith.mulf %sub3A_169, %sub3A_169 : vector<16xf32>
      %add3A_171 = arith.addf %broadcast_in_dim3A_130, %mul3A_170 : vector<16xf32>
      %gather3A_172 = tpu.vector_load_idx %arg12[%broadcast_in_dim3A_166, %add3A_112] : memref<32x512xf32, #tpu.memory_space<vmem>>[vector<16xi32>, vector<16xi32>], vector<16xf32>,
      %gather3A_173 = tpu.vector_load_idx %arg10[%broadcast_in_dim3A_166, %gather3A] : memref<32x1024xf32, #tpu.memory_space<vmem>>[vector<16xi32>, vector<16xi32>], vector<16xf32>,
      %sub3A_174 = arith.subf %gather3A_172, %gather3A_173 : vector<16xf32>
      %mul3A_175 = arith.mulf %sub3A_174, %sub3A_174 : vector<16xf32>
      %add3A_176 = arith.addf %broadcast_in_dim3A_138, %mul3A_175 : vector<16xf32>
      %gather3A_177 = tpu.vector_load_idx %arg11[%broadcast_in_dim3A_166, %add3A_120] : memref<32x512xf32, #tpu.memory_space<vmem>>[vector<16xi32>, vector<16xi32>], vector<16xf32>,
      %gather3A_178 = tpu.vector_load_idx %arg9[%broadcast_in_dim3A_166, %gather3A_127] : memref<32x1024xf32, #tpu.memory_space<vmem>>[vector<16xi32>, vector<16xi32>], vector<16xf32>,
      %sub3A_179 = arith.subf %gather3A_177, %gather3A_178 : vector<16xf32>
      %mul3A_180 = arith.mulf %sub3A_179, %sub3A_179 : vector<16xf32>
      %add3A_181 = arith.addf %broadcast_in_dim3A_134, %mul3A_180 : vector<16xf32>
      %gather3A_182 = tpu.vector_load_idx %arg12[%broadcast_in_dim3A_166, %add3A_120] : memref<32x512xf32, #tpu.memory_space<vmem>>[vector<16xi32>, vector<16xi32>], vector<16xf32>,
      %gather3A_183 = tpu.vector_load_idx %arg10[%broadcast_in_dim3A_166, %gather3A_127] : memref<32x1024xf32, #tpu.memory_space<vmem>>[vector<16xi32>, vector<16xi32>], vector<16xf32>,
      %sub3A_184 = arith.subf %gather3A_182, %gather3A_183 : vector<16xf32>
      %mul3A_185 = arith.mulf %sub3A_184, %sub3A_184 : vector<16xf32>
      %add3A_186 = arith.addf %broadcast_in_dim3A_142, %mul3A_185 : vector<16xf32>
      %broadcast_in_dim3A_187 = arith.constant 2 : i32
      %broadcast_in_dim3A_188 = vector.broadcast %broadcast_in_dim3A_187 : i32 to vector<16xi32>
      %gather3A_189 = tpu.vector_load_idx %arg11[%broadcast_in_dim3A_188, %add3A_112] : memref<32x512xf32, #tpu.memory_space<vmem>>[vector<16xi32>, vector<16xi32>], vector<16xf32>,
      %gather3A_190 = tpu.vector_load_idx %arg9[%broadcast_in_dim3A_188, %gather3A] : memref<32x1024xf32, #tpu.memory_space<vmem>>[vector<16xi32>, vector<16xi32>], vector<16xf32>,
      %sub3A_191 = arith.subf %gather3A_189, %gather3A_190 : vector<16xf32>
      %mul3A_192 = arith.mulf %sub3A_191, %sub3A_191 : vector<16xf32>
      %add3A_193 = arith.addf %add3A_149, %mul3A_192 : vector<16xf32>
      %gather3A_194 = tpu.vector_load_idx %arg12[%broadcast_in_dim3A_188, %add3A_112] : memref<32x512xf32, #tpu.memory_space<vmem>>[vector<16xi32>, vector<16xi32>], vector<16xf32>,
      %gather3A_195 = tpu.vector_load_idx %arg10[%broadcast_in_dim3A_188, %gather3A] : memref<32x1024xf32, #tpu.memory_space<vmem>>[vector<16xi32>, vector<16xi32>], vector<16xf32>,
      %sub3A_196 = arith.subf %gather3A_194, %gather3A_195 : vector<16xf32>
      %mul3A_197 = arith.mulf %sub3A_196, %sub3A_196 : vector<16xf32>
      %add3A_198 = arith.addf %add3A_154, %mul3A_197 : vector<16xf32>
      %gather3A_199 = tpu.vector_load_idx %arg11[%broadcast_in_dim3A_188, %add3A_120] : memref<32x512xf32, #tpu.memory_space<vmem>>[vector<16xi32>, vector<16xi32>], vector<16xf32>,
      %gather3A_200 = tpu.vector_load_idx %arg9[%broadcast_in_dim3A_188, %gather3A_127] : memref<32x1024xf32, #tpu.memory_space<vmem>>[vector<16xi32>, vector<16xi32>], vector<16xf32>,
      %sub3A_201 = arith.subf %gather3A_199, %gather3A_200 : vector<16xf32>
      %mul3A_202 = arith.mulf %sub3A_201, %sub3A_201 : vector<16xf32>
      %add3A_203 = arith.addf %add3A_159, %mul3A_202 : vector<16xf32>
      %gather3A_204 = tpu.vector_load_idx %arg12[%broadcast_in_dim3A_188, %add3A_120] : memref<32x512xf32, #tpu.memory_space<vmem>>[vector<16xi32>, vector<16xi32>], vector<16xf32>,
      %gather3A_205 = tpu.vector_load_idx %arg10[%broadcast_in_dim3A_188, %gather3A_127] : memref<32x1024xf32, #tpu.memory_space<vmem>>[vector<16xi32>, vector<16xi32>], vector<16xf32>,
      %sub3A_206 = arith.subf %gather3A_204, %gather3A_205 : vector<16xf32>
      %mul3A_207 = arith.mulf %sub3A_206, %sub3A_206 : vector<16xf32>
      %add3A_208 = arith.addf %add3A_164, %mul3A_207 : vector<16xf32>
      %broadcast_in_dim3A_209 = arith.constant 3 : i32
      %broadcast_in_dim3A_210 = vector.broadcast %broadcast_in_dim3A_209 : i32 to vector<16xi32>
      %gather3A_211 = tpu.vector_load_idx %arg11[%broadcast_in_dim3A_210, %add3A_112] : memref<32x512xf32, #tpu.memory_space<vmem>>[vector<16xi32>, vector<16xi32>], vector<16xf32>,
      %gather3A_212 = tpu.vector_load_idx %arg9[%broadcast_in_dim3A_210, %gather3A] : memref<32x1024xf32, #tpu.memory_space<vmem>>[vector<16xi32>, vector<16xi32>], vector<16xf32>,
      %sub3A_213 = arith.subf %gather3A_211, %gather3A_212 : vector<16xf32>
      %mul3A_214 = arith.mulf %sub3A_213, %sub3A_213 : vector<16xf32>
      %add3A_215 = arith.addf %add3A_171, %mul3A_214 : vector<16xf32>
      %gather3A_216 = tpu.vector_load_idx %arg12[%broadcast_in_dim3A_210, %add3A_112] : memref<32x512xf32, #tpu.memory_space<vmem>>[vector<16xi32>, vector<16xi32>], vector<16xf32>,
      %gather3A_217 = tpu.vector_load_idx %arg10[%broadcast_in_dim3A_210, %gather3A] : memref<32x1024xf32, #tpu.memory_space<vmem>>[vector<16xi32>, vector<16xi32>], vector<16xf32>,
      %sub3A_218 = arith.subf %gather3A_216, %gather3A_217 : vector<16xf32>
      %mul3A_219 = arith.mulf %sub3A_218, %sub3A_218 : vector<16xf32>
      %add3A_220 = arith.addf %add3A_176, %mul3A_219 : vector<16xf32>
      %gather3A_221 = tpu.vector_load_idx %arg11[%broadcast_in_dim3A_210, %add3A_120] : memref<32x512xf32, #tpu.memory_space<vmem>>[vector<16xi32>, vector<16xi32>], vector<16xf32>,
      %gather3A_222 = tpu.vector_load_idx %arg9[%broadcast_in_dim3A_210, %gather3A_127] : memref<32x1024xf32, #tpu.memory_space<vmem>>[vector<16xi32>, vector<16xi32>], vector<16xf32>,
      %sub3A_223 = arith.subf %gather3A_221, %gather3A_222 : vector<16xf32>
      %mul3A_224 = arith.mulf %sub3A_223, %sub3A_223 : vector<16xf32>
      %add3A_225 = arith.addf %add3A_181, %mul3A_224 : vector<16xf32>
      %gather3A_226 = tpu.vector_load_idx %arg12[%broadcast_in_dim3A_210, %add3A_120] : memref<32x512xf32, #tpu.memory_space<vmem>>[vector<16xi32>, vector<16xi32>], vector<16xf32>,
      %gather3A_227 = tpu.vector_load_idx %arg10[%broadcast_in_dim3A_210, %gather3A_127] : memref<32x1024xf32, #tpu.memory_space<vmem>>[vector<16xi32>, vector<16xi32>], vector<16xf32>,
      %sub3A_228 = arith.subf %gather3A_226, %gather3A_227 : vector<16xf32>
      %mul3A_229 = arith.mulf %sub3A_228, %sub3A_228 : vector<16xf32>
      %add3A_230 = arith.addf %add3A_186, %mul3A_229 : vector<16xf32>
      %broadcast_in_dim3A_231 = arith.constant 4 : i32
      %broadcast_in_dim3A_232 = vector.broadcast %broadcast_in_dim3A_231 : i32 to vector<16xi32>
      %gather3A_233 = tpu.vector_load_idx %arg11[%broadcast_in_dim3A_232, %add3A_112] : memref<32x512xf32, #tpu.memory_space<vmem>>[vector<16xi32>, vector<16xi32>], vector<16xf32>,
      %gather3A_234 = tpu.vector_load_idx %arg9[%broadcast_in_dim3A_232, %gather3A] : memref<32x1024xf32, #tpu.memory_space<vmem>>[vector<16xi32>, vector<16xi32>], vector<16xf32>,
      %sub3A_235 = arith.subf %gather3A_233, %gather3A_234 : vector<16xf32>
      %mul3A_236 = arith.mulf %sub3A_235, %sub3A_235 : vector<16xf32>
      %add3A_237 = arith.addf %add3A_193, %mul3A_236 : vector<16xf32>
      %gather3A_238 = tpu.vector_load_idx %arg12[%broadcast_in_dim3A_232, %add3A_112] : memref<32x512xf32, #tpu.memory_space<vmem>>[vector<16xi32>, vector<16xi32>], vector<16xf32>,
      %gather3A_239 = tpu.vector_load_idx %arg10[%broadcast_in_dim3A_232, %gather3A] : memref<32x1024xf32, #tpu.memory_space<vmem>>[vector<16xi32>, vector<16xi32>], vector<16xf32>,
      %sub3A_240 = arith.subf %gather3A_238, %gather3A_239 : vector<16xf32>
      %mul3A_241 = arith.mulf %sub3A_240, %sub3A_240 : vector<16xf32>
      %add3A_242 = arith.addf %add3A_198, %mul3A_241 : vector<16xf32>
      %gather3A_243 = tpu.vector_load_idx %arg11[%broadcast_in_dim3A_232, %add3A_120] : memref<32x512xf32, #tpu.memory_space<vmem>>[vector<16xi32>, vector<16xi32>], vector<16xf32>,
      %gather3A_244 = tpu.vector_load_idx %arg9[%broadcast_in_dim3A_232, %gather3A_127] : memref<32x1024xf32, #tpu.memory_space<vmem>>[vector<16xi32>, vector<16xi32>], vector<16xf32>,
      %sub3A_245 = arith.subf %gather3A_243, %gather3A_244 : vector<16xf32>
      %mul3A_246 = arith.mulf %sub3A_245, %sub3A_245 : vector<16xf32>
      %add3A_247 = arith.addf %add3A_203, %mul3A_246 : vector<16xf32>
      %gather3A_248 = tpu.vector_load_idx %arg12[%broadcast_in_dim3A_232, %add3A_120] : memref<32x512xf32, #tpu.memory_space<vmem>>[vector<16xi32>, vector<16xi32>], vector<16xf32>,
      %gather3A_249 = tpu.vector_load_idx %arg10[%broadcast_in_dim3A_232, %gather3A_127] : memref<32x1024xf32, #tpu.memory_space<vmem>>[vector<16xi32>, vector<16xi32>], vector<16xf32>,
      %sub3A_250 = arith.subf %gather3A_248, %gather3A_249 : vector<16xf32>
      %mul3A_251 = arith.mulf %sub3A_250, %sub3A_250 : vector<16xf32>
      %add3A_252 = arith.addf %add3A_208, %mul3A_251 : vector<16xf32>
      %broadcast_in_dim3A_253 = arith.constant 5 : i32
      %broadcast_in_dim3A_254 = vector.broadcast %broadcast_in_dim3A_253 : i32 to vector<16xi32>
      %gather3A_255 = tpu.vector_load_idx %arg11[%broadcast_in_dim3A_254, %add3A_112] : memref<32x512xf32, #tpu.memory_space<vmem>>[vector<16xi32>, vector<16xi32>], vector<16xf32>,
      %gather3A_256 = tpu.vector_load_idx %arg9[%broadcast_in_dim3A_254, %gather3A] : memref<32x1024xf32, #tpu.memory_space<vmem>>[vector<16xi32>, vector<16xi32>], vector<16xf32>,
      %sub3A_257 = arith.subf %gather3A_255, %gather3A_256 : vector<16xf32>
      %mul3A_258 = arith.mulf %sub3A_257, %sub3A_257 : vector<16xf32>
      %add3A_259 = arith.addf %add3A_215, %mul3A_258 : vector<16xf32>
      %gather3A_260 = tpu.vector_load_idx %arg12[%broadcast_in_dim3A_254, %add3A_112] : memref<32x512xf32, #tpu.memory_space<vmem>>[vector<16xi32>, vector<16xi32>], vector<16xf32>,
      %gather3A_261 = tpu.vector_load_idx %arg10[%broadcast_in_dim3A_254, %gather3A] : memref<32x1024xf32, #tpu.memory_space<vmem>>[vector<16xi32>, vector<16xi32>], vector<16xf32>,
      %sub3A_262 = arith.subf %gather3A_260, %gather3A_261 : vector<16xf32>
      %mul3A_263 = arith.mulf %sub3A_262, %sub3A_262 : vector<16xf32>
      %add3A_264 = arith.addf %add3A_220, %mul3A_263 : vector<16xf32>
      %gather3A_265 = tpu.vector_load_idx %arg11[%broadcast_in_dim3A_254, %add3A_120] : memref<32x512xf32, #tpu.memory_space<vmem>>[vector<16xi32>, vector<16xi32>], vector<16xf32>,
      %gather3A_266 = tpu.vector_load_idx %arg9[%broadcast_in_dim3A_254, %gather3A_127] : memref<32x1024xf32, #tpu.memory_space<vmem>>[vector<16xi32>, vector<16xi32>], vector<16xf32>,
      %sub3A_267 = arith.subf %gather3A_265, %gather3A_266 : vector<16xf32>
      %mul3A_268 = arith.mulf %sub3A_267, %sub3A_267 : vector<16xf32>
      %add3A_269 = arith.addf %add3A_225, %mul3A_268 : vector<16xf32>
      %gather3A_270 = tpu.vector_load_idx %arg12[%broadcast_in_dim3A_254, %add3A_120] : memref<32x512xf32, #tpu.memory_space<vmem>>[vector<16xi32>, vector<16xi32>], vector<16xf32>,
      %gather3A_271 = tpu.vector_load_idx %arg10[%broadcast_in_dim3A_254, %gather3A_127] : memref<32x1024xf32, #tpu.memory_space<vmem>>[vector<16xi32>, vector<16xi32>], vector<16xf32>,
      %sub3A_272 = arith.subf %gather3A_270, %gather3A_271 : vector<16xf32>
      %mul3A_273 = arith.mulf %sub3A_272, %sub3A_272 : vector<16xf32>
      %add3A_274 = arith.addf %add3A_230, %mul3A_273 : vector<16xf32>
      %broadcast_in_dim3A_275 = arith.constant 6 : i32
      %broadcast_in_dim3A_276 = vector.broadcast %broadcast_in_dim3A_275 : i32 to vector<16xi32>
      %gather3A_277 = tpu.vector_load_idx %arg11[%broadcast_in_dim3A_276, %add3A_112] : memref<32x512xf32, #tpu.memory_space<vmem>>[vector<16xi32>, vector<16xi32>], vector<16xf32>,
      %gather3A_278 = tpu.vector_load_idx %arg9[%broadcast_in_dim3A_276, %gather3A] : memref<32x1024xf32, #tpu.memory_space<vmem>>[vector<16xi32>, vector<16xi32>], vector<16xf32>,
      %sub3A_279 = arith.subf %gather3A_277, %gather3A_278 : vector<16xf32>
      %mul3A_280 = arith.mulf %sub3A_279, %sub3A_279 : vector<16xf32>
      %add3A_281 = arith.addf %add3A_237, %mul3A_280 : vector<16xf32>
      %gather3A_282 = tpu.vector_load_idx %arg12[%broadcast_in_dim3A_276, %add3A_112] : memref<32x512xf32, #tpu.memory_space<vmem>>[vector<16xi32>, vector<16xi32>], vector<16xf32>,
      %gather3A_283 = tpu.vector_load_idx %arg10[%broadcast_in_dim3A_276, %gather3A] : memref<32x1024xf32, #tpu.memory_space<vmem>>[vector<16xi32>, vector<16xi32>], vector<16xf32>,
      %sub3A_284 = arith.subf %gather3A_282, %gather3A_283 : vector<16xf32>
      %mul3A_285 = arith.mulf %sub3A_284, %sub3A_284 : vector<16xf32>
      %add3A_286 = arith.addf %add3A_242, %mul3A_285 : vector<16xf32>
      %gather3A_287 = tpu.vector_load_idx %arg11[%broadcast_in_dim3A_276, %add3A_120] : memref<32x512xf32, #tpu.memory_space<vmem>>[vector<16xi32>, vector<16xi32>], vector<16xf32>,
      %gather3A_288 = tpu.vector_load_idx %arg9[%broadcast_in_dim3A_276, %gather3A_127] : memref<32x1024xf32, #tpu.memory_space<vmem>>[vector<16xi32>, vector<16xi32>], vector<16xf32>,
      %sub3A_289 = arith.subf %gather3A_287, %gather3A_288 : vector<16xf32>
      %mul3A_290 = arith.mulf %sub3A_289, %sub3A_289 : vector<16xf32>
      %add3A_291 = arith.addf %add3A_247, %mul3A_290 : vector<16xf32>
      %gather3A_292 = tpu.vector_load_idx %arg12[%broadcast_in_dim3A_276, %add3A_120] : memref<32x512xf32, #tpu.memory_space<vmem>>[vector<16xi32>, vector<16xi32>], vector<16xf32>,
      %gather3A_293 = tpu.vector_load_idx %arg10[%broadcast_in_dim3A_276, %gather3A_127] : memref<32x1024xf32, #tpu.memory_space<vmem>>[vector<16xi32>, vector<16xi32>], vector<16xf32>,
      %sub3A_294 = arith.subf %gather3A_292, %gather3A_293 : vector<16xf32>
      %mul3A_295 = arith.mulf %sub3A_294, %sub3A_294 : vector<16xf32>
      %add3A_296 = arith.addf %add3A_252, %mul3A_295 : vector<16xf32>
      %broadcast_in_dim3A_297 = arith.constant 7 : i32
      %broadcast_in_dim3A_298 = vector.broadcast %broadcast_in_dim3A_297 : i32 to vector<16xi32>
      %gather3A_299 = tpu.vector_load_idx %arg11[%broadcast_in_dim3A_298, %add3A_112] : memref<32x512xf32, #tpu.memory_space<vmem>>[vector<16xi32>, vector<16xi32>], vector<16xf32>,
      %gather3A_300 = tpu.vector_load_idx %arg9[%broadcast_in_dim3A_298, %gather3A] : memref<32x1024xf32, #tpu.memory_space<vmem>>[vector<16xi32>, vector<16xi32>], vector<16xf32>,
      %sub3A_301 = arith.subf %gather3A_299, %gather3A_300 : vector<16xf32>
      %mul3A_302 = arith.mulf %sub3A_301, %sub3A_301 : vector<16xf32>
      %add3A_303 = arith.addf %add3A_259, %mul3A_302 : vector<16xf32>
      %gather3A_304 = tpu.vector_load_idx %arg12[%broadcast_in_dim3A_298, %add3A_112] : memref<32x512xf32, #tpu.memory_space<vmem>>[vector<16xi32>, vector<16xi32>], vector<16xf32>,
      %gather3A_305 = tpu.vector_load_idx %arg10[%broadcast_in_dim3A_298, %gather3A] : memref<32x1024xf32, #tpu.memory_space<vmem>>[vector<16xi32>, vector<16xi32>], vector<16xf32>,
      %sub3A_306 = arith.subf %gather3A_304, %gather3A_305 : vector<16xf32>
      %mul3A_307 = arith.mulf %sub3A_306, %sub3A_306 : vector<16xf32>
      %add3A_308 = arith.addf %add3A_264, %mul3A_307 : vector<16xf32>
      %gather3A_309 = tpu.vector_load_idx %arg11[%broadcast_in_dim3A_298, %add3A_120] : memref<32x512xf32, #tpu.memory_space<vmem>>[vector<16xi32>, vector<16xi32>], vector<16xf32>,
      %gather3A_310 = tpu.vector_load_idx %arg9[%broadcast_in_dim3A_298, %gather3A_127] : memref<32x1024xf32, #tpu.memory_space<vmem>>[vector<16xi32>, vector<16xi32>], vector<16xf32>,
      %sub3A_311 = arith.subf %gather3A_309, %gather3A_310 : vector<16xf32>
      %mul3A_312 = arith.mulf %sub3A_311, %sub3A_311 : vector<16xf32>
      %add3A_313 = arith.addf %add3A_269, %mul3A_312 : vector<16xf32>
      %gather3A_314 = tpu.vector_load_idx %arg12[%broadcast_in_dim3A_298, %add3A_120] : memref<32x512xf32, #tpu.memory_space<vmem>>[vector<16xi32>, vector<16xi32>], vector<16xf32>,
      %gather3A_315 = tpu.vector_load_idx %arg10[%broadcast_in_dim3A_298, %gather3A_127] : memref<32x1024xf32, #tpu.memory_space<vmem>>[vector<16xi32>, vector<16xi32>], vector<16xf32>,
      %sub3A_316 = arith.subf %gather3A_314, %gather3A_315 : vector<16xf32>
      %mul3A_317 = arith.mulf %sub3A_316, %sub3A_316 : vector<16xf32>
      %add3A_318 = arith.addf %add3A_274, %mul3A_317 : vector<16xf32>
      %broadcast_in_dim3A_319 = arith.constant 8 : i32
      %broadcast_in_dim3A_320 = vector.broadcast %broadcast_in_dim3A_319 : i32 to vector<16xi32>
      %gather3A_321 = tpu.vector_load_idx %arg11[%broadcast_in_dim3A_320, %add3A_112] : memref<32x512xf32, #tpu.memory_space<vmem>>[vector<16xi32>, vector<16xi32>], vector<16xf32>,
      %gather3A_322 = tpu.vector_load_idx %arg9[%broadcast_in_dim3A_320, %gather3A] : memref<32x1024xf32, #tpu.memory_space<vmem>>[vector<16xi32>, vector<16xi32>], vector<16xf32>,
      %sub3A_323 = arith.subf %gather3A_321, %gather3A_322 : vector<16xf32>
      %mul3A_324 = arith.mulf %sub3A_323, %sub3A_323 : vector<16xf32>
      %add3A_325 = arith.addf %add3A_281, %mul3A_324 : vector<16xf32>
      %gather3A_326 = tpu.vector_load_idx %arg12[%broadcast_in_dim3A_320, %add3A_112] : memref<32x512xf32, #tpu.memory_space<vmem>>[vector<16xi32>, vector<16xi32>], vector<16xf32>,
      %gather3A_327 = tpu.vector_load_idx %arg10[%broadcast_in_dim3A_320, %gather3A] : memref<32x1024xf32, #tpu.memory_space<vmem>>[vector<16xi32>, vector<16xi32>], vector<16xf32>,
      %sub3A_328 = arith.subf %gather3A_326, %gather3A_327 : vector<16xf32>
      %mul3A_329 = arith.mulf %sub3A_328, %sub3A_328 : vector<16xf32>
      %add3A_330 = arith.addf %add3A_286, %mul3A_329 : vector<16xf32>
      %gather3A_331 = tpu.vector_load_idx %arg11[%broadcast_in_dim3A_320, %add3A_120] : memref<32x512xf32, #tpu.memory_space<vmem>>[vector<16xi32>, vector<16xi32>], vector<16xf32>,
      %gather3A_332 = tpu.vector_load_idx %arg9[%broadcast_in_dim3A_320, %gather3A_127] : memref<32x1024xf32, #tpu.memory_space<vmem>>[vector<16xi32>, vector<16xi32>], vector<16xf32>,
      %sub3A_333 = arith.subf %gather3A_331, %gather3A_332 : vector<16xf32>
      %mul3A_334 = arith.mulf %sub3A_333, %sub3A_333 : vector<16xf32>
      %add3A_335 = arith.addf %add3A_291, %mul3A_334 : vector<16xf32>
      %gather3A_336 = tpu.vector_load_idx %arg12[%broadcast_in_dim3A_320, %add3A_120] : memref<32x512xf32, #tpu.memory_space<vmem>>[vector<16xi32>, vector<16xi32>], vector<16xf32>,
      %gather3A_337 = tpu.vector_load_idx %arg10[%broadcast_in_dim3A_320, %gather3A_127] : memref<32x1024xf32, #tpu.memory_space<vmem>>[vector<16xi32>, vector<16xi32>], vector<16xf32>,
      %sub3A_338 = arith.subf %gather3A_336, %gather3A_337 : vector<16xf32>
      %mul3A_339 = arith.mulf %sub3A_338, %sub3A_338 : vector<16xf32>
      %add3A_340 = arith.addf %add3A_296, %mul3A_339 : vector<16xf32>
      %broadcast_in_dim3A_341 = arith.constant 9 : i32
      %broadcast_in_dim3A_342 = vector.broadcast %broadcast_in_dim3A_341 : i32 to vector<16xi32>
      %gather3A_343 = tpu.vector_load_idx %arg11[%broadcast_in_dim3A_342, %add3A_112] : memref<32x512xf32, #tpu.memory_space<vmem>>[vector<16xi32>, vector<16xi32>], vector<16xf32>,
      %gather3A_344 = tpu.vector_load_idx %arg9[%broadcast_in_dim3A_342, %gather3A] : memref<32x1024xf32, #tpu.memory_space<vmem>>[vector<16xi32>, vector<16xi32>], vector<16xf32>,
      %sub3A_345 = arith.subf %gather3A_343, %gather3A_344 : vector<16xf32>
      %mul3A_346 = arith.mulf %sub3A_345, %sub3A_345 : vector<16xf32>
      %add3A_347 = arith.addf %add3A_303, %mul3A_346 : vector<16xf32>
      %gather3A_348 = tpu.vector_load_idx %arg12[%broadcast_in_dim3A_342, %add3A_112] : memref<32x512xf32, #tpu.memory_space<vmem>>[vector<16xi32>, vector<16xi32>], vector<16xf32>,
      %gather3A_349 = tpu.vector_load_idx %arg10[%broadcast_in_dim3A_342, %gather3A] : memref<32x1024xf32, #tpu.memory_space<vmem>>[vector<16xi32>, vector<16xi32>], vector<16xf32>,
      %sub3A_350 = arith.subf %gather3A_348, %gather3A_349 : vector<16xf32>
      %mul3A_351 = arith.mulf %sub3A_350, %sub3A_350 : vector<16xf32>
      %add3A_352 = arith.addf %add3A_308, %mul3A_351 : vector<16xf32>
      %gather3A_353 = tpu.vector_load_idx %arg11[%broadcast_in_dim3A_342, %add3A_120] : memref<32x512xf32, #tpu.memory_space<vmem>>[vector<16xi32>, vector<16xi32>], vector<16xf32>,
      %gather3A_354 = tpu.vector_load_idx %arg9[%broadcast_in_dim3A_342, %gather3A_127] : memref<32x1024xf32, #tpu.memory_space<vmem>>[vector<16xi32>, vector<16xi32>], vector<16xf32>,
      %sub3A_355 = arith.subf %gather3A_353, %gather3A_354 : vector<16xf32>
      %mul3A_356 = arith.mulf %sub3A_355, %sub3A_355 : vector<16xf32>
      %add3A_357 = arith.addf %add3A_313, %mul3A_356 : vector<16xf32>
      %gather3A_358 = tpu.vector_load_idx %arg12[%broadcast_in_dim3A_342, %add3A_120] : memref<32x512xf32, #tpu.memory_space<vmem>>[vector<16xi32>, vector<16xi32>], vector<16xf32>,
      %gather3A_359 = tpu.vector_load_idx %arg10[%broadcast_in_dim3A_342, %gather3A_127] : memref<32x1024xf32, #tpu.memory_space<vmem>>[vector<16xi32>, vector<16xi32>], vector<16xf32>,
      %sub3A_360 = arith.subf %gather3A_358, %gather3A_359 : vector<16xf32>
      %mul3A_361 = arith.mulf %sub3A_360, %sub3A_360 : vector<16xf32>
      %add3A_362 = arith.addf %add3A_318, %mul3A_361 : vector<16xf32>
      %broadcast_in_dim3A_363 = arith.constant 10 : i32
      %broadcast_in_dim3A_364 = vector.broadcast %broadcast_in_dim3A_363 : i32 to vector<16xi32>
      %gather3A_365 = tpu.vector_load_idx %arg11[%broadcast_in_dim3A_364, %add3A_112] : memref<32x512xf32, #tpu.memory_space<vmem>>[vector<16xi32>, vector<16xi32>], vector<16xf32>,
      %gather3A_366 = tpu.vector_load_idx %arg9[%broadcast_in_dim3A_364, %gather3A] : memref<32x1024xf32, #tpu.memory_space<vmem>>[vector<16xi32>, vector<16xi32>], vector<16xf32>,
      %sub3A_367 = arith.subf %gather3A_365, %gather3A_366 : vector<16xf32>
      %mul3A_368 = arith.mulf %sub3A_367, %sub3A_367 : vector<16xf32>
      %add3A_369 = arith.addf %add3A_325, %mul3A_368 : vector<16xf32>
      %gather3A_370 = tpu.vector_load_idx %arg12[%broadcast_in_dim3A_364, %add3A_112] : memref<32x512xf32, #tpu.memory_space<vmem>>[vector<16xi32>, vector<16xi32>], vector<16xf32>,
      %gather3A_371 = tpu.vector_load_idx %arg10[%broadcast_in_dim3A_364, %gather3A] : memref<32x1024xf32, #tpu.memory_space<vmem>>[vector<16xi32>, vector<16xi32>], vector<16xf32>,
      %sub3A_372 = arith.subf %gather3A_370, %gather3A_371 : vector<16xf32>
      %mul3A_373 = arith.mulf %sub3A_372, %sub3A_372 : vector<16xf32>
      %add3A_374 = arith.addf %add3A_330, %mul3A_373 : vector<16xf32>
      %gather3A_375 = tpu.vector_load_idx %arg11[%broadcast_in_dim3A_364, %add3A_120] : memref<32x512xf32, #tpu.memory_space<vmem>>[vector<16xi32>, vector<16xi32>], vector<16xf32>,
      %gather3A_376 = tpu.vector_load_idx %arg9[%broadcast_in_dim3A_364, %gather3A_127] : memref<32x1024xf32, #tpu.memory_space<vmem>>[vector<16xi32>, vector<16xi32>], vector<16xf32>,
      %sub3A_377 = arith.subf %gather3A_375, %gather3A_376 : vector<16xf32>
      %mul3A_378 = arith.mulf %sub3A_377, %sub3A_377 : vector<16xf32>
      %add3A_379 = arith.addf %add3A_335, %mul3A_378 : vector<16xf32>
      %gather3A_380 = tpu.vector_load_idx %arg12[%broadcast_in_dim3A_364, %add3A_120] : memref<32x512xf32, #tpu.memory_space<vmem>>[vector<16xi32>, vector<16xi32>], vector<16xf32>,
      %gather3A_381 = tpu.vector_load_idx %arg10[%broadcast_in_dim3A_364, %gather3A_127] : memref<32x1024xf32, #tpu.memory_space<vmem>>[vector<16xi32>, vector<16xi32>], vector<16xf32>,
      %sub3A_382 = arith.subf %gather3A_380, %gather3A_381 : vector<16xf32>
      %mul3A_383 = arith.mulf %sub3A_382, %sub3A_382 : vector<16xf32>
      %add3A_384 = arith.addf %add3A_340, %mul3A_383 : vector<16xf32>
      %broadcast_in_dim3A_385 = arith.constant 11 : i32
      %broadcast_in_dim3A_386 = vector.broadcast %broadcast_in_dim3A_385 : i32 to vector<16xi32>
      %gather3A_387 = tpu.vector_load_idx %arg11[%broadcast_in_dim3A_386, %add3A_112] : memref<32x512xf32, #tpu.memory_space<vmem>>[vector<16xi32>, vector<16xi32>], vector<16xf32>,
      %gather3A_388 = tpu.vector_load_idx %arg9[%broadcast_in_dim3A_386, %gather3A] : memref<32x1024xf32, #tpu.memory_space<vmem>>[vector<16xi32>, vector<16xi32>], vector<16xf32>,
      %sub3A_389 = arith.subf %gather3A_387, %gather3A_388 : vector<16xf32>
      %mul3A_390 = arith.mulf %sub3A_389, %sub3A_389 : vector<16xf32>
      %add3A_391 = arith.addf %add3A_347, %mul3A_390 : vector<16xf32>
      %gather3A_392 = tpu.vector_load_idx %arg12[%broadcast_in_dim3A_386, %add3A_112] : memref<32x512xf32, #tpu.memory_space<vmem>>[vector<16xi32>, vector<16xi32>], vector<16xf32>,
      %gather3A_393 = tpu.vector_load_idx %arg10[%broadcast_in_dim3A_386, %gather3A] : memref<32x1024xf32, #tpu.memory_space<vmem>>[vector<16xi32>, vector<16xi32>], vector<16xf32>,
      %sub3A_394 = arith.subf %gather3A_392, %gather3A_393 : vector<16xf32>
      %mul3A_395 = arith.mulf %sub3A_394, %sub3A_394 : vector<16xf32>
      %add3A_396 = arith.addf %add3A_352, %mul3A_395 : vector<16xf32>
      %gather3A_397 = tpu.vector_load_idx %arg11[%broadcast_in_dim3A_386, %add3A_120] : memref<32x512xf32, #tpu.memory_space<vmem>>[vector<16xi32>, vector<16xi32>], vector<16xf32>,
      %gather3A_398 = tpu.vector_load_idx %arg9[%broadcast_in_dim3A_386, %gather3A_127] : memref<32x1024xf32, #tpu.memory_space<vmem>>[vector<16xi32>, vector<16xi32>], vector<16xf32>,
      %sub3A_399 = arith.subf %gather3A_397, %gather3A_398 : vector<16xf32>
      %mul3A_400 = arith.mulf %sub3A_399, %sub3A_399 : vector<16xf32>
      %add3A_401 = arith.addf %add3A_357, %mul3A_400 : vector<16xf32>
      %gather3A_402 = tpu.vector_load_idx %arg12[%broadcast_in_dim3A_386, %add3A_120] : memref<32x512xf32, #tpu.memory_space<vmem>>[vector<16xi32>, vector<16xi32>], vector<16xf32>,
      %gather3A_403 = tpu.vector_load_idx %arg10[%broadcast_in_dim3A_386, %gather3A_127] : memref<32x1024xf32, #tpu.memory_space<vmem>>[vector<16xi32>, vector<16xi32>], vector<16xf32>,
      %sub3A_404 = arith.subf %gather3A_402, %gather3A_403 : vector<16xf32>
      %mul3A_405 = arith.mulf %sub3A_404, %sub3A_404 : vector<16xf32>
      %add3A_406 = arith.addf %add3A_362, %mul3A_405 : vector<16xf32>
      %broadcast_in_dim3A_407 = arith.constant 12 : i32
      %broadcast_in_dim3A_408 = vector.broadcast %broadcast_in_dim3A_407 : i32 to vector<16xi32>
      %gather3A_409 = tpu.vector_load_idx %arg11[%broadcast_in_dim3A_408, %add3A_112] : memref<32x512xf32, #tpu.memory_space<vmem>>[vector<16xi32>, vector<16xi32>], vector<16xf32>,
      %gather3A_410 = tpu.vector_load_idx %arg9[%broadcast_in_dim3A_408, %gather3A] : memref<32x1024xf32, #tpu.memory_space<vmem>>[vector<16xi32>, vector<16xi32>], vector<16xf32>,
      %sub3A_411 = arith.subf %gather3A_409, %gather3A_410 : vector<16xf32>
      %mul3A_412 = arith.mulf %sub3A_411, %sub3A_411 : vector<16xf32>
      %add3A_413 = arith.addf %add3A_369, %mul3A_412 : vector<16xf32>
      %gather3A_414 = tpu.vector_load_idx %arg12[%broadcast_in_dim3A_408, %add3A_112] : memref<32x512xf32, #tpu.memory_space<vmem>>[vector<16xi32>, vector<16xi32>], vector<16xf32>,
      %gather3A_415 = tpu.vector_load_idx %arg10[%broadcast_in_dim3A_408, %gather3A] : memref<32x1024xf32, #tpu.memory_space<vmem>>[vector<16xi32>, vector<16xi32>], vector<16xf32>,
      %sub3A_416 = arith.subf %gather3A_414, %gather3A_415 : vector<16xf32>
      %mul3A_417 = arith.mulf %sub3A_416, %sub3A_416 : vector<16xf32>
      %add3A_418 = arith.addf %add3A_374, %mul3A_417 : vector<16xf32>
      %gather3A_419 = tpu.vector_load_idx %arg11[%broadcast_in_dim3A_408, %add3A_120] : memref<32x512xf32, #tpu.memory_space<vmem>>[vector<16xi32>, vector<16xi32>], vector<16xf32>,
      %gather3A_420 = tpu.vector_load_idx %arg9[%broadcast_in_dim3A_408, %gather3A_127] : memref<32x1024xf32, #tpu.memory_space<vmem>>[vector<16xi32>, vector<16xi32>], vector<16xf32>,
      %sub3A_421 = arith.subf %gather3A_419, %gather3A_420 : vector<16xf32>
      %mul3A_422 = arith.mulf %sub3A_421, %sub3A_421 : vector<16xf32>
      %add3A_423 = arith.addf %add3A_379, %mul3A_422 : vector<16xf32>
      %gather3A_424 = tpu.vector_load_idx %arg12[%broadcast_in_dim3A_408, %add3A_120] : memref<32x512xf32, #tpu.memory_space<vmem>>[vector<16xi32>, vector<16xi32>], vector<16xf32>,
      %gather3A_425 = tpu.vector_load_idx %arg10[%broadcast_in_dim3A_408, %gather3A_127] : memref<32x1024xf32, #tpu.memory_space<vmem>>[vector<16xi32>, vector<16xi32>], vector<16xf32>,
      %sub3A_426 = arith.subf %gather3A_424, %gather3A_425 : vector<16xf32>
      %mul3A_427 = arith.mulf %sub3A_426, %sub3A_426 : vector<16xf32>
      %add3A_428 = arith.addf %add3A_384, %mul3A_427 : vector<16xf32>
      %broadcast_in_dim3A_429 = arith.constant 13 : i32
      %broadcast_in_dim3A_430 = vector.broadcast %broadcast_in_dim3A_429 : i32 to vector<16xi32>
      %gather3A_431 = tpu.vector_load_idx %arg11[%broadcast_in_dim3A_430, %add3A_112] : memref<32x512xf32, #tpu.memory_space<vmem>>[vector<16xi32>, vector<16xi32>], vector<16xf32>,
      %gather3A_432 = tpu.vector_load_idx %arg9[%broadcast_in_dim3A_430, %gather3A] : memref<32x1024xf32, #tpu.memory_space<vmem>>[vector<16xi32>, vector<16xi32>], vector<16xf32>,
      %sub3A_433 = arith.subf %gather3A_431, %gather3A_432 : vector<16xf32>
      %mul3A_434 = arith.mulf %sub3A_433, %sub3A_433 : vector<16xf32>
      %add3A_435 = arith.addf %add3A_391, %mul3A_434 : vector<16xf32>
      %gather3A_436 = tpu.vector_load_idx %arg12[%broadcast_in_dim3A_430, %add3A_112] : memref<32x512xf32, #tpu.memory_space<vmem>>[vector<16xi32>, vector<16xi32>], vector<16xf32>,
      %gather3A_437 = tpu.vector_load_idx %arg10[%broadcast_in_dim3A_430, %gather3A] : memref<32x1024xf32, #tpu.memory_space<vmem>>[vector<16xi32>, vector<16xi32>], vector<16xf32>,
      %sub3A_438 = arith.subf %gather3A_436, %gather3A_437 : vector<16xf32>
      %mul3A_439 = arith.mulf %sub3A_438, %sub3A_438 : vector<16xf32>
      %add3A_440 = arith.addf %add3A_396, %mul3A_439 : vector<16xf32>
      %gather3A_441 = tpu.vector_load_idx %arg11[%broadcast_in_dim3A_430, %add3A_120] : memref<32x512xf32, #tpu.memory_space<vmem>>[vector<16xi32>, vector<16xi32>], vector<16xf32>,
      %gather3A_442 = tpu.vector_load_idx %arg9[%broadcast_in_dim3A_430, %gather3A_127] : memref<32x1024xf32, #tpu.memory_space<vmem>>[vector<16xi32>, vector<16xi32>], vector<16xf32>,
      %sub3A_443 = arith.subf %gather3A_441, %gather3A_442 : vector<16xf32>
      %mul3A_444 = arith.mulf %sub3A_443, %sub3A_443 : vector<16xf32>
      %add3A_445 = arith.addf %add3A_401, %mul3A_444 : vector<16xf32>
      %gather3A_446 = tpu.vector_load_idx %arg12[%broadcast_in_dim3A_430, %add3A_120] : memref<32x512xf32, #tpu.memory_space<vmem>>[vector<16xi32>, vector<16xi32>], vector<16xf32>,
      %gather3A_447 = tpu.vector_load_idx %arg10[%broadcast_in_dim3A_430, %gather3A_127] : memref<32x1024xf32, #tpu.memory_space<vmem>>[vector<16xi32>, vector<16xi32>], vector<16xf32>,
      %sub3A_448 = arith.subf %gather3A_446, %gather3A_447 : vector<16xf32>
      %mul3A_449 = arith.mulf %sub3A_448, %sub3A_448 : vector<16xf32>
      %add3A_450 = arith.addf %add3A_406, %mul3A_449 : vector<16xf32>
      %broadcast_in_dim3A_451 = arith.constant 14 : i32
      %broadcast_in_dim3A_452 = vector.broadcast %broadcast_in_dim3A_451 : i32 to vector<16xi32>
      %gather3A_453 = tpu.vector_load_idx %arg11[%broadcast_in_dim3A_452, %add3A_112] : memref<32x512xf32, #tpu.memory_space<vmem>>[vector<16xi32>, vector<16xi32>], vector<16xf32>,
      %gather3A_454 = tpu.vector_load_idx %arg9[%broadcast_in_dim3A_452, %gather3A] : memref<32x1024xf32, #tpu.memory_space<vmem>>[vector<16xi32>, vector<16xi32>], vector<16xf32>,
      %sub3A_455 = arith.subf %gather3A_453, %gather3A_454 : vector<16xf32>
      %mul3A_456 = arith.mulf %sub3A_455, %sub3A_455 : vector<16xf32>
      %add3A_457 = arith.addf %add3A_413, %mul3A_456 : vector<16xf32>
      %gather3A_458 = tpu.vector_load_idx %arg12[%broadcast_in_dim3A_452, %add3A_112] : memref<32x512xf32, #tpu.memory_space<vmem>>[vector<16xi32>, vector<16xi32>], vector<16xf32>,
      %gather3A_459 = tpu.vector_load_idx %arg10[%broadcast_in_dim3A_452, %gather3A] : memref<32x1024xf32, #tpu.memory_space<vmem>>[vector<16xi32>, vector<16xi32>], vector<16xf32>,
      %sub3A_460 = arith.subf %gather3A_458, %gather3A_459 : vector<16xf32>
      %mul3A_461 = arith.mulf %sub3A_460, %sub3A_460 : vector<16xf32>
      %add3A_462 = arith.addf %add3A_418, %mul3A_461 : vector<16xf32>
      %gather3A_463 = tpu.vector_load_idx %arg11[%broadcast_in_dim3A_452, %add3A_120] : memref<32x512xf32, #tpu.memory_space<vmem>>[vector<16xi32>, vector<16xi32>], vector<16xf32>,
      %gather3A_464 = tpu.vector_load_idx %arg9[%broadcast_in_dim3A_452, %gather3A_127] : memref<32x1024xf32, #tpu.memory_space<vmem>>[vector<16xi32>, vector<16xi32>], vector<16xf32>,
      %sub3A_465 = arith.subf %gather3A_463, %gather3A_464 : vector<16xf32>
      %mul3A_466 = arith.mulf %sub3A_465, %sub3A_465 : vector<16xf32>
      %add3A_467 = arith.addf %add3A_423, %mul3A_466 : vector<16xf32>
      %gather3A_468 = tpu.vector_load_idx %arg12[%broadcast_in_dim3A_452, %add3A_120] : memref<32x512xf32, #tpu.memory_space<vmem>>[vector<16xi32>, vector<16xi32>], vector<16xf32>,
      %gather3A_469 = tpu.vector_load_idx %arg10[%broadcast_in_dim3A_452, %gather3A_127] : memref<32x1024xf32, #tpu.memory_space<vmem>>[vector<16xi32>, vector<16xi32>], vector<16xf32>,
      %sub3A_470 = arith.subf %gather3A_468, %gather3A_469 : vector<16xf32>
      %mul3A_471 = arith.mulf %sub3A_470, %sub3A_470 : vector<16xf32>
      %add3A_472 = arith.addf %add3A_428, %mul3A_471 : vector<16xf32>
      %broadcast_in_dim3A_473 = arith.constant 15 : i32
      %broadcast_in_dim3A_474 = vector.broadcast %broadcast_in_dim3A_473 : i32 to vector<16xi32>
      %gather3A_475 = tpu.vector_load_idx %arg11[%broadcast_in_dim3A_474, %add3A_112] : memref<32x512xf32, #tpu.memory_space<vmem>>[vector<16xi32>, vector<16xi32>], vector<16xf32>,
      %gather3A_476 = tpu.vector_load_idx %arg9[%broadcast_in_dim3A_474, %gather3A] : memref<32x1024xf32, #tpu.memory_space<vmem>>[vector<16xi32>, vector<16xi32>], vector<16xf32>,
      %sub3A_477 = arith.subf %gather3A_475, %gather3A_476 : vector<16xf32>
      %mul3A_478 = arith.mulf %sub3A_477, %sub3A_477 : vector<16xf32>
      %add3A_479 = arith.addf %add3A_435, %mul3A_478 : vector<16xf32>
      %gather3A_480 = tpu.vector_load_idx %arg12[%broadcast_in_dim3A_474, %add3A_112] : memref<32x512xf32, #tpu.memory_space<vmem>>[vector<16xi32>, vector<16xi32>], vector<16xf32>,
      %gather3A_481 = tpu.vector_load_idx %arg10[%broadcast_in_dim3A_474, %gather3A] : memref<32x1024xf32, #tpu.memory_space<vmem>>[vector<16xi32>, vector<16xi32>], vector<16xf32>,
      %sub3A_482 = arith.subf %gather3A_480, %gather3A_481 : vector<16xf32>
      %mul3A_483 = arith.mulf %sub3A_482, %sub3A_482 : vector<16xf32>
      %add3A_484 = arith.addf %add3A_440, %mul3A_483 : vector<16xf32>
      %gather3A_485 = tpu.vector_load_idx %arg11[%broadcast_in_dim3A_474, %add3A_120] : memref<32x512xf32, #tpu.memory_space<vmem>>[vector<16xi32>, vector<16xi32>], vector<16xf32>,
      %gather3A_486 = tpu.vector_load_idx %arg9[%broadcast_in_dim3A_474, %gather3A_127] : memref<32x1024xf32, #tpu.memory_space<vmem>>[vector<16xi32>, vector<16xi32>], vector<16xf32>,
      %sub3A_487 = arith.subf %gather3A_485, %gather3A_486 : vector<16xf32>
      %mul3A_488 = arith.mulf %sub3A_487, %sub3A_487 : vector<16xf32>
      %add3A_489 = arith.addf %add3A_445, %mul3A_488 : vector<16xf32>
      %gather3A_490 = tpu.vector_load_idx %arg12[%broadcast_in_dim3A_474, %add3A_120] : memref<32x512xf32, #tpu.memory_space<vmem>>[vector<16xi32>, vector<16xi32>], vector<16xf32>,
      %gather3A_491 = tpu.vector_load_idx %arg10[%broadcast_in_dim3A_474, %gather3A_127] : memref<32x1024xf32, #tpu.memory_space<vmem>>[vector<16xi32>, vector<16xi32>], vector<16xf32>,
      %sub3A_492 = arith.subf %gather3A_490, %gather3A_491 : vector<16xf32>
      %mul3A_493 = arith.mulf %sub3A_492, %sub3A_492 : vector<16xf32>
      %add3A_494 = arith.addf %add3A_450, %mul3A_493 : vector<16xf32>
      %broadcast_in_dim3A_495 = arith.constant 16 : i32
      %broadcast_in_dim3A_496 = vector.broadcast %broadcast_in_dim3A_495 : i32 to vector<16xi32>
      %gather3A_497 = tpu.vector_load_idx %arg11[%broadcast_in_dim3A_496, %add3A_112] : memref<32x512xf32, #tpu.memory_space<vmem>>[vector<16xi32>, vector<16xi32>], vector<16xf32>,
      %gather3A_498 = tpu.vector_load_idx %arg9[%broadcast_in_dim3A_496, %gather3A] : memref<32x1024xf32, #tpu.memory_space<vmem>>[vector<16xi32>, vector<16xi32>], vector<16xf32>,
      %sub3A_499 = arith.subf %gather3A_497, %gather3A_498 : vector<16xf32>
      %mul3A_500 = arith.mulf %sub3A_499, %sub3A_499 : vector<16xf32>
      %add3A_501 = arith.addf %add3A_457, %mul3A_500 : vector<16xf32>
      %gather3A_502 = tpu.vector_load_idx %arg12[%broadcast_in_dim3A_496, %add3A_112] : memref<32x512xf32, #tpu.memory_space<vmem>>[vector<16xi32>, vector<16xi32>], vector<16xf32>,
      %gather3A_503 = tpu.vector_load_idx %arg10[%broadcast_in_dim3A_496, %gather3A] : memref<32x1024xf32, #tpu.memory_space<vmem>>[vector<16xi32>, vector<16xi32>], vector<16xf32>,
      %sub3A_504 = arith.subf %gather3A_502, %gather3A_503 : vector<16xf32>
      %mul3A_505 = arith.mulf %sub3A_504, %sub3A_504 : vector<16xf32>
      %add3A_506 = arith.addf %add3A_462, %mul3A_505 : vector<16xf32>
      %gather3A_507 = tpu.vector_load_idx %arg11[%broadcast_in_dim3A_496, %add3A_120] : memref<32x512xf32, #tpu.memory_space<vmem>>[vector<16xi32>, vector<16xi32>], vector<16xf32>,
      %gather3A_508 = tpu.vector_load_idx %arg9[%broadcast_in_dim3A_496, %gather3A_127] : memref<32x1024xf32, #tpu.memory_space<vmem>>[vector<16xi32>, vector<16xi32>], vector<16xf32>,
      %sub3A_509 = arith.subf %gather3A_507, %gather3A_508 : vector<16xf32>
      %mul3A_510 = arith.mulf %sub3A_509, %sub3A_509 : vector<16xf32>
      %add3A_511 = arith.addf %add3A_467, %mul3A_510 : vector<16xf32>
      %gather3A_512 = tpu.vector_load_idx %arg12[%broadcast_in_dim3A_496, %add3A_120] : memref<32x512xf32, #tpu.memory_space<vmem>>[vector<16xi32>, vector<16xi32>], vector<16xf32>,
      %gather3A_513 = tpu.vector_load_idx %arg10[%broadcast_in_dim3A_496, %gather3A_127] : memref<32x1024xf32, #tpu.memory_space<vmem>>[vector<16xi32>, vector<16xi32>], vector<16xf32>,
      %sub3A_514 = arith.subf %gather3A_512, %gather3A_513 : vector<16xf32>
      %mul3A_515 = arith.mulf %sub3A_514, %sub3A_514 : vector<16xf32>
      %add3A_516 = arith.addf %add3A_472, %mul3A_515 : vector<16xf32>
      %broadcast_in_dim3A_517 = arith.constant 17 : i32
      %broadcast_in_dim3A_518 = vector.broadcast %broadcast_in_dim3A_517 : i32 to vector<16xi32>
      %gather3A_519 = tpu.vector_load_idx %arg11[%broadcast_in_dim3A_518, %add3A_112] : memref<32x512xf32, #tpu.memory_space<vmem>>[vector<16xi32>, vector<16xi32>], vector<16xf32>,
      %gather3A_520 = tpu.vector_load_idx %arg9[%broadcast_in_dim3A_518, %gather3A] : memref<32x1024xf32, #tpu.memory_space<vmem>>[vector<16xi32>, vector<16xi32>], vector<16xf32>,
      %sub3A_521 = arith.subf %gather3A_519, %gather3A_520 : vector<16xf32>
      %mul3A_522 = arith.mulf %sub3A_521, %sub3A_521 : vector<16xf32>
      %add3A_523 = arith.addf %add3A_479, %mul3A_522 : vector<16xf32>
      %gather3A_524 = tpu.vector_load_idx %arg12[%broadcast_in_dim3A_518, %add3A_112] : memref<32x512xf32, #tpu.memory_space<vmem>>[vector<16xi32>, vector<16xi32>], vector<16xf32>,
      %gather3A_525 = tpu.vector_load_idx %arg10[%broadcast_in_dim3A_518, %gather3A] : memref<32x1024xf32, #tpu.memory_space<vmem>>[vector<16xi32>, vector<16xi32>], vector<16xf32>,
      %sub3A_526 = arith.subf %gather3A_524, %gather3A_525 : vector<16xf32>
      %mul3A_527 = arith.mulf %sub3A_526, %sub3A_526 : vector<16xf32>
      %add3A_528 = arith.addf %add3A_484, %mul3A_527 : vector<16xf32>
      %gather3A_529 = tpu.vector_load_idx %arg11[%broadcast_in_dim3A_518, %add3A_120] : memref<32x512xf32, #tpu.memory_space<vmem>>[vector<16xi32>, vector<16xi32>], vector<16xf32>,
      %gather3A_530 = tpu.vector_load_idx %arg9[%broadcast_in_dim3A_518, %gather3A_127] : memref<32x1024xf32, #tpu.memory_space<vmem>>[vector<16xi32>, vector<16xi32>], vector<16xf32>,
      %sub3A_531 = arith.subf %gather3A_529, %gather3A_530 : vector<16xf32>
      %mul3A_532 = arith.mulf %sub3A_531, %sub3A_531 : vector<16xf32>
      %add3A_533 = arith.addf %add3A_489, %mul3A_532 : vector<16xf32>
      %gather3A_534 = tpu.vector_load_idx %arg12[%broadcast_in_dim3A_518, %add3A_120] : memref<32x512xf32, #tpu.memory_space<vmem>>[vector<16xi32>, vector<16xi32>], vector<16xf32>,
      %gather3A_535 = tpu.vector_load_idx %arg10[%broadcast_in_dim3A_518, %gather3A_127] : memref<32x1024xf32, #tpu.memory_space<vmem>>[vector<16xi32>, vector<16xi32>], vector<16xf32>,
      %sub3A_536 = arith.subf %gather3A_534, %gather3A_535 : vector<16xf32>
      %mul3A_537 = arith.mulf %sub3A_536, %sub3A_536 : vector<16xf32>
      %add3A_538 = arith.addf %add3A_494, %mul3A_537 : vector<16xf32>
      %broadcast_in_dim3A_539 = arith.constant 18 : i32
      %broadcast_in_dim3A_540 = vector.broadcast %broadcast_in_dim3A_539 : i32 to vector<16xi32>
      %gather3A_541 = tpu.vector_load_idx %arg11[%broadcast_in_dim3A_540, %add3A_112] : memref<32x512xf32, #tpu.memory_space<vmem>>[vector<16xi32>, vector<16xi32>], vector<16xf32>,
      %gather3A_542 = tpu.vector_load_idx %arg9[%broadcast_in_dim3A_540, %gather3A] : memref<32x1024xf32, #tpu.memory_space<vmem>>[vector<16xi32>, vector<16xi32>], vector<16xf32>,
      %sub3A_543 = arith.subf %gather3A_541, %gather3A_542 : vector<16xf32>
      %mul3A_544 = arith.mulf %sub3A_543, %sub3A_543 : vector<16xf32>
      %add3A_545 = arith.addf %add3A_501, %mul3A_544 : vector<16xf32>
      %gather3A_546 = tpu.vector_load_idx %arg12[%broadcast_in_dim3A_540, %add3A_112] : memref<32x512xf32, #tpu.memory_space<vmem>>[vector<16xi32>, vector<16xi32>], vector<16xf32>,
      %gather3A_547 = tpu.vector_load_idx %arg10[%broadcast_in_dim3A_540, %gather3A] : memref<32x1024xf32, #tpu.memory_space<vmem>>[vector<16xi32>, vector<16xi32>], vector<16xf32>,
      %sub3A_548 = arith.subf %gather3A_546, %gather3A_547 : vector<16xf32>
      %mul3A_549 = arith.mulf %sub3A_548, %sub3A_548 : vector<16xf32>
      %add3A_550 = arith.addf %add3A_506, %mul3A_549 : vector<16xf32>
      %gather3A_551 = tpu.vector_load_idx %arg11[%broadcast_in_dim3A_540, %add3A_120] : memref<32x512xf32, #tpu.memory_space<vmem>>[vector<16xi32>, vector<16xi32>], vector<16xf32>,
      %gather3A_552 = tpu.vector_load_idx %arg9[%broadcast_in_dim3A_540, %gather3A_127] : memref<32x1024xf32, #tpu.memory_space<vmem>>[vector<16xi32>, vector<16xi32>], vector<16xf32>,
      %sub3A_553 = arith.subf %gather3A_551, %gather3A_552 : vector<16xf32>
      %mul3A_554 = arith.mulf %sub3A_553, %sub3A_553 : vector<16xf32>
      %add3A_555 = arith.addf %add3A_511, %mul3A_554 : vector<16xf32>
      %gather3A_556 = tpu.vector_load_idx %arg12[%broadcast_in_dim3A_540, %add3A_120] : memref<32x512xf32, #tpu.memory_space<vmem>>[vector<16xi32>, vector<16xi32>], vector<16xf32>,
      %gather3A_557 = tpu.vector_load_idx %arg10[%broadcast_in_dim3A_540, %gather3A_127] : memref<32x1024xf32, #tpu.memory_space<vmem>>[vector<16xi32>, vector<16xi32>], vector<16xf32>,
      %sub3A_558 = arith.subf %gather3A_556, %gather3A_557 : vector<16xf32>
      %mul3A_559 = arith.mulf %sub3A_558, %sub3A_558 : vector<16xf32>
      %add3A_560 = arith.addf %add3A_516, %mul3A_559 : vector<16xf32>
      %broadcast_in_dim3A_561 = arith.constant 19 : i32
      %broadcast_in_dim3A_562 = vector.broadcast %broadcast_in_dim3A_561 : i32 to vector<16xi32>
      %gather3A_563 = tpu.vector_load_idx %arg11[%broadcast_in_dim3A_562, %add3A_112] : memref<32x512xf32, #tpu.memory_space<vmem>>[vector<16xi32>, vector<16xi32>], vector<16xf32>,
      %gather3A_564 = tpu.vector_load_idx %arg9[%broadcast_in_dim3A_562, %gather3A] : memref<32x1024xf32, #tpu.memory_space<vmem>>[vector<16xi32>, vector<16xi32>], vector<16xf32>,
      %sub3A_565 = arith.subf %gather3A_563, %gather3A_564 : vector<16xf32>
      %mul3A_566 = arith.mulf %sub3A_565, %sub3A_565 : vector<16xf32>
      %add3A_567 = arith.addf %add3A_523, %mul3A_566 : vector<16xf32>
      %gather3A_568 = tpu.vector_load_idx %arg12[%broadcast_in_dim3A_562, %add3A_112] : memref<32x512xf32, #tpu.memory_space<vmem>>[vector<16xi32>, vector<16xi32>], vector<16xf32>,
      %gather3A_569 = tpu.vector_load_idx %arg10[%broadcast_in_dim3A_562, %gather3A] : memref<32x1024xf32, #tpu.memory_space<vmem>>[vector<16xi32>, vector<16xi32>], vector<16xf32>,
      %sub3A_570 = arith.subf %gather3A_568, %gather3A_569 : vector<16xf32>
      %mul3A_571 = arith.mulf %sub3A_570, %sub3A_570 : vector<16xf32>
      %add3A_572 = arith.addf %add3A_528, %mul3A_571 : vector<16xf32>
      %gather3A_573 = tpu.vector_load_idx %arg11[%broadcast_in_dim3A_562, %add3A_120] : memref<32x512xf32, #tpu.memory_space<vmem>>[vector<16xi32>, vector<16xi32>], vector<16xf32>,
      %gather3A_574 = tpu.vector_load_idx %arg9[%broadcast_in_dim3A_562, %gather3A_127] : memref<32x1024xf32, #tpu.memory_space<vmem>>[vector<16xi32>, vector<16xi32>], vector<16xf32>,
      %sub3A_575 = arith.subf %gather3A_573, %gather3A_574 : vector<16xf32>
      %mul3A_576 = arith.mulf %sub3A_575, %sub3A_575 : vector<16xf32>
      %add3A_577 = arith.addf %add3A_533, %mul3A_576 : vector<16xf32>
      %gather3A_578 = tpu.vector_load_idx %arg12[%broadcast_in_dim3A_562, %add3A_120] : memref<32x512xf32, #tpu.memory_space<vmem>>[vector<16xi32>, vector<16xi32>], vector<16xf32>,
      %gather3A_579 = tpu.vector_load_idx %arg10[%broadcast_in_dim3A_562, %gather3A_127] : memref<32x1024xf32, #tpu.memory_space<vmem>>[vector<16xi32>, vector<16xi32>], vector<16xf32>,
      %sub3A_580 = arith.subf %gather3A_578, %gather3A_579 : vector<16xf32>
      %mul3A_581 = arith.mulf %sub3A_580, %sub3A_580 : vector<16xf32>
      %add3A_582 = arith.addf %add3A_538, %mul3A_581 : vector<16xf32>
      %broadcast_in_dim3A_583 = arith.constant 20 : i32
      %broadcast_in_dim3A_584 = vector.broadcast %broadcast_in_dim3A_583 : i32 to vector<16xi32>
      %gather3A_585 = tpu.vector_load_idx %arg11[%broadcast_in_dim3A_584, %add3A_112] : memref<32x512xf32, #tpu.memory_space<vmem>>[vector<16xi32>, vector<16xi32>], vector<16xf32>,
      %gather3A_586 = tpu.vector_load_idx %arg9[%broadcast_in_dim3A_584, %gather3A] : memref<32x1024xf32, #tpu.memory_space<vmem>>[vector<16xi32>, vector<16xi32>], vector<16xf32>,
      %sub3A_587 = arith.subf %gather3A_585, %gather3A_586 : vector<16xf32>
      %mul3A_588 = arith.mulf %sub3A_587, %sub3A_587 : vector<16xf32>
      %add3A_589 = arith.addf %add3A_545, %mul3A_588 : vector<16xf32>
      %gather3A_590 = tpu.vector_load_idx %arg12[%broadcast_in_dim3A_584, %add3A_112] : memref<32x512xf32, #tpu.memory_space<vmem>>[vector<16xi32>, vector<16xi32>], vector<16xf32>,
      %gather3A_591 = tpu.vector_load_idx %arg10[%broadcast_in_dim3A_584, %gather3A] : memref<32x1024xf32, #tpu.memory_space<vmem>>[vector<16xi32>, vector<16xi32>], vector<16xf32>,
      %sub3A_592 = arith.subf %gather3A_590, %gather3A_591 : vector<16xf32>
      %mul3A_593 = arith.mulf %sub3A_592, %sub3A_592 : vector<16xf32>
      %add3A_594 = arith.addf %add3A_550, %mul3A_593 : vector<16xf32>
      %gather3A_595 = tpu.vector_load_idx %arg11[%broadcast_in_dim3A_584, %add3A_120] : memref<32x512xf32, #tpu.memory_space<vmem>>[vector<16xi32>, vector<16xi32>], vector<16xf32>,
      %gather3A_596 = tpu.vector_load_idx %arg9[%broadcast_in_dim3A_584, %gather3A_127] : memref<32x1024xf32, #tpu.memory_space<vmem>>[vector<16xi32>, vector<16xi32>], vector<16xf32>,
      %sub3A_597 = arith.subf %gather3A_595, %gather3A_596 : vector<16xf32>
      %mul3A_598 = arith.mulf %sub3A_597, %sub3A_597 : vector<16xf32>
      %add3A_599 = arith.addf %add3A_555, %mul3A_598 : vector<16xf32>
      %gather3A_600 = tpu.vector_load_idx %arg12[%broadcast_in_dim3A_584, %add3A_120] : memref<32x512xf32, #tpu.memory_space<vmem>>[vector<16xi32>, vector<16xi32>], vector<16xf32>,
      %gather3A_601 = tpu.vector_load_idx %arg10[%broadcast_in_dim3A_584, %gather3A_127] : memref<32x1024xf32, #tpu.memory_space<vmem>>[vector<16xi32>, vector<16xi32>], vector<16xf32>,
      %sub3A_602 = arith.subf %gather3A_600, %gather3A_601 : vector<16xf32>
      %mul3A_603 = arith.mulf %sub3A_602, %sub3A_602 : vector<16xf32>
      %add3A_604 = arith.addf %add3A_560, %mul3A_603 : vector<16xf32>
      %broadcast_in_dim3A_605 = arith.constant 21 : i32
      %broadcast_in_dim3A_606 = vector.broadcast %broadcast_in_dim3A_605 : i32 to vector<16xi32>
      %gather3A_607 = tpu.vector_load_idx %arg11[%broadcast_in_dim3A_606, %add3A_112] : memref<32x512xf32, #tpu.memory_space<vmem>>[vector<16xi32>, vector<16xi32>], vector<16xf32>,
      %gather3A_608 = tpu.vector_load_idx %arg9[%broadcast_in_dim3A_606, %gather3A] : memref<32x1024xf32, #tpu.memory_space<vmem>>[vector<16xi32>, vector<16xi32>], vector<16xf32>,
      %sub3A_609 = arith.subf %gather3A_607, %gather3A_608 : vector<16xf32>
      %mul3A_610 = arith.mulf %sub3A_609, %sub3A_609 : vector<16xf32>
      %add3A_611 = arith.addf %add3A_567, %mul3A_610 : vector<16xf32>
      %gather3A_612 = tpu.vector_load_idx %arg12[%broadcast_in_dim3A_606, %add3A_112] : memref<32x512xf32, #tpu.memory_space<vmem>>[vector<16xi32>, vector<16xi32>], vector<16xf32>,
      %gather3A_613 = tpu.vector_load_idx %arg10[%broadcast_in_dim3A_606, %gather3A] : memref<32x1024xf32, #tpu.memory_space<vmem>>[vector<16xi32>, vector<16xi32>], vector<16xf32>,
      %sub3A_614 = arith.subf %gather3A_612, %gather3A_613 : vector<16xf32>
      %mul3A_615 = arith.mulf %sub3A_614, %sub3A_614 : vector<16xf32>
      %add3A_616 = arith.addf %add3A_572, %mul3A_615 : vector<16xf32>
      %gather3A_617 = tpu.vector_load_idx %arg11[%broadcast_in_dim3A_606, %add3A_120] : memref<32x512xf32, #tpu.memory_space<vmem>>[vector<16xi32>, vector<16xi32>], vector<16xf32>,
      %gather3A_618 = tpu.vector_load_idx %arg9[%broadcast_in_dim3A_606, %gather3A_127] : memref<32x1024xf32, #tpu.memory_space<vmem>>[vector<16xi32>, vector<16xi32>], vector<16xf32>,
      %sub3A_619 = arith.subf %gather3A_617, %gather3A_618 : vector<16xf32>
      %mul3A_620 = arith.mulf %sub3A_619, %sub3A_619 : vector<16xf32>
      %add3A_621 = arith.addf %add3A_577, %mul3A_620 : vector<16xf32>
      %gather3A_622 = tpu.vector_load_idx %arg12[%broadcast_in_dim3A_606, %add3A_120] : memref<32x512xf32, #tpu.memory_space<vmem>>[vector<16xi32>, vector<16xi32>], vector<16xf32>,
      %gather3A_623 = tpu.vector_load_idx %arg10[%broadcast_in_dim3A_606, %gather3A_127] : memref<32x1024xf32, #tpu.memory_space<vmem>>[vector<16xi32>, vector<16xi32>], vector<16xf32>,
      %sub3A_624 = arith.subf %gather3A_622, %gather3A_623 : vector<16xf32>
      %mul3A_625 = arith.mulf %sub3A_624, %sub3A_624 : vector<16xf32>
      %add3A_626 = arith.addf %add3A_582, %mul3A_625 : vector<16xf32>
      %broadcast_in_dim3A_627 = arith.constant 22 : i32
      %broadcast_in_dim3A_628 = vector.broadcast %broadcast_in_dim3A_627 : i32 to vector<16xi32>
      %gather3A_629 = tpu.vector_load_idx %arg11[%broadcast_in_dim3A_628, %add3A_112] : memref<32x512xf32, #tpu.memory_space<vmem>>[vector<16xi32>, vector<16xi32>], vector<16xf32>,
      %gather3A_630 = tpu.vector_load_idx %arg9[%broadcast_in_dim3A_628, %gather3A] : memref<32x1024xf32, #tpu.memory_space<vmem>>[vector<16xi32>, vector<16xi32>], vector<16xf32>,
      %sub3A_631 = arith.subf %gather3A_629, %gather3A_630 : vector<16xf32>
      %mul3A_632 = arith.mulf %sub3A_631, %sub3A_631 : vector<16xf32>
      %add3A_633 = arith.addf %add3A_589, %mul3A_632 : vector<16xf32>
      %gather3A_634 = tpu.vector_load_idx %arg12[%broadcast_in_dim3A_628, %add3A_112] : memref<32x512xf32, #tpu.memory_space<vmem>>[vector<16xi32>, vector<16xi32>], vector<16xf32>,
      %gather3A_635 = tpu.vector_load_idx %arg10[%broadcast_in_dim3A_628, %gather3A] : memref<32x1024xf32, #tpu.memory_space<vmem>>[vector<16xi32>, vector<16xi32>], vector<16xf32>,
      %sub3A_636 = arith.subf %gather3A_634, %gather3A_635 : vector<16xf32>
      %mul3A_637 = arith.mulf %sub3A_636, %sub3A_636 : vector<16xf32>
      %add3A_638 = arith.addf %add3A_594, %mul3A_637 : vector<16xf32>
      %gather3A_639 = tpu.vector_load_idx %arg11[%broadcast_in_dim3A_628, %add3A_120] : memref<32x512xf32, #tpu.memory_space<vmem>>[vector<16xi32>, vector<16xi32>], vector<16xf32>,
      %gather3A_640 = tpu.vector_load_idx %arg9[%broadcast_in_dim3A_628, %gather3A_127] : memref<32x1024xf32, #tpu.memory_space<vmem>>[vector<16xi32>, vector<16xi32>], vector<16xf32>,
      %sub3A_641 = arith.subf %gather3A_639, %gather3A_640 : vector<16xf32>
      %mul3A_642 = arith.mulf %sub3A_641, %sub3A_641 : vector<16xf32>
      %add3A_643 = arith.addf %add3A_599, %mul3A_642 : vector<16xf32>
      %gather3A_644 = tpu.vector_load_idx %arg12[%broadcast_in_dim3A_628, %add3A_120] : memref<32x512xf32, #tpu.memory_space<vmem>>[vector<16xi32>, vector<16xi32>], vector<16xf32>,
      %gather3A_645 = tpu.vector_load_idx %arg10[%broadcast_in_dim3A_628, %gather3A_127] : memref<32x1024xf32, #tpu.memory_space<vmem>>[vector<16xi32>, vector<16xi32>], vector<16xf32>,
      %sub3A_646 = arith.subf %gather3A_644, %gather3A_645 : vector<16xf32>
      %mul3A_647 = arith.mulf %sub3A_646, %sub3A_646 : vector<16xf32>
      %add3A_648 = arith.addf %add3A_604, %mul3A_647 : vector<16xf32>
      %broadcast_in_dim3A_649 = arith.constant 23 : i32
      %broadcast_in_dim3A_650 = vector.broadcast %broadcast_in_dim3A_649 : i32 to vector<16xi32>
      %gather3A_651 = tpu.vector_load_idx %arg11[%broadcast_in_dim3A_650, %add3A_112] : memref<32x512xf32, #tpu.memory_space<vmem>>[vector<16xi32>, vector<16xi32>], vector<16xf32>,
      %gather3A_652 = tpu.vector_load_idx %arg9[%broadcast_in_dim3A_650, %gather3A] : memref<32x1024xf32, #tpu.memory_space<vmem>>[vector<16xi32>, vector<16xi32>], vector<16xf32>,
      %sub3A_653 = arith.subf %gather3A_651, %gather3A_652 : vector<16xf32>
      %mul3A_654 = arith.mulf %sub3A_653, %sub3A_653 : vector<16xf32>
      %add3A_655 = arith.addf %add3A_611, %mul3A_654 : vector<16xf32>
      %gather3A_656 = tpu.vector_load_idx %arg12[%broadcast_in_dim3A_650, %add3A_112] : memref<32x512xf32, #tpu.memory_space<vmem>>[vector<16xi32>, vector<16xi32>], vector<16xf32>,
      %gather3A_657 = tpu.vector_load_idx %arg10[%broadcast_in_dim3A_650, %gather3A] : memref<32x1024xf32, #tpu.memory_space<vmem>>[vector<16xi32>, vector<16xi32>], vector<16xf32>,
      %sub3A_658 = arith.subf %gather3A_656, %gather3A_657 : vector<16xf32>
      %mul3A_659 = arith.mulf %sub3A_658, %sub3A_658 : vector<16xf32>
      %add3A_660 = arith.addf %add3A_616, %mul3A_659 : vector<16xf32>
      %gather3A_661 = tpu.vector_load_idx %arg11[%broadcast_in_dim3A_650, %add3A_120] : memref<32x512xf32, #tpu.memory_space<vmem>>[vector<16xi32>, vector<16xi32>], vector<16xf32>,
      %gather3A_662 = tpu.vector_load_idx %arg9[%broadcast_in_dim3A_650, %gather3A_127] : memref<32x1024xf32, #tpu.memory_space<vmem>>[vector<16xi32>, vector<16xi32>], vector<16xf32>,
      %sub3A_663 = arith.subf %gather3A_661, %gather3A_662 : vector<16xf32>
      %mul3A_664 = arith.mulf %sub3A_663, %sub3A_663 : vector<16xf32>
      %add3A_665 = arith.addf %add3A_621, %mul3A_664 : vector<16xf32>
      %gather3A_666 = tpu.vector_load_idx %arg12[%broadcast_in_dim3A_650, %add3A_120] : memref<32x512xf32, #tpu.memory_space<vmem>>[vector<16xi32>, vector<16xi32>], vector<16xf32>,
      %gather3A_667 = tpu.vector_load_idx %arg10[%broadcast_in_dim3A_650, %gather3A_127] : memref<32x1024xf32, #tpu.memory_space<vmem>>[vector<16xi32>, vector<16xi32>], vector<16xf32>,
      %sub3A_668 = arith.subf %gather3A_666, %gather3A_667 : vector<16xf32>
      %mul3A_669 = arith.mulf %sub3A_668, %sub3A_668 : vector<16xf32>
      %add3A_670 = arith.addf %add3A_626, %mul3A_669 : vector<16xf32>
      %broadcast_in_dim3A_671 = arith.constant 24 : i32
      %broadcast_in_dim3A_672 = vector.broadcast %broadcast_in_dim3A_671 : i32 to vector<16xi32>
      %gather3A_673 = tpu.vector_load_idx %arg11[%broadcast_in_dim3A_672, %add3A_112] : memref<32x512xf32, #tpu.memory_space<vmem>>[vector<16xi32>, vector<16xi32>], vector<16xf32>,
      %gather3A_674 = tpu.vector_load_idx %arg9[%broadcast_in_dim3A_672, %gather3A] : memref<32x1024xf32, #tpu.memory_space<vmem>>[vector<16xi32>, vector<16xi32>], vector<16xf32>,
      %sub3A_675 = arith.subf %gather3A_673, %gather3A_674 : vector<16xf32>
      %mul3A_676 = arith.mulf %sub3A_675, %sub3A_675 : vector<16xf32>
      %add3A_677 = arith.addf %add3A_633, %mul3A_676 : vector<16xf32>
      %gather3A_678 = tpu.vector_load_idx %arg12[%broadcast_in_dim3A_672, %add3A_112] : memref<32x512xf32, #tpu.memory_space<vmem>>[vector<16xi32>, vector<16xi32>], vector<16xf32>,
      %gather3A_679 = tpu.vector_load_idx %arg10[%broadcast_in_dim3A_672, %gather3A] : memref<32x1024xf32, #tpu.memory_space<vmem>>[vector<16xi32>, vector<16xi32>], vector<16xf32>,
      %sub3A_680 = arith.subf %gather3A_678, %gather3A_679 : vector<16xf32>
      %mul3A_681 = arith.mulf %sub3A_680, %sub3A_680 : vector<16xf32>
      %add3A_682 = arith.addf %add3A_638, %mul3A_681 : vector<16xf32>
      %gather3A_683 = tpu.vector_load_idx %arg11[%broadcast_in_dim3A_672, %add3A_120] : memref<32x512xf32, #tpu.memory_space<vmem>>[vector<16xi32>, vector<16xi32>], vector<16xf32>,
      %gather3A_684 = tpu.vector_load_idx %arg9[%broadcast_in_dim3A_672, %gather3A_127] : memref<32x1024xf32, #tpu.memory_space<vmem>>[vector<16xi32>, vector<16xi32>], vector<16xf32>,
      %sub3A_685 = arith.subf %gather3A_683, %gather3A_684 : vector<16xf32>
      %mul3A_686 = arith.mulf %sub3A_685, %sub3A_685 : vector<16xf32>
      %add3A_687 = arith.addf %add3A_643, %mul3A_686 : vector<16xf32>
      %gather3A_688 = tpu.vector_load_idx %arg12[%broadcast_in_dim3A_672, %add3A_120] : memref<32x512xf32, #tpu.memory_space<vmem>>[vector<16xi32>, vector<16xi32>], vector<16xf32>,
      %gather3A_689 = tpu.vector_load_idx %arg10[%broadcast_in_dim3A_672, %gather3A_127] : memref<32x1024xf32, #tpu.memory_space<vmem>>[vector<16xi32>, vector<16xi32>], vector<16xf32>,
      %sub3A_690 = arith.subf %gather3A_688, %gather3A_689 : vector<16xf32>
      %mul3A_691 = arith.mulf %sub3A_690, %sub3A_690 : vector<16xf32>
      %add3A_692 = arith.addf %add3A_648, %mul3A_691 : vector<16xf32>
      %broadcast_in_dim3A_693 = arith.constant 25 : i32
      %broadcast_in_dim3A_694 = vector.broadcast %broadcast_in_dim3A_693 : i32 to vector<16xi32>
      %gather3A_695 = tpu.vector_load_idx %arg11[%broadcast_in_dim3A_694, %add3A_112] : memref<32x512xf32, #tpu.memory_space<vmem>>[vector<16xi32>, vector<16xi32>], vector<16xf32>,
      %gather3A_696 = tpu.vector_load_idx %arg9[%broadcast_in_dim3A_694, %gather3A] : memref<32x1024xf32, #tpu.memory_space<vmem>>[vector<16xi32>, vector<16xi32>], vector<16xf32>,
      %sub3A_697 = arith.subf %gather3A_695, %gather3A_696 : vector<16xf32>
      %mul3A_698 = arith.mulf %sub3A_697, %sub3A_697 : vector<16xf32>
      %add3A_699 = arith.addf %add3A_655, %mul3A_698 : vector<16xf32>
      %gather3A_700 = tpu.vector_load_idx %arg12[%broadcast_in_dim3A_694, %add3A_112] : memref<32x512xf32, #tpu.memory_space<vmem>>[vector<16xi32>, vector<16xi32>], vector<16xf32>,
      %gather3A_701 = tpu.vector_load_idx %arg10[%broadcast_in_dim3A_694, %gather3A] : memref<32x1024xf32, #tpu.memory_space<vmem>>[vector<16xi32>, vector<16xi32>], vector<16xf32>,
      %sub3A_702 = arith.subf %gather3A_700, %gather3A_701 : vector<16xf32>
      %mul3A_703 = arith.mulf %sub3A_702, %sub3A_702 : vector<16xf32>
      %add3A_704 = arith.addf %add3A_660, %mul3A_703 : vector<16xf32>
      %gather3A_705 = tpu.vector_load_idx %arg11[%broadcast_in_dim3A_694, %add3A_120] : memref<32x512xf32, #tpu.memory_space<vmem>>[vector<16xi32>, vector<16xi32>], vector<16xf32>,
      %gather3A_706 = tpu.vector_load_idx %arg9[%broadcast_in_dim3A_694, %gather3A_127] : memref<32x1024xf32, #tpu.memory_space<vmem>>[vector<16xi32>, vector<16xi32>], vector<16xf32>,
      %sub3A_707 = arith.subf %gather3A_705, %gather3A_706 : vector<16xf32>
      %mul3A_708 = arith.mulf %sub3A_707, %sub3A_707 : vector<16xf32>
      %add3A_709 = arith.addf %add3A_665, %mul3A_708 : vector<16xf32>
      %gather3A_710 = tpu.vector_load_idx %arg12[%broadcast_in_dim3A_694, %add3A_120] : memref<32x512xf32, #tpu.memory_space<vmem>>[vector<16xi32>, vector<16xi32>], vector<16xf32>,
      %gather3A_711 = tpu.vector_load_idx %arg10[%broadcast_in_dim3A_694, %gather3A_127] : memref<32x1024xf32, #tpu.memory_space<vmem>>[vector<16xi32>, vector<16xi32>], vector<16xf32>,
      %sub3A_712 = arith.subf %gather3A_710, %gather3A_711 : vector<16xf32>
      %mul3A_713 = arith.mulf %sub3A_712, %sub3A_712 : vector<16xf32>
      %add3A_714 = arith.addf %add3A_670, %mul3A_713 : vector<16xf32>
      %broadcast_in_dim3A_715 = arith.constant 26 : i32
      %broadcast_in_dim3A_716 = vector.broadcast %broadcast_in_dim3A_715 : i32 to vector<16xi32>
      %gather3A_717 = tpu.vector_load_idx %arg11[%broadcast_in_dim3A_716, %add3A_112] : memref<32x512xf32, #tpu.memory_space<vmem>>[vector<16xi32>, vector<16xi32>], vector<16xf32>,
      %gather3A_718 = tpu.vector_load_idx %arg9[%broadcast_in_dim3A_716, %gather3A] : memref<32x1024xf32, #tpu.memory_space<vmem>>[vector<16xi32>, vector<16xi32>], vector<16xf32>,
      %sub3A_719 = arith.subf %gather3A_717, %gather3A_718 : vector<16xf32>
      %mul3A_720 = arith.mulf %sub3A_719, %sub3A_719 : vector<16xf32>
      %add3A_721 = arith.addf %add3A_677, %mul3A_720 : vector<16xf32>
      %gather3A_722 = tpu.vector_load_idx %arg12[%broadcast_in_dim3A_716, %add3A_112] : memref<32x512xf32, #tpu.memory_space<vmem>>[vector<16xi32>, vector<16xi32>], vector<16xf32>,
      %gather3A_723 = tpu.vector_load_idx %arg10[%broadcast_in_dim3A_716, %gather3A] : memref<32x1024xf32, #tpu.memory_space<vmem>>[vector<16xi32>, vector<16xi32>], vector<16xf32>,
      %sub3A_724 = arith.subf %gather3A_722, %gather3A_723 : vector<16xf32>
      %mul3A_725 = arith.mulf %sub3A_724, %sub3A_724 : vector<16xf32>
      %add3A_726 = arith.addf %add3A_682, %mul3A_725 : vector<16xf32>
      %gather3A_727 = tpu.vector_load_idx %arg11[%broadcast_in_dim3A_716, %add3A_120] : memref<32x512xf32, #tpu.memory_space<vmem>>[vector<16xi32>, vector<16xi32>], vector<16xf32>,
      %gather3A_728 = tpu.vector_load_idx %arg9[%broadcast_in_dim3A_716, %gather3A_127] : memref<32x1024xf32, #tpu.memory_space<vmem>>[vector<16xi32>, vector<16xi32>], vector<16xf32>,
      %sub3A_729 = arith.subf %gather3A_727, %gather3A_728 : vector<16xf32>
      %mul3A_730 = arith.mulf %sub3A_729, %sub3A_729 : vector<16xf32>
      %add3A_731 = arith.addf %add3A_687, %mul3A_730 : vector<16xf32>
      %gather3A_732 = tpu.vector_load_idx %arg12[%broadcast_in_dim3A_716, %add3A_120] : memref<32x512xf32, #tpu.memory_space<vmem>>[vector<16xi32>, vector<16xi32>], vector<16xf32>,
      %gather3A_733 = tpu.vector_load_idx %arg10[%broadcast_in_dim3A_716, %gather3A_127] : memref<32x1024xf32, #tpu.memory_space<vmem>>[vector<16xi32>, vector<16xi32>], vector<16xf32>,
      %sub3A_734 = arith.subf %gather3A_732, %gather3A_733 : vector<16xf32>
      %mul3A_735 = arith.mulf %sub3A_734, %sub3A_734 : vector<16xf32>
      %add3A_736 = arith.addf %add3A_692, %mul3A_735 : vector<16xf32>
      %broadcast_in_dim3A_737 = arith.constant 27 : i32
      %broadcast_in_dim3A_738 = vector.broadcast %broadcast_in_dim3A_737 : i32 to vector<16xi32>
      %gather3A_739 = tpu.vector_load_idx %arg11[%broadcast_in_dim3A_738, %add3A_112] : memref<32x512xf32, #tpu.memory_space<vmem>>[vector<16xi32>, vector<16xi32>], vector<16xf32>,
      %gather3A_740 = tpu.vector_load_idx %arg9[%broadcast_in_dim3A_738, %gather3A] : memref<32x1024xf32, #tpu.memory_space<vmem>>[vector<16xi32>, vector<16xi32>], vector<16xf32>,
      %sub3A_741 = arith.subf %gather3A_739, %gather3A_740 : vector<16xf32>
      %mul3A_742 = arith.mulf %sub3A_741, %sub3A_741 : vector<16xf32>
      %add3A_743 = arith.addf %add3A_699, %mul3A_742 : vector<16xf32>
      %gather3A_744 = tpu.vector_load_idx %arg12[%broadcast_in_dim3A_738, %add3A_112] : memref<32x512xf32, #tpu.memory_space<vmem>>[vector<16xi32>, vector<16xi32>], vector<16xf32>,
      %gather3A_745 = tpu.vector_load_idx %arg10[%broadcast_in_dim3A_738, %gather3A] : memref<32x1024xf32, #tpu.memory_space<vmem>>[vector<16xi32>, vector<16xi32>], vector<16xf32>,
      %sub3A_746 = arith.subf %gather3A_744, %gather3A_745 : vector<16xf32>
      %mul3A_747 = arith.mulf %sub3A_746, %sub3A_746 : vector<16xf32>
      %add3A_748 = arith.addf %add3A_704, %mul3A_747 : vector<16xf32>
      %gather3A_749 = tpu.vector_load_idx %arg11[%broadcast_in_dim3A_738, %add3A_120] : memref<32x512xf32, #tpu.memory_space<vmem>>[vector<16xi32>, vector<16xi32>], vector<16xf32>,
      %gather3A_750 = tpu.vector_load_idx %arg9[%broadcast_in_dim3A_738, %gather3A_127] : memref<32x1024xf32, #tpu.memory_space<vmem>>[vector<16xi32>, vector<16xi32>], vector<16xf32>,
      %sub3A_751 = arith.subf %gather3A_749, %gather3A_750 : vector<16xf32>
      %mul3A_752 = arith.mulf %sub3A_751, %sub3A_751 : vector<16xf32>
      %add3A_753 = arith.addf %add3A_709, %mul3A_752 : vector<16xf32>
      %gather3A_754 = tpu.vector_load_idx %arg12[%broadcast_in_dim3A_738, %add3A_120] : memref<32x512xf32, #tpu.memory_space<vmem>>[vector<16xi32>, vector<16xi32>], vector<16xf32>,
      %gather3A_755 = tpu.vector_load_idx %arg10[%broadcast_in_dim3A_738, %gather3A_127] : memref<32x1024xf32, #tpu.memory_space<vmem>>[vector<16xi32>, vector<16xi32>], vector<16xf32>,
      %sub3A_756 = arith.subf %gather3A_754, %gather3A_755 : vector<16xf32>
      %mul3A_757 = arith.mulf %sub3A_756, %sub3A_756 : vector<16xf32>
      %add3A_758 = arith.addf %add3A_714, %mul3A_757 : vector<16xf32>
      %broadcast_in_dim3A_759 = arith.constant 28 : i32
      %broadcast_in_dim3A_760 = vector.broadcast %broadcast_in_dim3A_759 : i32 to vector<16xi32>
      %gather3A_761 = tpu.vector_load_idx %arg11[%broadcast_in_dim3A_760, %add3A_112] : memref<32x512xf32, #tpu.memory_space<vmem>>[vector<16xi32>, vector<16xi32>], vector<16xf32>,
      %gather3A_762 = tpu.vector_load_idx %arg9[%broadcast_in_dim3A_760, %gather3A] : memref<32x1024xf32, #tpu.memory_space<vmem>>[vector<16xi32>, vector<16xi32>], vector<16xf32>,
      %sub3A_763 = arith.subf %gather3A_761, %gather3A_762 : vector<16xf32>
      %mul3A_764 = arith.mulf %sub3A_763, %sub3A_763 : vector<16xf32>
      %add3A_765 = arith.addf %add3A_721, %mul3A_764 : vector<16xf32>
      %gather3A_766 = tpu.vector_load_idx %arg12[%broadcast_in_dim3A_760, %add3A_112] : memref<32x512xf32, #tpu.memory_space<vmem>>[vector<16xi32>, vector<16xi32>], vector<16xf32>,
      %gather3A_767 = tpu.vector_load_idx %arg10[%broadcast_in_dim3A_760, %gather3A] : memref<32x1024xf32, #tpu.memory_space<vmem>>[vector<16xi32>, vector<16xi32>], vector<16xf32>,
      %sub3A_768 = arith.subf %gather3A_766, %gather3A_767 : vector<16xf32>
      %mul3A_769 = arith.mulf %sub3A_768, %sub3A_768 : vector<16xf32>
      %add3A_770 = arith.addf %add3A_726, %mul3A_769 : vector<16xf32>
      %gather3A_771 = tpu.vector_load_idx %arg11[%broadcast_in_dim3A_760, %add3A_120] : memref<32x512xf32, #tpu.memory_space<vmem>>[vector<16xi32>, vector<16xi32>], vector<16xf32>,
      %gather3A_772 = tpu.vector_load_idx %arg9[%broadcast_in_dim3A_760, %gather3A_127] : memref<32x1024xf32, #tpu.memory_space<vmem>>[vector<16xi32>, vector<16xi32>], vector<16xf32>,
      %sub3A_773 = arith.subf %gather3A_771, %gather3A_772 : vector<16xf32>
      %mul3A_774 = arith.mulf %sub3A_773, %sub3A_773 : vector<16xf32>
      %add3A_775 = arith.addf %add3A_731, %mul3A_774 : vector<16xf32>
      %gather3A_776 = tpu.vector_load_idx %arg12[%broadcast_in_dim3A_760, %add3A_120] : memref<32x512xf32, #tpu.memory_space<vmem>>[vector<16xi32>, vector<16xi32>], vector<16xf32>,
      %gather3A_777 = tpu.vector_load_idx %arg10[%broadcast_in_dim3A_760, %gather3A_127] : memref<32x1024xf32, #tpu.memory_space<vmem>>[vector<16xi32>, vector<16xi32>], vector<16xf32>,
      %sub3A_778 = arith.subf %gather3A_776, %gather3A_777 : vector<16xf32>
      %mul3A_779 = arith.mulf %sub3A_778, %sub3A_778 : vector<16xf32>
      %add3A_780 = arith.addf %add3A_736, %mul3A_779 : vector<16xf32>
      %broadcast_in_dim3A_781 = arith.constant 29 : i32
      %broadcast_in_dim3A_782 = vector.broadcast %broadcast_in_dim3A_781 : i32 to vector<16xi32>
      %gather3A_783 = tpu.vector_load_idx %arg11[%broadcast_in_dim3A_782, %add3A_112] : memref<32x512xf32, #tpu.memory_space<vmem>>[vector<16xi32>, vector<16xi32>], vector<16xf32>,
      %gather3A_784 = tpu.vector_load_idx %arg9[%broadcast_in_dim3A_782, %gather3A] : memref<32x1024xf32, #tpu.memory_space<vmem>>[vector<16xi32>, vector<16xi32>], vector<16xf32>,
      %sub3A_785 = arith.subf %gather3A_783, %gather3A_784 : vector<16xf32>
      %mul3A_786 = arith.mulf %sub3A_785, %sub3A_785 : vector<16xf32>
      %add3A_787 = arith.addf %add3A_743, %mul3A_786 : vector<16xf32>
      %gather3A_788 = tpu.vector_load_idx %arg12[%broadcast_in_dim3A_782, %add3A_112] : memref<32x512xf32, #tpu.memory_space<vmem>>[vector<16xi32>, vector<16xi32>], vector<16xf32>,
      %gather3A_789 = tpu.vector_load_idx %arg10[%broadcast_in_dim3A_782, %gather3A] : memref<32x1024xf32, #tpu.memory_space<vmem>>[vector<16xi32>, vector<16xi32>], vector<16xf32>,
      %sub3A_790 = arith.subf %gather3A_788, %gather3A_789 : vector<16xf32>
      %mul3A_791 = arith.mulf %sub3A_790, %sub3A_790 : vector<16xf32>
      %add3A_792 = arith.addf %add3A_748, %mul3A_791 : vector<16xf32>
      %gather3A_793 = tpu.vector_load_idx %arg11[%broadcast_in_dim3A_782, %add3A_120] : memref<32x512xf32, #tpu.memory_space<vmem>>[vector<16xi32>, vector<16xi32>], vector<16xf32>,
      %gather3A_794 = tpu.vector_load_idx %arg9[%broadcast_in_dim3A_782, %gather3A_127] : memref<32x1024xf32, #tpu.memory_space<vmem>>[vector<16xi32>, vector<16xi32>], vector<16xf32>,
      %sub3A_795 = arith.subf %gather3A_793, %gather3A_794 : vector<16xf32>
      %mul3A_796 = arith.mulf %sub3A_795, %sub3A_795 : vector<16xf32>
      %add3A_797 = arith.addf %add3A_753, %mul3A_796 : vector<16xf32>
      %gather3A_798 = tpu.vector_load_idx %arg12[%broadcast_in_dim3A_782, %add3A_120] : memref<32x512xf32, #tpu.memory_space<vmem>>[vector<16xi32>, vector<16xi32>], vector<16xf32>,
      %gather3A_799 = tpu.vector_load_idx %arg10[%broadcast_in_dim3A_782, %gather3A_127] : memref<32x1024xf32, #tpu.memory_space<vmem>>[vector<16xi32>, vector<16xi32>], vector<16xf32>,
      %sub3A_800 = arith.subf %gather3A_798, %gather3A_799 : vector<16xf32>
      %mul3A_801 = arith.mulf %sub3A_800, %sub3A_800 : vector<16xf32>
      %add3A_802 = arith.addf %add3A_758, %mul3A_801 : vector<16xf32>
      %broadcast_in_dim3A_803 = arith.constant 30 : i32
      %broadcast_in_dim3A_804 = vector.broadcast %broadcast_in_dim3A_803 : i32 to vector<16xi32>
      %gather3A_805 = tpu.vector_load_idx %arg11[%broadcast_in_dim3A_804, %add3A_112] : memref<32x512xf32, #tpu.memory_space<vmem>>[vector<16xi32>, vector<16xi32>], vector<16xf32>,
      %gather3A_806 = tpu.vector_load_idx %arg9[%broadcast_in_dim3A_804, %gather3A] : memref<32x1024xf32, #tpu.memory_space<vmem>>[vector<16xi32>, vector<16xi32>], vector<16xf32>,
      %sub3A_807 = arith.subf %gather3A_805, %gather3A_806 : vector<16xf32>
      %mul3A_808 = arith.mulf %sub3A_807, %sub3A_807 : vector<16xf32>
      %add3A_809 = arith.addf %add3A_765, %mul3A_808 : vector<16xf32>
      %gather3A_810 = tpu.vector_load_idx %arg12[%broadcast_in_dim3A_804, %add3A_112] : memref<32x512xf32, #tpu.memory_space<vmem>>[vector<16xi32>, vector<16xi32>], vector<16xf32>,
      %gather3A_811 = tpu.vector_load_idx %arg10[%broadcast_in_dim3A_804, %gather3A] : memref<32x1024xf32, #tpu.memory_space<vmem>>[vector<16xi32>, vector<16xi32>], vector<16xf32>,
      %sub3A_812 = arith.subf %gather3A_810, %gather3A_811 : vector<16xf32>
      %mul3A_813 = arith.mulf %sub3A_812, %sub3A_812 : vector<16xf32>
      %add3A_814 = arith.addf %add3A_770, %mul3A_813 : vector<16xf32>
      %gather3A_815 = tpu.vector_load_idx %arg11[%broadcast_in_dim3A_804, %add3A_120] : memref<32x512xf32, #tpu.memory_space<vmem>>[vector<16xi32>, vector<16xi32>], vector<16xf32>,
      %gather3A_816 = tpu.vector_load_idx %arg9[%broadcast_in_dim3A_804, %gather3A_127] : memref<32x1024xf32, #tpu.memory_space<vmem>>[vector<16xi32>, vector<16xi32>], vector<16xf32>,
      %sub3A_817 = arith.subf %gather3A_815, %gather3A_816 : vector<16xf32>
      %mul3A_818 = arith.mulf %sub3A_817, %sub3A_817 : vector<16xf32>
      %add3A_819 = arith.addf %add3A_775, %mul3A_818 : vector<16xf32>
      %gather3A_820 = tpu.vector_load_idx %arg12[%broadcast_in_dim3A_804, %add3A_120] : memref<32x512xf32, #tpu.memory_space<vmem>>[vector<16xi32>, vector<16xi32>], vector<16xf32>,
      %gather3A_821 = tpu.vector_load_idx %arg10[%broadcast_in_dim3A_804, %gather3A_127] : memref<32x1024xf32, #tpu.memory_space<vmem>>[vector<16xi32>, vector<16xi32>], vector<16xf32>,
      %sub3A_822 = arith.subf %gather3A_820, %gather3A_821 : vector<16xf32>
      %mul3A_823 = arith.mulf %sub3A_822, %sub3A_822 : vector<16xf32>
      %add3A_824 = arith.addf %add3A_780, %mul3A_823 : vector<16xf32>
      %broadcast_in_dim3A_825 = arith.constant 31 : i32
      %broadcast_in_dim3A_826 = vector.broadcast %broadcast_in_dim3A_825 : i32 to vector<16xi32>
      %gather3A_827 = tpu.vector_load_idx %arg11[%broadcast_in_dim3A_826, %add3A_112] : memref<32x512xf32, #tpu.memory_space<vmem>>[vector<16xi32>, vector<16xi32>], vector<16xf32>,
      %gather3A_828 = tpu.vector_load_idx %arg9[%broadcast_in_dim3A_826, %gather3A] : memref<32x1024xf32, #tpu.memory_space<vmem>>[vector<16xi32>, vector<16xi32>], vector<16xf32>,
      %sub3A_829 = arith.subf %gather3A_827, %gather3A_828 : vector<16xf32>
      %mul3A_830 = arith.mulf %sub3A_829, %sub3A_829 : vector<16xf32>
      %add3A_831 = arith.addf %add3A_787, %mul3A_830 : vector<16xf32>
      %gather3A_832 = tpu.vector_load_idx %arg12[%broadcast_in_dim3A_826, %add3A_112] : memref<32x512xf32, #tpu.memory_space<vmem>>[vector<16xi32>, vector<16xi32>], vector<16xf32>,
      %gather3A_833 = tpu.vector_load_idx %arg10[%broadcast_in_dim3A_826, %gather3A] : memref<32x1024xf32, #tpu.memory_space<vmem>>[vector<16xi32>, vector<16xi32>], vector<16xf32>,
      %sub3A_834 = arith.subf %gather3A_832, %gather3A_833 : vector<16xf32>
      %mul3A_835 = arith.mulf %sub3A_834, %sub3A_834 : vector<16xf32>
      %add3A_836 = arith.addf %add3A_792, %mul3A_835 : vector<16xf32>
      %gather3A_837 = tpu.vector_load_idx %arg11[%broadcast_in_dim3A_826, %add3A_120] : memref<32x512xf32, #tpu.memory_space<vmem>>[vector<16xi32>, vector<16xi32>], vector<16xf32>,
      %gather3A_838 = tpu.vector_load_idx %arg9[%broadcast_in_dim3A_826, %gather3A_127] : memref<32x1024xf32, #tpu.memory_space<vmem>>[vector<16xi32>, vector<16xi32>], vector<16xf32>,
      %sub3A_839 = arith.subf %gather3A_837, %gather3A_838 : vector<16xf32>
      %mul3A_840 = arith.mulf %sub3A_839, %sub3A_839 : vector<16xf32>
      %add3A_841 = arith.addf %add3A_797, %mul3A_840 : vector<16xf32>
      %gather3A_842 = tpu.vector_load_idx %arg12[%broadcast_in_dim3A_826, %add3A_120] : memref<32x512xf32, #tpu.memory_space<vmem>>[vector<16xi32>, vector<16xi32>], vector<16xf32>,
      %gather3A_843 = tpu.vector_load_idx %arg10[%broadcast_in_dim3A_826, %gather3A_127] : memref<32x1024xf32, #tpu.memory_space<vmem>>[vector<16xi32>, vector<16xi32>], vector<16xf32>,
      %sub3A_844 = arith.subf %gather3A_842, %gather3A_843 : vector<16xf32>
      %mul3A_845 = arith.mulf %sub3A_844, %sub3A_844 : vector<16xf32>
      %add3A_846 = arith.addf %add3A_802, %mul3A_845 : vector<16xf32>
      %add3A_847 = arith.addf %add3A_809, %add3A_831 : vector<16xf32>
      tpu.vector_store_idx %arg14[%add3A_123], %add3A_847 : memref<1024xf32, #tpu.memory_space<vmem>>[vector<16xi32>], vector<16xf32>,
      %add3A_848 = arith.addf %add3A_814, %add3A_836 : vector<16xf32>
      tpu.vector_store_idx %arg15[%add3A_123], %add3A_848 : memref<1024xf32, #tpu.memory_space<vmem>>[vector<16xi32>], vector<16xf32>,
      %add3A_849 = arith.addf %add3A_819, %add3A_841 : vector<16xf32>
      tpu.vector_store_idx %arg14[%add3A_126], %add3A_849 : memref<1024xf32, #tpu.memory_space<vmem>>[vector<16xi32>], vector<16xf32>,
      %add3A_850 = arith.addf %add3A_824, %add3A_846 : vector<16xf32>
      tpu.vector_store_idx %arg15[%add3A_126], %add3A_850 : memref<1024xf32, #tpu.memory_space<vmem>>[vector<16xi32>], vector<16xf32>,
    }
    %scan3A_71 = arith.constant 16 : i32
    %add3A_72 = arith.constant 512 : i32
    %add3A_73 = arith.addi %mul3A_36, %add3A_72 : i32
    %dma_start3A_74 = arith.constant 0 : i32
    %dma_start3A_75 = tpu.memref_slice %arg2[%add3A_20, %dma_start3A_74, %add3A_73] : memref<32x32x1024xf32, #tpu.memory_space<hbm>> -> memref<1x32x512xf32, #tpu.memory_space<hbm>>
    %dma_start3A_76 = tpu.memref_squeeze %dma_start3A_75 : memref<1x32x512xf32, #tpu.memory_space<hbm>> -> memref<32x512xf32, #tpu.memory_space<hbm>>
    %dma_start3A_77 = arith.constant 0 : i32
    %dma_start3A_78 = tpu.memref_slice %arg2[%add3A_20, %dma_start3A_77, %add3A_73] : memref<32x32x1024xf32, #tpu.memory_space<hbm>> -> memref<1x32x512xf32, #tpu.memory_space<hbm>>
    %dma_start3A_79 = tpu.memref_squeeze %dma_start3A_78 : memref<1x32x512xf32, #tpu.memory_space<hbm>> -> memref<32x512xf32, #tpu.memory_space<hbm>>
    tpu.enqueue_dma source(%dma_start3A_79 : memref<32x512xf32, #tpu.memory_space<hbm>>) target(%arg11 : memref<32x512xf32, #tpu.memory_space<vmem>>) target_semaphore(%arg18 : memref<!tpu.dma_semaphore, #tpu.memory_space<semaphore_mem>>)
    %add3A_80 = arith.constant 512 : i32
    %add3A_81 = arith.addi %mul3A_36, %add3A_80 : i32
    %dma_start3A_82 = arith.constant 0 : i32
    %dma_start3A_83 = tpu.memref_slice %arg3[%add3A_20, %dma_start3A_82, %add3A_81] : memref<32x32x1024xf32, #tpu.memory_space<hbm>> -> memref<1x32x512xf32, #tpu.memory_space<hbm>>
    %dma_start3A_84 = tpu.memref_squeeze %dma_start3A_83 : memref<1x32x512xf32, #tpu.memory_space<hbm>> -> memref<32x512xf32, #tpu.memory_space<hbm>>
    %dma_start3A_85 = arith.constant 0 : i32
    %dma_start3A_86 = tpu.memref_slice %arg3[%add3A_20, %dma_start3A_85, %add3A_81] : memref<32x32x1024xf32, #tpu.memory_space<hbm>> -> memref<1x32x512xf32, #tpu.memory_space<hbm>>
    %dma_start3A_87 = tpu.memref_squeeze %dma_start3A_86 : memref<1x32x512xf32, #tpu.memory_space<hbm>> -> memref<32x512xf32, #tpu.memory_space<hbm>>
    tpu.enqueue_dma source(%dma_start3A_87 : memref<32x512xf32, #tpu.memory_space<hbm>>) target(%arg12 : memref<32x512xf32, #tpu.memory_space<vmem>>) target_semaphore(%arg19 : memref<!tpu.dma_semaphore, #tpu.memory_space<semaphore_mem>>)
    %dma_wait3A_88 = arith.constant 0 : i32
    %dma_wait3A_89 = tpu.memref_slice %arg2[%add3A_20, %dma_wait3A_88, %add3A_73] : memref<32x32x1024xf32, #tpu.memory_space<hbm>> -> memref<1x32x512xf32, #tpu.memory_space<hbm>>
    %dma_wait3A_90 = tpu.memref_squeeze %dma_wait3A_89 : memref<1x32x512xf32, #tpu.memory_space<hbm>> -> memref<32x512xf32, #tpu.memory_space<hbm>>
    %dma_wait3A_91 = arith.constant 0 : i32
    %dma_wait3A_92 = tpu.memref_slice %arg2[%add3A_20, %dma_wait3A_91, %add3A_73] : memref<32x32x1024xf32, #tpu.memory_space<hbm>> -> memref<1x32x512xf32, #tpu.memory_space<hbm>>
    %dma_wait3A_93 = tpu.memref_squeeze %dma_wait3A_92 : memref<1x32x512xf32, #tpu.memory_space<hbm>> -> memref<32x512xf32, #tpu.memory_space<hbm>>
    tpu.wait_dma2 semaphore(%arg18 : memref<!tpu.dma_semaphore, #tpu.memory_space<semaphore_mem>>) src(%dma_wait3A_93 : memref<32x512xf32, #tpu.memory_space<hbm>>) dst(%arg11 : memref<32x512xf32, #tpu.memory_space<vmem>>)
    %dma_wait3A_94 = arith.constant 0 : i32
    %dma_wait3A_95 = tpu.memref_slice %arg3[%add3A_20, %dma_wait3A_94, %add3A_81] : memref<32x32x1024xf32, #tpu.memory_space<hbm>> -> memref<1x32x512xf32, #tpu.memory_space<hbm>>
    %dma_wait3A_96 = tpu.memref_squeeze %dma_wait3A_95 : memref<1x32x512xf32, #tpu.memory_space<hbm>> -> memref<32x512xf32, #tpu.memory_space<hbm>>
    %dma_wait3A_97 = arith.constant 0 : i32
    %dma_wait3A_98 = tpu.memref_slice %arg3[%add3A_20, %dma_wait3A_97, %add3A_81] : memref<32x32x1024xf32, #tpu.memory_space<hbm>> -> memref<1x32x512xf32, #tpu.memory_space<hbm>>
    %dma_wait3A_99 = tpu.memref_squeeze %dma_wait3A_98 : memref<1x32x512xf32, #tpu.memory_space<hbm>> -> memref<32x512xf32, #tpu.memory_space<hbm>>
    tpu.wait_dma2 semaphore(%arg19 : memref<!tpu.dma_semaphore, #tpu.memory_space<semaphore_mem>>) src(%dma_wait3A_99 : memref<32x512xf32, #tpu.memory_space<hbm>>) dst(%arg12 : memref<32x512xf32, #tpu.memory_space<vmem>>)
    %scan3A_100 = arith.constant 0 : i32
    %scan3A_101 = arith.constant 0 : i32
    %scan3A_102 = arith.constant 16 : i32
    %scan3A_103 = arith.addi %scan3A_101, %scan3A_102 : i32
    %scan3A_104 = arith.constant 1 : i32
    scf.for %scan3A_106 = %scan3A_101 to %scan3A_103 step %scan3A_104  : i32 {
      %mul3A_107 = arith.constant 2 : i32
      %mul3A_108 = arith.muli %scan3A_106, %mul3A_107 : i32
      %mul3A_109 = arith.constant 16 : i32
      %mul3A_110 = arith.muli %mul3A_108, %mul3A_109 : i32
      %add3A_111 = vector.broadcast %mul3A_110 : i32 to vector<16xi32>
      %add3A_112 = arith.addi %add3A_111, %iota3A : vector<16xi32>
      %mul3A_113 = arith.constant 2 : i32
      %mul3A_114 = arith.muli %scan3A_106, %mul3A_113 : i32
      %mul3A_115 = arith.constant 16 : i32
      %mul3A_116 = arith.muli %mul3A_114, %mul3A_115 : i32
      %add3A_117 = arith.constant 16 : i32
      %add3A_118 = arith.addi %mul3A_116, %add3A_117 : i32
      %add3A_119 = vector.broadcast %add3A_118 : i32 to vector<16xi32>
      %add3A_120 = arith.addi %add3A_119, %iota3A : vector<16xi32>
      %add3A_121 = arith.constant 512 : i32
      %add3A_122 = vector.broadcast %add3A_121 : i32 to vector<16xi32>
      %add3A_123 = arith.addi %add3A_112, %add3A_122 : vector<16xi32>
      %add3A_124 = arith.constant 512 : i32
      %add3A_125 = vector.broadcast %add3A_124 : i32 to vector<16xi32>
      %add3A_126 = arith.addi %add3A_120, %add3A_125 : vector<16xi32>
      %gather3A = tpu.vector_load_idx %arg13[%add3A_123] : memref<1024xi32, #tpu.memory_space<vmem>>[vector<16xi32>], vector<16xi32>,
      %gather3A_127 = tpu.vector_load_idx %arg13[%add3A_126] : memref<1024xi32, #tpu.memory_space<vmem>>[vector<16xi32>], vector<16xi32>,
      %broadcast_in_dim3A = arith.constant 0.000000e+00 : f32
      %broadcast_in_dim3A_128 = vector.broadcast %broadcast_in_dim3A : f32 to vector<16xf32>
      %broadcast_in_dim3A_129 = arith.constant 0.000000e+00 : f32
      %broadcast_in_dim3A_130 = vector.broadcast %broadcast_in_dim3A_129 : f32 to vector<16xf32>
      %broadcast_in_dim3A_131 = arith.constant 0.000000e+00 : f32
      %broadcast_in_dim3A_132 = vector.broadcast %broadcast_in_dim3A_131 : f32 to vector<16xf32>
      %broadcast_in_dim3A_133 = arith.constant 0.000000e+00 : f32
      %broadcast_in_dim3A_134 = vector.broadcast %broadcast_in_dim3A_133 : f32 to vector<16xf32>
      %broadcast_in_dim3A_135 = arith.constant 0.000000e+00 : f32
      %broadcast_in_dim3A_136 = vector.broadcast %broadcast_in_dim3A_135 : f32 to vector<16xf32>
      %broadcast_in_dim3A_137 = arith.constant 0.000000e+00 : f32
      %broadcast_in_dim3A_138 = vector.broadcast %broadcast_in_dim3A_137 : f32 to vector<16xf32>
      %broadcast_in_dim3A_139 = arith.constant 0.000000e+00 : f32
      %broadcast_in_dim3A_140 = vector.broadcast %broadcast_in_dim3A_139 : f32 to vector<16xf32>
      %broadcast_in_dim3A_141 = arith.constant 0.000000e+00 : f32
      %broadcast_in_dim3A_142 = vector.broadcast %broadcast_in_dim3A_141 : f32 to vector<16xf32>
      %broadcast_in_dim3A_143 = arith.constant 0 : i32
      %broadcast_in_dim3A_144 = vector.broadcast %broadcast_in_dim3A_143 : i32 to vector<16xi32>
      %gather3A_145 = tpu.vector_load_idx %arg11[%broadcast_in_dim3A_144, %add3A_112] : memref<32x512xf32, #tpu.memory_space<vmem>>[vector<16xi32>, vector<16xi32>], vector<16xf32>,
      %gather3A_146 = tpu.vector_load_idx %arg9[%broadcast_in_dim3A_144, %gather3A] : memref<32x1024xf32, #tpu.memory_space<vmem>>[vector<16xi32>, vector<16xi32>], vector<16xf32>,
      %sub3A_147 = arith.subf %gather3A_145, %gather3A_146 : vector<16xf32>
      %mul3A_148 = arith.mulf %sub3A_147, %sub3A_147 : vector<16xf32>
      %add3A_149 = arith.addf %broadcast_in_dim3A_128, %mul3A_148 : vector<16xf32>
      %gather3A_150 = tpu.vector_load_idx %arg12[%broadcast_in_dim3A_144, %add3A_112] : memref<32x512xf32, #tpu.memory_space<vmem>>[vector<16xi32>, vector<16xi32>], vector<16xf32>,
      %gather3A_151 = tpu.vector_load_idx %arg10[%broadcast_in_dim3A_144, %gather3A] : memref<32x1024xf32, #tpu.memory_space<vmem>>[vector<16xi32>, vector<16xi32>], vector<16xf32>,
      %sub3A_152 = arith.subf %gather3A_150, %gather3A_151 : vector<16xf32>
      %mul3A_153 = arith.mulf %sub3A_152, %sub3A_152 : vector<16xf32>
      %add3A_154 = arith.addf %broadcast_in_dim3A_136, %mul3A_153 : vector<16xf32>
      %gather3A_155 = tpu.vector_load_idx %arg11[%broadcast_in_dim3A_144, %add3A_120] : memref<32x512xf32, #tpu.memory_space<vmem>>[vector<16xi32>, vector<16xi32>], vector<16xf32>,
      %gather3A_156 = tpu.vector_load_idx %arg9[%broadcast_in_dim3A_144, %gather3A_127] : memref<32x1024xf32, #tpu.memory_space<vmem>>[vector<16xi32>, vector<16xi32>], vector<16xf32>,
      %sub3A_157 = arith.subf %gather3A_155, %gather3A_156 : vector<16xf32>
      %mul3A_158 = arith.mulf %sub3A_157, %sub3A_157 : vector<16xf32>
      %add3A_159 = arith.addf %broadcast_in_dim3A_132, %mul3A_158 : vector<16xf32>
      %gather3A_160 = tpu.vector_load_idx %arg12[%broadcast_in_dim3A_144, %add3A_120] : memref<32x512xf32, #tpu.memory_space<vmem>>[vector<16xi32>, vector<16xi32>], vector<16xf32>,
      %gather3A_161 = tpu.vector_load_idx %arg10[%broadcast_in_dim3A_144, %gather3A_127] : memref<32x1024xf32, #tpu.memory_space<vmem>>[vector<16xi32>, vector<16xi32>], vector<16xf32>,
      %sub3A_162 = arith.subf %gather3A_160, %gather3A_161 : vector<16xf32>
      %mul3A_163 = arith.mulf %sub3A_162, %sub3A_162 : vector<16xf32>
      %add3A_164 = arith.addf %broadcast_in_dim3A_140, %mul3A_163 : vector<16xf32>
      %broadcast_in_dim3A_165 = arith.constant 1 : i32
      %broadcast_in_dim3A_166 = vector.broadcast %broadcast_in_dim3A_165 : i32 to vector<16xi32>
      %gather3A_167 = tpu.vector_load_idx %arg11[%broadcast_in_dim3A_166, %add3A_112] : memref<32x512xf32, #tpu.memory_space<vmem>>[vector<16xi32>, vector<16xi32>], vector<16xf32>,
      %gather3A_168 = tpu.vector_load_idx %arg9[%broadcast_in_dim3A_166, %gather3A] : memref<32x1024xf32, #tpu.memory_space<vmem>>[vector<16xi32>, vector<16xi32>], vector<16xf32>,
      %sub3A_169 = arith.subf %gather3A_167, %gather3A_168 : vector<16xf32>
      %mul3A_170 = arith.mulf %sub3A_169, %sub3A_169 : vector<16xf32>
      %add3A_171 = arith.addf %broadcast_in_dim3A_130, %mul3A_170 : vector<16xf32>
      %gather3A_172 = tpu.vector_load_idx %arg12[%broadcast_in_dim3A_166, %add3A_112] : memref<32x512xf32, #tpu.memory_space<vmem>>[vector<16xi32>, vector<16xi32>], vector<16xf32>,
      %gather3A_173 = tpu.vector_load_idx %arg10[%broadcast_in_dim3A_166, %gather3A] : memref<32x1024xf32, #tpu.memory_space<vmem>>[vector<16xi32>, vector<16xi32>], vector<16xf32>,
      %sub3A_174 = arith.subf %gather3A_172, %gather3A_173 : vector<16xf32>
      %mul3A_175 = arith.mulf %sub3A_174, %sub3A_174 : vector<16xf32>
      %add3A_176 = arith.addf %broadcast_in_dim3A_138, %mul3A_175 : vector<16xf32>
      %gather3A_177 = tpu.vector_load_idx %arg11[%broadcast_in_dim3A_166, %add3A_120] : memref<32x512xf32, #tpu.memory_space<vmem>>[vector<16xi32>, vector<16xi32>], vector<16xf32>,
      %gather3A_178 = tpu.vector_load_idx %arg9[%broadcast_in_dim3A_166, %gather3A_127] : memref<32x1024xf32, #tpu.memory_space<vmem>>[vector<16xi32>, vector<16xi32>], vector<16xf32>,
      %sub3A_179 = arith.subf %gather3A_177, %gather3A_178 : vector<16xf32>
      %mul3A_180 = arith.mulf %sub3A_179, %sub3A_179 : vector<16xf32>
      %add3A_181 = arith.addf %broadcast_in_dim3A_134, %mul3A_180 : vector<16xf32>
      %gather3A_182 = tpu.vector_load_idx %arg12[%broadcast_in_dim3A_166, %add3A_120] : memref<32x512xf32, #tpu.memory_space<vmem>>[vector<16xi32>, vector<16xi32>], vector<16xf32>,
      %gather3A_183 = tpu.vector_load_idx %arg10[%broadcast_in_dim3A_166, %gather3A_127] : memref<32x1024xf32, #tpu.memory_space<vmem>>[vector<16xi32>, vector<16xi32>], vector<16xf32>,
      %sub3A_184 = arith.subf %gather3A_182, %gather3A_183 : vector<16xf32>
      %mul3A_185 = arith.mulf %sub3A_184, %sub3A_184 : vector<16xf32>
      %add3A_186 = arith.addf %broadcast_in_dim3A_142, %mul3A_185 : vector<16xf32>
      %broadcast_in_dim3A_187 = arith.constant 2 : i32
      %broadcast_in_dim3A_188 = vector.broadcast %broadcast_in_dim3A_187 : i32 to vector<16xi32>
      %gather3A_189 = tpu.vector_load_idx %arg11[%broadcast_in_dim3A_188, %add3A_112] : memref<32x512xf32, #tpu.memory_space<vmem>>[vector<16xi32>, vector<16xi32>], vector<16xf32>,
      %gather3A_190 = tpu.vector_load_idx %arg9[%broadcast_in_dim3A_188, %gather3A] : memref<32x1024xf32, #tpu.memory_space<vmem>>[vector<16xi32>, vector<16xi32>], vector<16xf32>,
      %sub3A_191 = arith.subf %gather3A_189, %gather3A_190 : vector<16xf32>
      %mul3A_192 = arith.mulf %sub3A_191, %sub3A_191 : vector<16xf32>
      %add3A_193 = arith.addf %add3A_149, %mul3A_192 : vector<16xf32>
      %gather3A_194 = tpu.vector_load_idx %arg12[%broadcast_in_dim3A_188, %add3A_112] : memref<32x512xf32, #tpu.memory_space<vmem>>[vector<16xi32>, vector<16xi32>], vector<16xf32>,
      %gather3A_195 = tpu.vector_load_idx %arg10[%broadcast_in_dim3A_188, %gather3A] : memref<32x1024xf32, #tpu.memory_space<vmem>>[vector<16xi32>, vector<16xi32>], vector<16xf32>,
      %sub3A_196 = arith.subf %gather3A_194, %gather3A_195 : vector<16xf32>
      %mul3A_197 = arith.mulf %sub3A_196, %sub3A_196 : vector<16xf32>
      %add3A_198 = arith.addf %add3A_154, %mul3A_197 : vector<16xf32>
      %gather3A_199 = tpu.vector_load_idx %arg11[%broadcast_in_dim3A_188, %add3A_120] : memref<32x512xf32, #tpu.memory_space<vmem>>[vector<16xi32>, vector<16xi32>], vector<16xf32>,
      %gather3A_200 = tpu.vector_load_idx %arg9[%broadcast_in_dim3A_188, %gather3A_127] : memref<32x1024xf32, #tpu.memory_space<vmem>>[vector<16xi32>, vector<16xi32>], vector<16xf32>,
      %sub3A_201 = arith.subf %gather3A_199, %gather3A_200 : vector<16xf32>
      %mul3A_202 = arith.mulf %sub3A_201, %sub3A_201 : vector<16xf32>
      %add3A_203 = arith.addf %add3A_159, %mul3A_202 : vector<16xf32>
      %gather3A_204 = tpu.vector_load_idx %arg12[%broadcast_in_dim3A_188, %add3A_120] : memref<32x512xf32, #tpu.memory_space<vmem>>[vector<16xi32>, vector<16xi32>], vector<16xf32>,
      %gather3A_205 = tpu.vector_load_idx %arg10[%broadcast_in_dim3A_188, %gather3A_127] : memref<32x1024xf32, #tpu.memory_space<vmem>>[vector<16xi32>, vector<16xi32>], vector<16xf32>,
      %sub3A_206 = arith.subf %gather3A_204, %gather3A_205 : vector<16xf32>
      %mul3A_207 = arith.mulf %sub3A_206, %sub3A_206 : vector<16xf32>
      %add3A_208 = arith.addf %add3A_164, %mul3A_207 : vector<16xf32>
      %broadcast_in_dim3A_209 = arith.constant 3 : i32
      %broadcast_in_dim3A_210 = vector.broadcast %broadcast_in_dim3A_209 : i32 to vector<16xi32>
      %gather3A_211 = tpu.vector_load_idx %arg11[%broadcast_in_dim3A_210, %add3A_112] : memref<32x512xf32, #tpu.memory_space<vmem>>[vector<16xi32>, vector<16xi32>], vector<16xf32>,
      %gather3A_212 = tpu.vector_load_idx %arg9[%broadcast_in_dim3A_210, %gather3A] : memref<32x1024xf32, #tpu.memory_space<vmem>>[vector<16xi32>, vector<16xi32>], vector<16xf32>,
      %sub3A_213 = arith.subf %gather3A_211, %gather3A_212 : vector<16xf32>
      %mul3A_214 = arith.mulf %sub3A_213, %sub3A_213 : vector<16xf32>
      %add3A_215 = arith.addf %add3A_171, %mul3A_214 : vector<16xf32>
      %gather3A_216 = tpu.vector_load_idx %arg12[%broadcast_in_dim3A_210, %add3A_112] : memref<32x512xf32, #tpu.memory_space<vmem>>[vector<16xi32>, vector<16xi32>], vector<16xf32>,
      %gather3A_217 = tpu.vector_load_idx %arg10[%broadcast_in_dim3A_210, %gather3A] : memref<32x1024xf32, #tpu.memory_space<vmem>>[vector<16xi32>, vector<16xi32>], vector<16xf32>,
      %sub3A_218 = arith.subf %gather3A_216, %gather3A_217 : vector<16xf32>
      %mul3A_219 = arith.mulf %sub3A_218, %sub3A_218 : vector<16xf32>
      %add3A_220 = arith.addf %add3A_176, %mul3A_219 : vector<16xf32>
      %gather3A_221 = tpu.vector_load_idx %arg11[%broadcast_in_dim3A_210, %add3A_120] : memref<32x512xf32, #tpu.memory_space<vmem>>[vector<16xi32>, vector<16xi32>], vector<16xf32>,
      %gather3A_222 = tpu.vector_load_idx %arg9[%broadcast_in_dim3A_210, %gather3A_127] : memref<32x1024xf32, #tpu.memory_space<vmem>>[vector<16xi32>, vector<16xi32>], vector<16xf32>,
      %sub3A_223 = arith.subf %gather3A_221, %gather3A_222 : vector<16xf32>
      %mul3A_224 = arith.mulf %sub3A_223, %sub3A_223 : vector<16xf32>
      %add3A_225 = arith.addf %add3A_181, %mul3A_224 : vector<16xf32>
      %gather3A_226 = tpu.vector_load_idx %arg12[%broadcast_in_dim3A_210, %add3A_120] : memref<32x512xf32, #tpu.memory_space<vmem>>[vector<16xi32>, vector<16xi32>], vector<16xf32>,
      %gather3A_227 = tpu.vector_load_idx %arg10[%broadcast_in_dim3A_210, %gather3A_127] : memref<32x1024xf32, #tpu.memory_space<vmem>>[vector<16xi32>, vector<16xi32>], vector<16xf32>,
      %sub3A_228 = arith.subf %gather3A_226, %gather3A_227 : vector<16xf32>
      %mul3A_229 = arith.mulf %sub3A_228, %sub3A_228 : vector<16xf32>
      %add3A_230 = arith.addf %add3A_186, %mul3A_229 : vector<16xf32>
      %broadcast_in_dim3A_231 = arith.constant 4 : i32
      %broadcast_in_dim3A_232 = vector.broadcast %broadcast_in_dim3A_231 : i32 to vector<16xi32>
      %gather3A_233 = tpu.vector_load_idx %arg11[%broadcast_in_dim3A_232, %add3A_112] : memref<32x512xf32, #tpu.memory_space<vmem>>[vector<16xi32>, vector<16xi32>], vector<16xf32>,
      %gather3A_234 = tpu.vector_load_idx %arg9[%broadcast_in_dim3A_232, %gather3A] : memref<32x1024xf32, #tpu.memory_space<vmem>>[vector<16xi32>, vector<16xi32>], vector<16xf32>,
      %sub3A_235 = arith.subf %gather3A_233, %gather3A_234 : vector<16xf32>
      %mul3A_236 = arith.mulf %sub3A_235, %sub3A_235 : vector<16xf32>
      %add3A_237 = arith.addf %add3A_193, %mul3A_236 : vector<16xf32>
      %gather3A_238 = tpu.vector_load_idx %arg12[%broadcast_in_dim3A_232, %add3A_112] : memref<32x512xf32, #tpu.memory_space<vmem>>[vector<16xi32>, vector<16xi32>], vector<16xf32>,
      %gather3A_239 = tpu.vector_load_idx %arg10[%broadcast_in_dim3A_232, %gather3A] : memref<32x1024xf32, #tpu.memory_space<vmem>>[vector<16xi32>, vector<16xi32>], vector<16xf32>,
      %sub3A_240 = arith.subf %gather3A_238, %gather3A_239 : vector<16xf32>
      %mul3A_241 = arith.mulf %sub3A_240, %sub3A_240 : vector<16xf32>
      %add3A_242 = arith.addf %add3A_198, %mul3A_241 : vector<16xf32>
      %gather3A_243 = tpu.vector_load_idx %arg11[%broadcast_in_dim3A_232, %add3A_120] : memref<32x512xf32, #tpu.memory_space<vmem>>[vector<16xi32>, vector<16xi32>], vector<16xf32>,
      %gather3A_244 = tpu.vector_load_idx %arg9[%broadcast_in_dim3A_232, %gather3A_127] : memref<32x1024xf32, #tpu.memory_space<vmem>>[vector<16xi32>, vector<16xi32>], vector<16xf32>,
      %sub3A_245 = arith.subf %gather3A_243, %gather3A_244 : vector<16xf32>
      %mul3A_246 = arith.mulf %sub3A_245, %sub3A_245 : vector<16xf32>
      %add3A_247 = arith.addf %add3A_203, %mul3A_246 : vector<16xf32>
      %gather3A_248 = tpu.vector_load_idx %arg12[%broadcast_in_dim3A_232, %add3A_120] : memref<32x512xf32, #tpu.memory_space<vmem>>[vector<16xi32>, vector<16xi32>], vector<16xf32>,
      %gather3A_249 = tpu.vector_load_idx %arg10[%broadcast_in_dim3A_232, %gather3A_127] : memref<32x1024xf32, #tpu.memory_space<vmem>>[vector<16xi32>, vector<16xi32>], vector<16xf32>,
      %sub3A_250 = arith.subf %gather3A_248, %gather3A_249 : vector<16xf32>
      %mul3A_251 = arith.mulf %sub3A_250, %sub3A_250 : vector<16xf32>
      %add3A_252 = arith.addf %add3A_208, %mul3A_251 : vector<16xf32>
      %broadcast_in_dim3A_253 = arith.constant 5 : i32
      %broadcast_in_dim3A_254 = vector.broadcast %broadcast_in_dim3A_253 : i32 to vector<16xi32>
      %gather3A_255 = tpu.vector_load_idx %arg11[%broadcast_in_dim3A_254, %add3A_112] : memref<32x512xf32, #tpu.memory_space<vmem>>[vector<16xi32>, vector<16xi32>], vector<16xf32>,
      %gather3A_256 = tpu.vector_load_idx %arg9[%broadcast_in_dim3A_254, %gather3A] : memref<32x1024xf32, #tpu.memory_space<vmem>>[vector<16xi32>, vector<16xi32>], vector<16xf32>,
      %sub3A_257 = arith.subf %gather3A_255, %gather3A_256 : vector<16xf32>
      %mul3A_258 = arith.mulf %sub3A_257, %sub3A_257 : vector<16xf32>
      %add3A_259 = arith.addf %add3A_215, %mul3A_258 : vector<16xf32>
      %gather3A_260 = tpu.vector_load_idx %arg12[%broadcast_in_dim3A_254, %add3A_112] : memref<32x512xf32, #tpu.memory_space<vmem>>[vector<16xi32>, vector<16xi32>], vector<16xf32>,
      %gather3A_261 = tpu.vector_load_idx %arg10[%broadcast_in_dim3A_254, %gather3A] : memref<32x1024xf32, #tpu.memory_space<vmem>>[vector<16xi32>, vector<16xi32>], vector<16xf32>,
      %sub3A_262 = arith.subf %gather3A_260, %gather3A_261 : vector<16xf32>
      %mul3A_263 = arith.mulf %sub3A_262, %sub3A_262 : vector<16xf32>
      %add3A_264 = arith.addf %add3A_220, %mul3A_263 : vector<16xf32>
      %gather3A_265 = tpu.vector_load_idx %arg11[%broadcast_in_dim3A_254, %add3A_120] : memref<32x512xf32, #tpu.memory_space<vmem>>[vector<16xi32>, vector<16xi32>], vector<16xf32>,
      %gather3A_266 = tpu.vector_load_idx %arg9[%broadcast_in_dim3A_254, %gather3A_127] : memref<32x1024xf32, #tpu.memory_space<vmem>>[vector<16xi32>, vector<16xi32>], vector<16xf32>,
      %sub3A_267 = arith.subf %gather3A_265, %gather3A_266 : vector<16xf32>
      %mul3A_268 = arith.mulf %sub3A_267, %sub3A_267 : vector<16xf32>
      %add3A_269 = arith.addf %add3A_225, %mul3A_268 : vector<16xf32>
      %gather3A_270 = tpu.vector_load_idx %arg12[%broadcast_in_dim3A_254, %add3A_120] : memref<32x512xf32, #tpu.memory_space<vmem>>[vector<16xi32>, vector<16xi32>], vector<16xf32>,
      %gather3A_271 = tpu.vector_load_idx %arg10[%broadcast_in_dim3A_254, %gather3A_127] : memref<32x1024xf32, #tpu.memory_space<vmem>>[vector<16xi32>, vector<16xi32>], vector<16xf32>,
      %sub3A_272 = arith.subf %gather3A_270, %gather3A_271 : vector<16xf32>
      %mul3A_273 = arith.mulf %sub3A_272, %sub3A_272 : vector<16xf32>
      %add3A_274 = arith.addf %add3A_230, %mul3A_273 : vector<16xf32>
      %broadcast_in_dim3A_275 = arith.constant 6 : i32
      %broadcast_in_dim3A_276 = vector.broadcast %broadcast_in_dim3A_275 : i32 to vector<16xi32>
      %gather3A_277 = tpu.vector_load_idx %arg11[%broadcast_in_dim3A_276, %add3A_112] : memref<32x512xf32, #tpu.memory_space<vmem>>[vector<16xi32>, vector<16xi32>], vector<16xf32>,
      %gather3A_278 = tpu.vector_load_idx %arg9[%broadcast_in_dim3A_276, %gather3A] : memref<32x1024xf32, #tpu.memory_space<vmem>>[vector<16xi32>, vector<16xi32>], vector<16xf32>,
      %sub3A_279 = arith.subf %gather3A_277, %gather3A_278 : vector<16xf32>
      %mul3A_280 = arith.mulf %sub3A_279, %sub3A_279 : vector<16xf32>
      %add3A_281 = arith.addf %add3A_237, %mul3A_280 : vector<16xf32>
      %gather3A_282 = tpu.vector_load_idx %arg12[%broadcast_in_dim3A_276, %add3A_112] : memref<32x512xf32, #tpu.memory_space<vmem>>[vector<16xi32>, vector<16xi32>], vector<16xf32>,
      %gather3A_283 = tpu.vector_load_idx %arg10[%broadcast_in_dim3A_276, %gather3A] : memref<32x1024xf32, #tpu.memory_space<vmem>>[vector<16xi32>, vector<16xi32>], vector<16xf32>,
      %sub3A_284 = arith.subf %gather3A_282, %gather3A_283 : vector<16xf32>
      %mul3A_285 = arith.mulf %sub3A_284, %sub3A_284 : vector<16xf32>
      %add3A_286 = arith.addf %add3A_242, %mul3A_285 : vector<16xf32>
      %gather3A_287 = tpu.vector_load_idx %arg11[%broadcast_in_dim3A_276, %add3A_120] : memref<32x512xf32, #tpu.memory_space<vmem>>[vector<16xi32>, vector<16xi32>], vector<16xf32>,
      %gather3A_288 = tpu.vector_load_idx %arg9[%broadcast_in_dim3A_276, %gather3A_127] : memref<32x1024xf32, #tpu.memory_space<vmem>>[vector<16xi32>, vector<16xi32>], vector<16xf32>,
      %sub3A_289 = arith.subf %gather3A_287, %gather3A_288 : vector<16xf32>
      %mul3A_290 = arith.mulf %sub3A_289, %sub3A_289 : vector<16xf32>
      %add3A_291 = arith.addf %add3A_247, %mul3A_290 : vector<16xf32>
      %gather3A_292 = tpu.vector_load_idx %arg12[%broadcast_in_dim3A_276, %add3A_120] : memref<32x512xf32, #tpu.memory_space<vmem>>[vector<16xi32>, vector<16xi32>], vector<16xf32>,
      %gather3A_293 = tpu.vector_load_idx %arg10[%broadcast_in_dim3A_276, %gather3A_127] : memref<32x1024xf32, #tpu.memory_space<vmem>>[vector<16xi32>, vector<16xi32>], vector<16xf32>,
      %sub3A_294 = arith.subf %gather3A_292, %gather3A_293 : vector<16xf32>
      %mul3A_295 = arith.mulf %sub3A_294, %sub3A_294 : vector<16xf32>
      %add3A_296 = arith.addf %add3A_252, %mul3A_295 : vector<16xf32>
      %broadcast_in_dim3A_297 = arith.constant 7 : i32
      %broadcast_in_dim3A_298 = vector.broadcast %broadcast_in_dim3A_297 : i32 to vector<16xi32>
      %gather3A_299 = tpu.vector_load_idx %arg11[%broadcast_in_dim3A_298, %add3A_112] : memref<32x512xf32, #tpu.memory_space<vmem>>[vector<16xi32>, vector<16xi32>], vector<16xf32>,
      %gather3A_300 = tpu.vector_load_idx %arg9[%broadcast_in_dim3A_298, %gather3A] : memref<32x1024xf32, #tpu.memory_space<vmem>>[vector<16xi32>, vector<16xi32>], vector<16xf32>,
      %sub3A_301 = arith.subf %gather3A_299, %gather3A_300 : vector<16xf32>
      %mul3A_302 = arith.mulf %sub3A_301, %sub3A_301 : vector<16xf32>
      %add3A_303 = arith.addf %add3A_259, %mul3A_302 : vector<16xf32>
      %gather3A_304 = tpu.vector_load_idx %arg12[%broadcast_in_dim3A_298, %add3A_112] : memref<32x512xf32, #tpu.memory_space<vmem>>[vector<16xi32>, vector<16xi32>], vector<16xf32>,
      %gather3A_305 = tpu.vector_load_idx %arg10[%broadcast_in_dim3A_298, %gather3A] : memref<32x1024xf32, #tpu.memory_space<vmem>>[vector<16xi32>, vector<16xi32>], vector<16xf32>,
      %sub3A_306 = arith.subf %gather3A_304, %gather3A_305 : vector<16xf32>
      %mul3A_307 = arith.mulf %sub3A_306, %sub3A_306 : vector<16xf32>
      %add3A_308 = arith.addf %add3A_264, %mul3A_307 : vector<16xf32>
      %gather3A_309 = tpu.vector_load_idx %arg11[%broadcast_in_dim3A_298, %add3A_120] : memref<32x512xf32, #tpu.memory_space<vmem>>[vector<16xi32>, vector<16xi32>], vector<16xf32>,
      %gather3A_310 = tpu.vector_load_idx %arg9[%broadcast_in_dim3A_298, %gather3A_127] : memref<32x1024xf32, #tpu.memory_space<vmem>>[vector<16xi32>, vector<16xi32>], vector<16xf32>,
      %sub3A_311 = arith.subf %gather3A_309, %gather3A_310 : vector<16xf32>
      %mul3A_312 = arith.mulf %sub3A_311, %sub3A_311 : vector<16xf32>
      %add3A_313 = arith.addf %add3A_269, %mul3A_312 : vector<16xf32>
      %gather3A_314 = tpu.vector_load_idx %arg12[%broadcast_in_dim3A_298, %add3A_120] : memref<32x512xf32, #tpu.memory_space<vmem>>[vector<16xi32>, vector<16xi32>], vector<16xf32>,
      %gather3A_315 = tpu.vector_load_idx %arg10[%broadcast_in_dim3A_298, %gather3A_127] : memref<32x1024xf32, #tpu.memory_space<vmem>>[vector<16xi32>, vector<16xi32>], vector<16xf32>,
      %sub3A_316 = arith.subf %gather3A_314, %gather3A_315 : vector<16xf32>
      %mul3A_317 = arith.mulf %sub3A_316, %sub3A_316 : vector<16xf32>
      %add3A_318 = arith.addf %add3A_274, %mul3A_317 : vector<16xf32>
      %broadcast_in_dim3A_319 = arith.constant 8 : i32
      %broadcast_in_dim3A_320 = vector.broadcast %broadcast_in_dim3A_319 : i32 to vector<16xi32>
      %gather3A_321 = tpu.vector_load_idx %arg11[%broadcast_in_dim3A_320, %add3A_112] : memref<32x512xf32, #tpu.memory_space<vmem>>[vector<16xi32>, vector<16xi32>], vector<16xf32>,
      %gather3A_322 = tpu.vector_load_idx %arg9[%broadcast_in_dim3A_320, %gather3A] : memref<32x1024xf32, #tpu.memory_space<vmem>>[vector<16xi32>, vector<16xi32>], vector<16xf32>,
      %sub3A_323 = arith.subf %gather3A_321, %gather3A_322 : vector<16xf32>
      %mul3A_324 = arith.mulf %sub3A_323, %sub3A_323 : vector<16xf32>
      %add3A_325 = arith.addf %add3A_281, %mul3A_324 : vector<16xf32>
      %gather3A_326 = tpu.vector_load_idx %arg12[%broadcast_in_dim3A_320, %add3A_112] : memref<32x512xf32, #tpu.memory_space<vmem>>[vector<16xi32>, vector<16xi32>], vector<16xf32>,
      %gather3A_327 = tpu.vector_load_idx %arg10[%broadcast_in_dim3A_320, %gather3A] : memref<32x1024xf32, #tpu.memory_space<vmem>>[vector<16xi32>, vector<16xi32>], vector<16xf32>,
      %sub3A_328 = arith.subf %gather3A_326, %gather3A_327 : vector<16xf32>
      %mul3A_329 = arith.mulf %sub3A_328, %sub3A_328 : vector<16xf32>
      %add3A_330 = arith.addf %add3A_286, %mul3A_329 : vector<16xf32>
      %gather3A_331 = tpu.vector_load_idx %arg11[%broadcast_in_dim3A_320, %add3A_120] : memref<32x512xf32, #tpu.memory_space<vmem>>[vector<16xi32>, vector<16xi32>], vector<16xf32>,
      %gather3A_332 = tpu.vector_load_idx %arg9[%broadcast_in_dim3A_320, %gather3A_127] : memref<32x1024xf32, #tpu.memory_space<vmem>>[vector<16xi32>, vector<16xi32>], vector<16xf32>,
      %sub3A_333 = arith.subf %gather3A_331, %gather3A_332 : vector<16xf32>
      %mul3A_334 = arith.mulf %sub3A_333, %sub3A_333 : vector<16xf32>
      %add3A_335 = arith.addf %add3A_291, %mul3A_334 : vector<16xf32>
      %gather3A_336 = tpu.vector_load_idx %arg12[%broadcast_in_dim3A_320, %add3A_120] : memref<32x512xf32, #tpu.memory_space<vmem>>[vector<16xi32>, vector<16xi32>], vector<16xf32>,
      %gather3A_337 = tpu.vector_load_idx %arg10[%broadcast_in_dim3A_320, %gather3A_127] : memref<32x1024xf32, #tpu.memory_space<vmem>>[vector<16xi32>, vector<16xi32>], vector<16xf32>,
      %sub3A_338 = arith.subf %gather3A_336, %gather3A_337 : vector<16xf32>
      %mul3A_339 = arith.mulf %sub3A_338, %sub3A_338 : vector<16xf32>
      %add3A_340 = arith.addf %add3A_296, %mul3A_339 : vector<16xf32>
      %broadcast_in_dim3A_341 = arith.constant 9 : i32
      %broadcast_in_dim3A_342 = vector.broadcast %broadcast_in_dim3A_341 : i32 to vector<16xi32>
      %gather3A_343 = tpu.vector_load_idx %arg11[%broadcast_in_dim3A_342, %add3A_112] : memref<32x512xf32, #tpu.memory_space<vmem>>[vector<16xi32>, vector<16xi32>], vector<16xf32>,
      %gather3A_344 = tpu.vector_load_idx %arg9[%broadcast_in_dim3A_342, %gather3A] : memref<32x1024xf32, #tpu.memory_space<vmem>>[vector<16xi32>, vector<16xi32>], vector<16xf32>,
      %sub3A_345 = arith.subf %gather3A_343, %gather3A_344 : vector<16xf32>
      %mul3A_346 = arith.mulf %sub3A_345, %sub3A_345 : vector<16xf32>
      %add3A_347 = arith.addf %add3A_303, %mul3A_346 : vector<16xf32>
      %gather3A_348 = tpu.vector_load_idx %arg12[%broadcast_in_dim3A_342, %add3A_112] : memref<32x512xf32, #tpu.memory_space<vmem>>[vector<16xi32>, vector<16xi32>], vector<16xf32>,
      %gather3A_349 = tpu.vector_load_idx %arg10[%broadcast_in_dim3A_342, %gather3A] : memref<32x1024xf32, #tpu.memory_space<vmem>>[vector<16xi32>, vector<16xi32>], vector<16xf32>,
      %sub3A_350 = arith.subf %gather3A_348, %gather3A_349 : vector<16xf32>
      %mul3A_351 = arith.mulf %sub3A_350, %sub3A_350 : vector<16xf32>
      %add3A_352 = arith.addf %add3A_308, %mul3A_351 : vector<16xf32>
      %gather3A_353 = tpu.vector_load_idx %arg11[%broadcast_in_dim3A_342, %add3A_120] : memref<32x512xf32, #tpu.memory_space<vmem>>[vector<16xi32>, vector<16xi32>], vector<16xf32>,
      %gather3A_354 = tpu.vector_load_idx %arg9[%broadcast_in_dim3A_342, %gather3A_127] : memref<32x1024xf32, #tpu.memory_space<vmem>>[vector<16xi32>, vector<16xi32>], vector<16xf32>,
      %sub3A_355 = arith.subf %gather3A_353, %gather3A_354 : vector<16xf32>
      %mul3A_356 = arith.mulf %sub3A_355, %sub3A_355 : vector<16xf32>
      %add3A_357 = arith.addf %add3A_313, %mul3A_356 : vector<16xf32>
      %gather3A_358 = tpu.vector_load_idx %arg12[%broadcast_in_dim3A_342, %add3A_120] : memref<32x512xf32, #tpu.memory_space<vmem>>[vector<16xi32>, vector<16xi32>], vector<16xf32>,
      %gather3A_359 = tpu.vector_load_idx %arg10[%broadcast_in_dim3A_342, %gather3A_127] : memref<32x1024xf32, #tpu.memory_space<vmem>>[vector<16xi32>, vector<16xi32>], vector<16xf32>,
      %sub3A_360 = arith.subf %gather3A_358, %gather3A_359 : vector<16xf32>
      %mul3A_361 = arith.mulf %sub3A_360, %sub3A_360 : vector<16xf32>
      %add3A_362 = arith.addf %add3A_318, %mul3A_361 : vector<16xf32>
      %broadcast_in_dim3A_363 = arith.constant 10 : i32
      %broadcast_in_dim3A_364 = vector.broadcast %broadcast_in_dim3A_363 : i32 to vector<16xi32>
      %gather3A_365 = tpu.vector_load_idx %arg11[%broadcast_in_dim3A_364, %add3A_112] : memref<32x512xf32, #tpu.memory_space<vmem>>[vector<16xi32>, vector<16xi32>], vector<16xf32>,
      %gather3A_366 = tpu.vector_load_idx %arg9[%broadcast_in_dim3A_364, %gather3A] : memref<32x1024xf32, #tpu.memory_space<vmem>>[vector<16xi32>, vector<16xi32>], vector<16xf32>,
      %sub3A_367 = arith.subf %gather3A_365, %gather3A_366 : vector<16xf32>
      %mul3A_368 = arith.mulf %sub3A_367, %sub3A_367 : vector<16xf32>
      %add3A_369 = arith.addf %add3A_325, %mul3A_368 : vector<16xf32>
      %gather3A_370 = tpu.vector_load_idx %arg12[%broadcast_in_dim3A_364, %add3A_112] : memref<32x512xf32, #tpu.memory_space<vmem>>[vector<16xi32>, vector<16xi32>], vector<16xf32>,
      %gather3A_371 = tpu.vector_load_idx %arg10[%broadcast_in_dim3A_364, %gather3A] : memref<32x1024xf32, #tpu.memory_space<vmem>>[vector<16xi32>, vector<16xi32>], vector<16xf32>,
      %sub3A_372 = arith.subf %gather3A_370, %gather3A_371 : vector<16xf32>
      %mul3A_373 = arith.mulf %sub3A_372, %sub3A_372 : vector<16xf32>
      %add3A_374 = arith.addf %add3A_330, %mul3A_373 : vector<16xf32>
      %gather3A_375 = tpu.vector_load_idx %arg11[%broadcast_in_dim3A_364, %add3A_120] : memref<32x512xf32, #tpu.memory_space<vmem>>[vector<16xi32>, vector<16xi32>], vector<16xf32>,
      %gather3A_376 = tpu.vector_load_idx %arg9[%broadcast_in_dim3A_364, %gather3A_127] : memref<32x1024xf32, #tpu.memory_space<vmem>>[vector<16xi32>, vector<16xi32>], vector<16xf32>,
      %sub3A_377 = arith.subf %gather3A_375, %gather3A_376 : vector<16xf32>
      %mul3A_378 = arith.mulf %sub3A_377, %sub3A_377 : vector<16xf32>
      %add3A_379 = arith.addf %add3A_335, %mul3A_378 : vector<16xf32>
      %gather3A_380 = tpu.vector_load_idx %arg12[%broadcast_in_dim3A_364, %add3A_120] : memref<32x512xf32, #tpu.memory_space<vmem>>[vector<16xi32>, vector<16xi32>], vector<16xf32>,
      %gather3A_381 = tpu.vector_load_idx %arg10[%broadcast_in_dim3A_364, %gather3A_127] : memref<32x1024xf32, #tpu.memory_space<vmem>>[vector<16xi32>, vector<16xi32>], vector<16xf32>,
      %sub3A_382 = arith.subf %gather3A_380, %gather3A_381 : vector<16xf32>
      %mul3A_383 = arith.mulf %sub3A_382, %sub3A_382 : vector<16xf32>
      %add3A_384 = arith.addf %add3A_340, %mul3A_383 : vector<16xf32>
      %broadcast_in_dim3A_385 = arith.constant 11 : i32
      %broadcast_in_dim3A_386 = vector.broadcast %broadcast_in_dim3A_385 : i32 to vector<16xi32>
      %gather3A_387 = tpu.vector_load_idx %arg11[%broadcast_in_dim3A_386, %add3A_112] : memref<32x512xf32, #tpu.memory_space<vmem>>[vector<16xi32>, vector<16xi32>], vector<16xf32>,
      %gather3A_388 = tpu.vector_load_idx %arg9[%broadcast_in_dim3A_386, %gather3A] : memref<32x1024xf32, #tpu.memory_space<vmem>>[vector<16xi32>, vector<16xi32>], vector<16xf32>,
      %sub3A_389 = arith.subf %gather3A_387, %gather3A_388 : vector<16xf32>
      %mul3A_390 = arith.mulf %sub3A_389, %sub3A_389 : vector<16xf32>
      %add3A_391 = arith.addf %add3A_347, %mul3A_390 : vector<16xf32>
      %gather3A_392 = tpu.vector_load_idx %arg12[%broadcast_in_dim3A_386, %add3A_112] : memref<32x512xf32, #tpu.memory_space<vmem>>[vector<16xi32>, vector<16xi32>], vector<16xf32>,
      %gather3A_393 = tpu.vector_load_idx %arg10[%broadcast_in_dim3A_386, %gather3A] : memref<32x1024xf32, #tpu.memory_space<vmem>>[vector<16xi32>, vector<16xi32>], vector<16xf32>,
      %sub3A_394 = arith.subf %gather3A_392, %gather3A_393 : vector<16xf32>
      %mul3A_395 = arith.mulf %sub3A_394, %sub3A_394 : vector<16xf32>
      %add3A_396 = arith.addf %add3A_352, %mul3A_395 : vector<16xf32>
      %gather3A_397 = tpu.vector_load_idx %arg11[%broadcast_in_dim3A_386, %add3A_120] : memref<32x512xf32, #tpu.memory_space<vmem>>[vector<16xi32>, vector<16xi32>], vector<16xf32>,
      %gather3A_398 = tpu.vector_load_idx %arg9[%broadcast_in_dim3A_386, %gather3A_127] : memref<32x1024xf32, #tpu.memory_space<vmem>>[vector<16xi32>, vector<16xi32>], vector<16xf32>,
      %sub3A_399 = arith.subf %gather3A_397, %gather3A_398 : vector<16xf32>
      %mul3A_400 = arith.mulf %sub3A_399, %sub3A_399 : vector<16xf32>
      %add3A_401 = arith.addf %add3A_357, %mul3A_400 : vector<16xf32>
      %gather3A_402 = tpu.vector_load_idx %arg12[%broadcast_in_dim3A_386, %add3A_120] : memref<32x512xf32, #tpu.memory_space<vmem>>[vector<16xi32>, vector<16xi32>], vector<16xf32>,
      %gather3A_403 = tpu.vector_load_idx %arg10[%broadcast_in_dim3A_386, %gather3A_127] : memref<32x1024xf32, #tpu.memory_space<vmem>>[vector<16xi32>, vector<16xi32>], vector<16xf32>,
      %sub3A_404 = arith.subf %gather3A_402, %gather3A_403 : vector<16xf32>
      %mul3A_405 = arith.mulf %sub3A_404, %sub3A_404 : vector<16xf32>
      %add3A_406 = arith.addf %add3A_362, %mul3A_405 : vector<16xf32>
      %broadcast_in_dim3A_407 = arith.constant 12 : i32
      %broadcast_in_dim3A_408 = vector.broadcast %broadcast_in_dim3A_407 : i32 to vector<16xi32>
      %gather3A_409 = tpu.vector_load_idx %arg11[%broadcast_in_dim3A_408, %add3A_112] : memref<32x512xf32, #tpu.memory_space<vmem>>[vector<16xi32>, vector<16xi32>], vector<16xf32>,
      %gather3A_410 = tpu.vector_load_idx %arg9[%broadcast_in_dim3A_408, %gather3A] : memref<32x1024xf32, #tpu.memory_space<vmem>>[vector<16xi32>, vector<16xi32>], vector<16xf32>,
      %sub3A_411 = arith.subf %gather3A_409, %gather3A_410 : vector<16xf32>
      %mul3A_412 = arith.mulf %sub3A_411, %sub3A_411 : vector<16xf32>
      %add3A_413 = arith.addf %add3A_369, %mul3A_412 : vector<16xf32>
      %gather3A_414 = tpu.vector_load_idx %arg12[%broadcast_in_dim3A_408, %add3A_112] : memref<32x512xf32, #tpu.memory_space<vmem>>[vector<16xi32>, vector<16xi32>], vector<16xf32>,
      %gather3A_415 = tpu.vector_load_idx %arg10[%broadcast_in_dim3A_408, %gather3A] : memref<32x1024xf32, #tpu.memory_space<vmem>>[vector<16xi32>, vector<16xi32>], vector<16xf32>,
      %sub3A_416 = arith.subf %gather3A_414, %gather3A_415 : vector<16xf32>
      %mul3A_417 = arith.mulf %sub3A_416, %sub3A_416 : vector<16xf32>
      %add3A_418 = arith.addf %add3A_374, %mul3A_417 : vector<16xf32>
      %gather3A_419 = tpu.vector_load_idx %arg11[%broadcast_in_dim3A_408, %add3A_120] : memref<32x512xf32, #tpu.memory_space<vmem>>[vector<16xi32>, vector<16xi32>], vector<16xf32>,
      %gather3A_420 = tpu.vector_load_idx %arg9[%broadcast_in_dim3A_408, %gather3A_127] : memref<32x1024xf32, #tpu.memory_space<vmem>>[vector<16xi32>, vector<16xi32>], vector<16xf32>,
      %sub3A_421 = arith.subf %gather3A_419, %gather3A_420 : vector<16xf32>
      %mul3A_422 = arith.mulf %sub3A_421, %sub3A_421 : vector<16xf32>
      %add3A_423 = arith.addf %add3A_379, %mul3A_422 : vector<16xf32>
      %gather3A_424 = tpu.vector_load_idx %arg12[%broadcast_in_dim3A_408, %add3A_120] : memref<32x512xf32, #tpu.memory_space<vmem>>[vector<16xi32>, vector<16xi32>], vector<16xf32>,
      %gather3A_425 = tpu.vector_load_idx %arg10[%broadcast_in_dim3A_408, %gather3A_127] : memref<32x1024xf32, #tpu.memory_space<vmem>>[vector<16xi32>, vector<16xi32>], vector<16xf32>,
      %sub3A_426 = arith.subf %gather3A_424, %gather3A_425 : vector<16xf32>
      %mul3A_427 = arith.mulf %sub3A_426, %sub3A_426 : vector<16xf32>
      %add3A_428 = arith.addf %add3A_384, %mul3A_427 : vector<16xf32>
      %broadcast_in_dim3A_429 = arith.constant 13 : i32
      %broadcast_in_dim3A_430 = vector.broadcast %broadcast_in_dim3A_429 : i32 to vector<16xi32>
      %gather3A_431 = tpu.vector_load_idx %arg11[%broadcast_in_dim3A_430, %add3A_112] : memref<32x512xf32, #tpu.memory_space<vmem>>[vector<16xi32>, vector<16xi32>], vector<16xf32>,
      %gather3A_432 = tpu.vector_load_idx %arg9[%broadcast_in_dim3A_430, %gather3A] : memref<32x1024xf32, #tpu.memory_space<vmem>>[vector<16xi32>, vector<16xi32>], vector<16xf32>,
      %sub3A_433 = arith.subf %gather3A_431, %gather3A_432 : vector<16xf32>
      %mul3A_434 = arith.mulf %sub3A_433, %sub3A_433 : vector<16xf32>
      %add3A_435 = arith.addf %add3A_391, %mul3A_434 : vector<16xf32>
      %gather3A_436 = tpu.vector_load_idx %arg12[%broadcast_in_dim3A_430, %add3A_112] : memref<32x512xf32, #tpu.memory_space<vmem>>[vector<16xi32>, vector<16xi32>], vector<16xf32>,
      %gather3A_437 = tpu.vector_load_idx %arg10[%broadcast_in_dim3A_430, %gather3A] : memref<32x1024xf32, #tpu.memory_space<vmem>>[vector<16xi32>, vector<16xi32>], vector<16xf32>,
      %sub3A_438 = arith.subf %gather3A_436, %gather3A_437 : vector<16xf32>
      %mul3A_439 = arith.mulf %sub3A_438, %sub3A_438 : vector<16xf32>
      %add3A_440 = arith.addf %add3A_396, %mul3A_439 : vector<16xf32>
      %gather3A_441 = tpu.vector_load_idx %arg11[%broadcast_in_dim3A_430, %add3A_120] : memref<32x512xf32, #tpu.memory_space<vmem>>[vector<16xi32>, vector<16xi32>], vector<16xf32>,
      %gather3A_442 = tpu.vector_load_idx %arg9[%broadcast_in_dim3A_430, %gather3A_127] : memref<32x1024xf32, #tpu.memory_space<vmem>>[vector<16xi32>, vector<16xi32>], vector<16xf32>,
      %sub3A_443 = arith.subf %gather3A_441, %gather3A_442 : vector<16xf32>
      %mul3A_444 = arith.mulf %sub3A_443, %sub3A_443 : vector<16xf32>
      %add3A_445 = arith.addf %add3A_401, %mul3A_444 : vector<16xf32>
      %gather3A_446 = tpu.vector_load_idx %arg12[%broadcast_in_dim3A_430, %add3A_120] : memref<32x512xf32, #tpu.memory_space<vmem>>[vector<16xi32>, vector<16xi32>], vector<16xf32>,
      %gather3A_447 = tpu.vector_load_idx %arg10[%broadcast_in_dim3A_430, %gather3A_127] : memref<32x1024xf32, #tpu.memory_space<vmem>>[vector<16xi32>, vector<16xi32>], vector<16xf32>,
      %sub3A_448 = arith.subf %gather3A_446, %gather3A_447 : vector<16xf32>
      %mul3A_449 = arith.mulf %sub3A_448, %sub3A_448 : vector<16xf32>
      %add3A_450 = arith.addf %add3A_406, %mul3A_449 : vector<16xf32>
      %broadcast_in_dim3A_451 = arith.constant 14 : i32
      %broadcast_in_dim3A_452 = vector.broadcast %broadcast_in_dim3A_451 : i32 to vector<16xi32>
      %gather3A_453 = tpu.vector_load_idx %arg11[%broadcast_in_dim3A_452, %add3A_112] : memref<32x512xf32, #tpu.memory_space<vmem>>[vector<16xi32>, vector<16xi32>], vector<16xf32>,
      %gather3A_454 = tpu.vector_load_idx %arg9[%broadcast_in_dim3A_452, %gather3A] : memref<32x1024xf32, #tpu.memory_space<vmem>>[vector<16xi32>, vector<16xi32>], vector<16xf32>,
      %sub3A_455 = arith.subf %gather3A_453, %gather3A_454 : vector<16xf32>
      %mul3A_456 = arith.mulf %sub3A_455, %sub3A_455 : vector<16xf32>
      %add3A_457 = arith.addf %add3A_413, %mul3A_456 : vector<16xf32>
      %gather3A_458 = tpu.vector_load_idx %arg12[%broadcast_in_dim3A_452, %add3A_112] : memref<32x512xf32, #tpu.memory_space<vmem>>[vector<16xi32>, vector<16xi32>], vector<16xf32>,
      %gather3A_459 = tpu.vector_load_idx %arg10[%broadcast_in_dim3A_452, %gather3A] : memref<32x1024xf32, #tpu.memory_space<vmem>>[vector<16xi32>, vector<16xi32>], vector<16xf32>,
      %sub3A_460 = arith.subf %gather3A_458, %gather3A_459 : vector<16xf32>
      %mul3A_461 = arith.mulf %sub3A_460, %sub3A_460 : vector<16xf32>
      %add3A_462 = arith.addf %add3A_418, %mul3A_461 : vector<16xf32>
      %gather3A_463 = tpu.vector_load_idx %arg11[%broadcast_in_dim3A_452, %add3A_120] : memref<32x512xf32, #tpu.memory_space<vmem>>[vector<16xi32>, vector<16xi32>], vector<16xf32>,
      %gather3A_464 = tpu.vector_load_idx %arg9[%broadcast_in_dim3A_452, %gather3A_127] : memref<32x1024xf32, #tpu.memory_space<vmem>>[vector<16xi32>, vector<16xi32>], vector<16xf32>,
      %sub3A_465 = arith.subf %gather3A_463, %gather3A_464 : vector<16xf32>
      %mul3A_466 = arith.mulf %sub3A_465, %sub3A_465 : vector<16xf32>
      %add3A_467 = arith.addf %add3A_423, %mul3A_466 : vector<16xf32>
      %gather3A_468 = tpu.vector_load_idx %arg12[%broadcast_in_dim3A_452, %add3A_120] : memref<32x512xf32, #tpu.memory_space<vmem>>[vector<16xi32>, vector<16xi32>], vector<16xf32>,
      %gather3A_469 = tpu.vector_load_idx %arg10[%broadcast_in_dim3A_452, %gather3A_127] : memref<32x1024xf32, #tpu.memory_space<vmem>>[vector<16xi32>, vector<16xi32>], vector<16xf32>,
      %sub3A_470 = arith.subf %gather3A_468, %gather3A_469 : vector<16xf32>
      %mul3A_471 = arith.mulf %sub3A_470, %sub3A_470 : vector<16xf32>
      %add3A_472 = arith.addf %add3A_428, %mul3A_471 : vector<16xf32>
      %broadcast_in_dim3A_473 = arith.constant 15 : i32
      %broadcast_in_dim3A_474 = vector.broadcast %broadcast_in_dim3A_473 : i32 to vector<16xi32>
      %gather3A_475 = tpu.vector_load_idx %arg11[%broadcast_in_dim3A_474, %add3A_112] : memref<32x512xf32, #tpu.memory_space<vmem>>[vector<16xi32>, vector<16xi32>], vector<16xf32>,
      %gather3A_476 = tpu.vector_load_idx %arg9[%broadcast_in_dim3A_474, %gather3A] : memref<32x1024xf32, #tpu.memory_space<vmem>>[vector<16xi32>, vector<16xi32>], vector<16xf32>,
      %sub3A_477 = arith.subf %gather3A_475, %gather3A_476 : vector<16xf32>
      %mul3A_478 = arith.mulf %sub3A_477, %sub3A_477 : vector<16xf32>
      %add3A_479 = arith.addf %add3A_435, %mul3A_478 : vector<16xf32>
      %gather3A_480 = tpu.vector_load_idx %arg12[%broadcast_in_dim3A_474, %add3A_112] : memref<32x512xf32, #tpu.memory_space<vmem>>[vector<16xi32>, vector<16xi32>], vector<16xf32>,
      %gather3A_481 = tpu.vector_load_idx %arg10[%broadcast_in_dim3A_474, %gather3A] : memref<32x1024xf32, #tpu.memory_space<vmem>>[vector<16xi32>, vector<16xi32>], vector<16xf32>,
      %sub3A_482 = arith.subf %gather3A_480, %gather3A_481 : vector<16xf32>
      %mul3A_483 = arith.mulf %sub3A_482, %sub3A_482 : vector<16xf32>
      %add3A_484 = arith.addf %add3A_440, %mul3A_483 : vector<16xf32>
      %gather3A_485 = tpu.vector_load_idx %arg11[%broadcast_in_dim3A_474, %add3A_120] : memref<32x512xf32, #tpu.memory_space<vmem>>[vector<16xi32>, vector<16xi32>], vector<16xf32>,
      %gather3A_486 = tpu.vector_load_idx %arg9[%broadcast_in_dim3A_474, %gather3A_127] : memref<32x1024xf32, #tpu.memory_space<vmem>>[vector<16xi32>, vector<16xi32>], vector<16xf32>,
      %sub3A_487 = arith.subf %gather3A_485, %gather3A_486 : vector<16xf32>
      %mul3A_488 = arith.mulf %sub3A_487, %sub3A_487 : vector<16xf32>
      %add3A_489 = arith.addf %add3A_445, %mul3A_488 : vector<16xf32>
      %gather3A_490 = tpu.vector_load_idx %arg12[%broadcast_in_dim3A_474, %add3A_120] : memref<32x512xf32, #tpu.memory_space<vmem>>[vector<16xi32>, vector<16xi32>], vector<16xf32>,
      %gather3A_491 = tpu.vector_load_idx %arg10[%broadcast_in_dim3A_474, %gather3A_127] : memref<32x1024xf32, #tpu.memory_space<vmem>>[vector<16xi32>, vector<16xi32>], vector<16xf32>,
      %sub3A_492 = arith.subf %gather3A_490, %gather3A_491 : vector<16xf32>
      %mul3A_493 = arith.mulf %sub3A_492, %sub3A_492 : vector<16xf32>
      %add3A_494 = arith.addf %add3A_450, %mul3A_493 : vector<16xf32>
      %broadcast_in_dim3A_495 = arith.constant 16 : i32
      %broadcast_in_dim3A_496 = vector.broadcast %broadcast_in_dim3A_495 : i32 to vector<16xi32>
      %gather3A_497 = tpu.vector_load_idx %arg11[%broadcast_in_dim3A_496, %add3A_112] : memref<32x512xf32, #tpu.memory_space<vmem>>[vector<16xi32>, vector<16xi32>], vector<16xf32>,
      %gather3A_498 = tpu.vector_load_idx %arg9[%broadcast_in_dim3A_496, %gather3A] : memref<32x1024xf32, #tpu.memory_space<vmem>>[vector<16xi32>, vector<16xi32>], vector<16xf32>,
      %sub3A_499 = arith.subf %gather3A_497, %gather3A_498 : vector<16xf32>
      %mul3A_500 = arith.mulf %sub3A_499, %sub3A_499 : vector<16xf32>
      %add3A_501 = arith.addf %add3A_457, %mul3A_500 : vector<16xf32>
      %gather3A_502 = tpu.vector_load_idx %arg12[%broadcast_in_dim3A_496, %add3A_112] : memref<32x512xf32, #tpu.memory_space<vmem>>[vector<16xi32>, vector<16xi32>], vector<16xf32>,
      %gather3A_503 = tpu.vector_load_idx %arg10[%broadcast_in_dim3A_496, %gather3A] : memref<32x1024xf32, #tpu.memory_space<vmem>>[vector<16xi32>, vector<16xi32>], vector<16xf32>,
      %sub3A_504 = arith.subf %gather3A_502, %gather3A_503 : vector<16xf32>
      %mul3A_505 = arith.mulf %sub3A_504, %sub3A_504 : vector<16xf32>
      %add3A_506 = arith.addf %add3A_462, %mul3A_505 : vector<16xf32>
      %gather3A_507 = tpu.vector_load_idx %arg11[%broadcast_in_dim3A_496, %add3A_120] : memref<32x512xf32, #tpu.memory_space<vmem>>[vector<16xi32>, vector<16xi32>], vector<16xf32>,
      %gather3A_508 = tpu.vector_load_idx %arg9[%broadcast_in_dim3A_496, %gather3A_127] : memref<32x1024xf32, #tpu.memory_space<vmem>>[vector<16xi32>, vector<16xi32>], vector<16xf32>,
      %sub3A_509 = arith.subf %gather3A_507, %gather3A_508 : vector<16xf32>
      %mul3A_510 = arith.mulf %sub3A_509, %sub3A_509 : vector<16xf32>
      %add3A_511 = arith.addf %add3A_467, %mul3A_510 : vector<16xf32>
      %gather3A_512 = tpu.vector_load_idx %arg12[%broadcast_in_dim3A_496, %add3A_120] : memref<32x512xf32, #tpu.memory_space<vmem>>[vector<16xi32>, vector<16xi32>], vector<16xf32>,
      %gather3A_513 = tpu.vector_load_idx %arg10[%broadcast_in_dim3A_496, %gather3A_127] : memref<32x1024xf32, #tpu.memory_space<vmem>>[vector<16xi32>, vector<16xi32>], vector<16xf32>,
      %sub3A_514 = arith.subf %gather3A_512, %gather3A_513 : vector<16xf32>
      %mul3A_515 = arith.mulf %sub3A_514, %sub3A_514 : vector<16xf32>
      %add3A_516 = arith.addf %add3A_472, %mul3A_515 : vector<16xf32>
      %broadcast_in_dim3A_517 = arith.constant 17 : i32
      %broadcast_in_dim3A_518 = vector.broadcast %broadcast_in_dim3A_517 : i32 to vector<16xi32>
      %gather3A_519 = tpu.vector_load_idx %arg11[%broadcast_in_dim3A_518, %add3A_112] : memref<32x512xf32, #tpu.memory_space<vmem>>[vector<16xi32>, vector<16xi32>], vector<16xf32>,
      %gather3A_520 = tpu.vector_load_idx %arg9[%broadcast_in_dim3A_518, %gather3A] : memref<32x1024xf32, #tpu.memory_space<vmem>>[vector<16xi32>, vector<16xi32>], vector<16xf32>,
      %sub3A_521 = arith.subf %gather3A_519, %gather3A_520 : vector<16xf32>
      %mul3A_522 = arith.mulf %sub3A_521, %sub3A_521 : vector<16xf32>
      %add3A_523 = arith.addf %add3A_479, %mul3A_522 : vector<16xf32>
      %gather3A_524 = tpu.vector_load_idx %arg12[%broadcast_in_dim3A_518, %add3A_112] : memref<32x512xf32, #tpu.memory_space<vmem>>[vector<16xi32>, vector<16xi32>], vector<16xf32>,
      %gather3A_525 = tpu.vector_load_idx %arg10[%broadcast_in_dim3A_518, %gather3A] : memref<32x1024xf32, #tpu.memory_space<vmem>>[vector<16xi32>, vector<16xi32>], vector<16xf32>,
      %sub3A_526 = arith.subf %gather3A_524, %gather3A_525 : vector<16xf32>
      %mul3A_527 = arith.mulf %sub3A_526, %sub3A_526 : vector<16xf32>
      %add3A_528 = arith.addf %add3A_484, %mul3A_527 : vector<16xf32>
      %gather3A_529 = tpu.vector_load_idx %arg11[%broadcast_in_dim3A_518, %add3A_120] : memref<32x512xf32, #tpu.memory_space<vmem>>[vector<16xi32>, vector<16xi32>], vector<16xf32>,
      %gather3A_530 = tpu.vector_load_idx %arg9[%broadcast_in_dim3A_518, %gather3A_127] : memref<32x1024xf32, #tpu.memory_space<vmem>>[vector<16xi32>, vector<16xi32>], vector<16xf32>,
      %sub3A_531 = arith.subf %gather3A_529, %gather3A_530 : vector<16xf32>
      %mul3A_532 = arith.mulf %sub3A_531, %sub3A_531 : vector<16xf32>
      %add3A_533 = arith.addf %add3A_489, %mul3A_532 : vector<16xf32>
      %gather3A_534 = tpu.vector_load_idx %arg12[%broadcast_in_dim3A_518, %add3A_120] : memref<32x512xf32, #tpu.memory_space<vmem>>[vector<16xi32>, vector<16xi32>], vector<16xf32>,
      %gather3A_535 = tpu.vector_load_idx %arg10[%broadcast_in_dim3A_518, %gather3A_127] : memref<32x1024xf32, #tpu.memory_space<vmem>>[vector<16xi32>, vector<16xi32>], vector<16xf32>,
      %sub3A_536 = arith.subf %gather3A_534, %gather3A_535 : vector<16xf32>
      %mul3A_537 = arith.mulf %sub3A_536, %sub3A_536 : vector<16xf32>
      %add3A_538 = arith.addf %add3A_494, %mul3A_537 : vector<16xf32>
      %broadcast_in_dim3A_539 = arith.constant 18 : i32
      %broadcast_in_dim3A_540 = vector.broadcast %broadcast_in_dim3A_539 : i32 to vector<16xi32>
      %gather3A_541 = tpu.vector_load_idx %arg11[%broadcast_in_dim3A_540, %add3A_112] : memref<32x512xf32, #tpu.memory_space<vmem>>[vector<16xi32>, vector<16xi32>], vector<16xf32>,
      %gather3A_542 = tpu.vector_load_idx %arg9[%broadcast_in_dim3A_540, %gather3A] : memref<32x1024xf32, #tpu.memory_space<vmem>>[vector<16xi32>, vector<16xi32>], vector<16xf32>,
      %sub3A_543 = arith.subf %gather3A_541, %gather3A_542 : vector<16xf32>
      %mul3A_544 = arith.mulf %sub3A_543, %sub3A_543 : vector<16xf32>
      %add3A_545 = arith.addf %add3A_501, %mul3A_544 : vector<16xf32>
      %gather3A_546 = tpu.vector_load_idx %arg12[%broadcast_in_dim3A_540, %add3A_112] : memref<32x512xf32, #tpu.memory_space<vmem>>[vector<16xi32>, vector<16xi32>], vector<16xf32>,
      %gather3A_547 = tpu.vector_load_idx %arg10[%broadcast_in_dim3A_540, %gather3A] : memref<32x1024xf32, #tpu.memory_space<vmem>>[vector<16xi32>, vector<16xi32>], vector<16xf32>,
      %sub3A_548 = arith.subf %gather3A_546, %gather3A_547 : vector<16xf32>
      %mul3A_549 = arith.mulf %sub3A_548, %sub3A_548 : vector<16xf32>
      %add3A_550 = arith.addf %add3A_506, %mul3A_549 : vector<16xf32>
      %gather3A_551 = tpu.vector_load_idx %arg11[%broadcast_in_dim3A_540, %add3A_120] : memref<32x512xf32, #tpu.memory_space<vmem>>[vector<16xi32>, vector<16xi32>], vector<16xf32>,
      %gather3A_552 = tpu.vector_load_idx %arg9[%broadcast_in_dim3A_540, %gather3A_127] : memref<32x1024xf32, #tpu.memory_space<vmem>>[vector<16xi32>, vector<16xi32>], vector<16xf32>,
      %sub3A_553 = arith.subf %gather3A_551, %gather3A_552 : vector<16xf32>
      %mul3A_554 = arith.mulf %sub3A_553, %sub3A_553 : vector<16xf32>
      %add3A_555 = arith.addf %add3A_511, %mul3A_554 : vector<16xf32>
      %gather3A_556 = tpu.vector_load_idx %arg12[%broadcast_in_dim3A_540, %add3A_120] : memref<32x512xf32, #tpu.memory_space<vmem>>[vector<16xi32>, vector<16xi32>], vector<16xf32>,
      %gather3A_557 = tpu.vector_load_idx %arg10[%broadcast_in_dim3A_540, %gather3A_127] : memref<32x1024xf32, #tpu.memory_space<vmem>>[vector<16xi32>, vector<16xi32>], vector<16xf32>,
      %sub3A_558 = arith.subf %gather3A_556, %gather3A_557 : vector<16xf32>
      %mul3A_559 = arith.mulf %sub3A_558, %sub3A_558 : vector<16xf32>
      %add3A_560 = arith.addf %add3A_516, %mul3A_559 : vector<16xf32>
      %broadcast_in_dim3A_561 = arith.constant 19 : i32
      %broadcast_in_dim3A_562 = vector.broadcast %broadcast_in_dim3A_561 : i32 to vector<16xi32>
      %gather3A_563 = tpu.vector_load_idx %arg11[%broadcast_in_dim3A_562, %add3A_112] : memref<32x512xf32, #tpu.memory_space<vmem>>[vector<16xi32>, vector<16xi32>], vector<16xf32>,
      %gather3A_564 = tpu.vector_load_idx %arg9[%broadcast_in_dim3A_562, %gather3A] : memref<32x1024xf32, #tpu.memory_space<vmem>>[vector<16xi32>, vector<16xi32>], vector<16xf32>,
      %sub3A_565 = arith.subf %gather3A_563, %gather3A_564 : vector<16xf32>
      %mul3A_566 = arith.mulf %sub3A_565, %sub3A_565 : vector<16xf32>
      %add3A_567 = arith.addf %add3A_523, %mul3A_566 : vector<16xf32>
      %gather3A_568 = tpu.vector_load_idx %arg12[%broadcast_in_dim3A_562, %add3A_112] : memref<32x512xf32, #tpu.memory_space<vmem>>[vector<16xi32>, vector<16xi32>], vector<16xf32>,
      %gather3A_569 = tpu.vector_load_idx %arg10[%broadcast_in_dim3A_562, %gather3A] : memref<32x1024xf32, #tpu.memory_space<vmem>>[vector<16xi32>, vector<16xi32>], vector<16xf32>,
      %sub3A_570 = arith.subf %gather3A_568, %gather3A_569 : vector<16xf32>
      %mul3A_571 = arith.mulf %sub3A_570, %sub3A_570 : vector<16xf32>
      %add3A_572 = arith.addf %add3A_528, %mul3A_571 : vector<16xf32>
      %gather3A_573 = tpu.vector_load_idx %arg11[%broadcast_in_dim3A_562, %add3A_120] : memref<32x512xf32, #tpu.memory_space<vmem>>[vector<16xi32>, vector<16xi32>], vector<16xf32>,
      %gather3A_574 = tpu.vector_load_idx %arg9[%broadcast_in_dim3A_562, %gather3A_127] : memref<32x1024xf32, #tpu.memory_space<vmem>>[vector<16xi32>, vector<16xi32>], vector<16xf32>,
      %sub3A_575 = arith.subf %gather3A_573, %gather3A_574 : vector<16xf32>
      %mul3A_576 = arith.mulf %sub3A_575, %sub3A_575 : vector<16xf32>
      %add3A_577 = arith.addf %add3A_533, %mul3A_576 : vector<16xf32>
      %gather3A_578 = tpu.vector_load_idx %arg12[%broadcast_in_dim3A_562, %add3A_120] : memref<32x512xf32, #tpu.memory_space<vmem>>[vector<16xi32>, vector<16xi32>], vector<16xf32>,
      %gather3A_579 = tpu.vector_load_idx %arg10[%broadcast_in_dim3A_562, %gather3A_127] : memref<32x1024xf32, #tpu.memory_space<vmem>>[vector<16xi32>, vector<16xi32>], vector<16xf32>,
      %sub3A_580 = arith.subf %gather3A_578, %gather3A_579 : vector<16xf32>
      %mul3A_581 = arith.mulf %sub3A_580, %sub3A_580 : vector<16xf32>
      %add3A_582 = arith.addf %add3A_538, %mul3A_581 : vector<16xf32>
      %broadcast_in_dim3A_583 = arith.constant 20 : i32
      %broadcast_in_dim3A_584 = vector.broadcast %broadcast_in_dim3A_583 : i32 to vector<16xi32>
      %gather3A_585 = tpu.vector_load_idx %arg11[%broadcast_in_dim3A_584, %add3A_112] : memref<32x512xf32, #tpu.memory_space<vmem>>[vector<16xi32>, vector<16xi32>], vector<16xf32>,
      %gather3A_586 = tpu.vector_load_idx %arg9[%broadcast_in_dim3A_584, %gather3A] : memref<32x1024xf32, #tpu.memory_space<vmem>>[vector<16xi32>, vector<16xi32>], vector<16xf32>,
      %sub3A_587 = arith.subf %gather3A_585, %gather3A_586 : vector<16xf32>
      %mul3A_588 = arith.mulf %sub3A_587, %sub3A_587 : vector<16xf32>
      %add3A_589 = arith.addf %add3A_545, %mul3A_588 : vector<16xf32>
      %gather3A_590 = tpu.vector_load_idx %arg12[%broadcast_in_dim3A_584, %add3A_112] : memref<32x512xf32, #tpu.memory_space<vmem>>[vector<16xi32>, vector<16xi32>], vector<16xf32>,
      %gather3A_591 = tpu.vector_load_idx %arg10[%broadcast_in_dim3A_584, %gather3A] : memref<32x1024xf32, #tpu.memory_space<vmem>>[vector<16xi32>, vector<16xi32>], vector<16xf32>,
      %sub3A_592 = arith.subf %gather3A_590, %gather3A_591 : vector<16xf32>
      %mul3A_593 = arith.mulf %sub3A_592, %sub3A_592 : vector<16xf32>
      %add3A_594 = arith.addf %add3A_550, %mul3A_593 : vector<16xf32>
      %gather3A_595 = tpu.vector_load_idx %arg11[%broadcast_in_dim3A_584, %add3A_120] : memref<32x512xf32, #tpu.memory_space<vmem>>[vector<16xi32>, vector<16xi32>], vector<16xf32>,
      %gather3A_596 = tpu.vector_load_idx %arg9[%broadcast_in_dim3A_584, %gather3A_127] : memref<32x1024xf32, #tpu.memory_space<vmem>>[vector<16xi32>, vector<16xi32>], vector<16xf32>,
      %sub3A_597 = arith.subf %gather3A_595, %gather3A_596 : vector<16xf32>
      %mul3A_598 = arith.mulf %sub3A_597, %sub3A_597 : vector<16xf32>
      %add3A_599 = arith.addf %add3A_555, %mul3A_598 : vector<16xf32>
      %gather3A_600 = tpu.vector_load_idx %arg12[%broadcast_in_dim3A_584, %add3A_120] : memref<32x512xf32, #tpu.memory_space<vmem>>[vector<16xi32>, vector<16xi32>], vector<16xf32>,
      %gather3A_601 = tpu.vector_load_idx %arg10[%broadcast_in_dim3A_584, %gather3A_127] : memref<32x1024xf32, #tpu.memory_space<vmem>>[vector<16xi32>, vector<16xi32>], vector<16xf32>,
      %sub3A_602 = arith.subf %gather3A_600, %gather3A_601 : vector<16xf32>
      %mul3A_603 = arith.mulf %sub3A_602, %sub3A_602 : vector<16xf32>
      %add3A_604 = arith.addf %add3A_560, %mul3A_603 : vector<16xf32>
      %broadcast_in_dim3A_605 = arith.constant 21 : i32
      %broadcast_in_dim3A_606 = vector.broadcast %broadcast_in_dim3A_605 : i32 to vector<16xi32>
      %gather3A_607 = tpu.vector_load_idx %arg11[%broadcast_in_dim3A_606, %add3A_112] : memref<32x512xf32, #tpu.memory_space<vmem>>[vector<16xi32>, vector<16xi32>], vector<16xf32>,
      %gather3A_608 = tpu.vector_load_idx %arg9[%broadcast_in_dim3A_606, %gather3A] : memref<32x1024xf32, #tpu.memory_space<vmem>>[vector<16xi32>, vector<16xi32>], vector<16xf32>,
      %sub3A_609 = arith.subf %gather3A_607, %gather3A_608 : vector<16xf32>
      %mul3A_610 = arith.mulf %sub3A_609, %sub3A_609 : vector<16xf32>
      %add3A_611 = arith.addf %add3A_567, %mul3A_610 : vector<16xf32>
      %gather3A_612 = tpu.vector_load_idx %arg12[%broadcast_in_dim3A_606, %add3A_112] : memref<32x512xf32, #tpu.memory_space<vmem>>[vector<16xi32>, vector<16xi32>], vector<16xf32>,
      %gather3A_613 = tpu.vector_load_idx %arg10[%broadcast_in_dim3A_606, %gather3A] : memref<32x1024xf32, #tpu.memory_space<vmem>>[vector<16xi32>, vector<16xi32>], vector<16xf32>,
      %sub3A_614 = arith.subf %gather3A_612, %gather3A_613 : vector<16xf32>
      %mul3A_615 = arith.mulf %sub3A_614, %sub3A_614 : vector<16xf32>
      %add3A_616 = arith.addf %add3A_572, %mul3A_615 : vector<16xf32>
      %gather3A_617 = tpu.vector_load_idx %arg11[%broadcast_in_dim3A_606, %add3A_120] : memref<32x512xf32, #tpu.memory_space<vmem>>[vector<16xi32>, vector<16xi32>], vector<16xf32>,
      %gather3A_618 = tpu.vector_load_idx %arg9[%broadcast_in_dim3A_606, %gather3A_127] : memref<32x1024xf32, #tpu.memory_space<vmem>>[vector<16xi32>, vector<16xi32>], vector<16xf32>,
      %sub3A_619 = arith.subf %gather3A_617, %gather3A_618 : vector<16xf32>
      %mul3A_620 = arith.mulf %sub3A_619, %sub3A_619 : vector<16xf32>
      %add3A_621 = arith.addf %add3A_577, %mul3A_620 : vector<16xf32>
      %gather3A_622 = tpu.vector_load_idx %arg12[%broadcast_in_dim3A_606, %add3A_120] : memref<32x512xf32, #tpu.memory_space<vmem>>[vector<16xi32>, vector<16xi32>], vector<16xf32>,
      %gather3A_623 = tpu.vector_load_idx %arg10[%broadcast_in_dim3A_606, %gather3A_127] : memref<32x1024xf32, #tpu.memory_space<vmem>>[vector<16xi32>, vector<16xi32>], vector<16xf32>,
      %sub3A_624 = arith.subf %gather3A_622, %gather3A_623 : vector<16xf32>
      %mul3A_625 = arith.mulf %sub3A_624, %sub3A_624 : vector<16xf32>
      %add3A_626 = arith.addf %add3A_582, %mul3A_625 : vector<16xf32>
      %broadcast_in_dim3A_627 = arith.constant 22 : i32
      %broadcast_in_dim3A_628 = vector.broadcast %broadcast_in_dim3A_627 : i32 to vector<16xi32>
      %gather3A_629 = tpu.vector_load_idx %arg11[%broadcast_in_dim3A_628, %add3A_112] : memref<32x512xf32, #tpu.memory_space<vmem>>[vector<16xi32>, vector<16xi32>], vector<16xf32>,
      %gather3A_630 = tpu.vector_load_idx %arg9[%broadcast_in_dim3A_628, %gather3A] : memref<32x1024xf32, #tpu.memory_space<vmem>>[vector<16xi32>, vector<16xi32>], vector<16xf32>,
      %sub3A_631 = arith.subf %gather3A_629, %gather3A_630 : vector<16xf32>
      %mul3A_632 = arith.mulf %sub3A_631, %sub3A_631 : vector<16xf32>
      %add3A_633 = arith.addf %add3A_589, %mul3A_632 : vector<16xf32>
      %gather3A_634 = tpu.vector_load_idx %arg12[%broadcast_in_dim3A_628, %add3A_112] : memref<32x512xf32, #tpu.memory_space<vmem>>[vector<16xi32>, vector<16xi32>], vector<16xf32>,
      %gather3A_635 = tpu.vector_load_idx %arg10[%broadcast_in_dim3A_628, %gather3A] : memref<32x1024xf32, #tpu.memory_space<vmem>>[vector<16xi32>, vector<16xi32>], vector<16xf32>,
      %sub3A_636 = arith.subf %gather3A_634, %gather3A_635 : vector<16xf32>
      %mul3A_637 = arith.mulf %sub3A_636, %sub3A_636 : vector<16xf32>
      %add3A_638 = arith.addf %add3A_594, %mul3A_637 : vector<16xf32>
      %gather3A_639 = tpu.vector_load_idx %arg11[%broadcast_in_dim3A_628, %add3A_120] : memref<32x512xf32, #tpu.memory_space<vmem>>[vector<16xi32>, vector<16xi32>], vector<16xf32>,
      %gather3A_640 = tpu.vector_load_idx %arg9[%broadcast_in_dim3A_628, %gather3A_127] : memref<32x1024xf32, #tpu.memory_space<vmem>>[vector<16xi32>, vector<16xi32>], vector<16xf32>,
      %sub3A_641 = arith.subf %gather3A_639, %gather3A_640 : vector<16xf32>
      %mul3A_642 = arith.mulf %sub3A_641, %sub3A_641 : vector<16xf32>
      %add3A_643 = arith.addf %add3A_599, %mul3A_642 : vector<16xf32>
      %gather3A_644 = tpu.vector_load_idx %arg12[%broadcast_in_dim3A_628, %add3A_120] : memref<32x512xf32, #tpu.memory_space<vmem>>[vector<16xi32>, vector<16xi32>], vector<16xf32>,
      %gather3A_645 = tpu.vector_load_idx %arg10[%broadcast_in_dim3A_628, %gather3A_127] : memref<32x1024xf32, #tpu.memory_space<vmem>>[vector<16xi32>, vector<16xi32>], vector<16xf32>,
      %sub3A_646 = arith.subf %gather3A_644, %gather3A_645 : vector<16xf32>
      %mul3A_647 = arith.mulf %sub3A_646, %sub3A_646 : vector<16xf32>
      %add3A_648 = arith.addf %add3A_604, %mul3A_647 : vector<16xf32>
      %broadcast_in_dim3A_649 = arith.constant 23 : i32
      %broadcast_in_dim3A_650 = vector.broadcast %broadcast_in_dim3A_649 : i32 to vector<16xi32>
      %gather3A_651 = tpu.vector_load_idx %arg11[%broadcast_in_dim3A_650, %add3A_112] : memref<32x512xf32, #tpu.memory_space<vmem>>[vector<16xi32>, vector<16xi32>], vector<16xf32>,
      %gather3A_652 = tpu.vector_load_idx %arg9[%broadcast_in_dim3A_650, %gather3A] : memref<32x1024xf32, #tpu.memory_space<vmem>>[vector<16xi32>, vector<16xi32>], vector<16xf32>,
      %sub3A_653 = arith.subf %gather3A_651, %gather3A_652 : vector<16xf32>
      %mul3A_654 = arith.mulf %sub3A_653, %sub3A_653 : vector<16xf32>
      %add3A_655 = arith.addf %add3A_611, %mul3A_654 : vector<16xf32>
      %gather3A_656 = tpu.vector_load_idx %arg12[%broadcast_in_dim3A_650, %add3A_112] : memref<32x512xf32, #tpu.memory_space<vmem>>[vector<16xi32>, vector<16xi32>], vector<16xf32>,
      %gather3A_657 = tpu.vector_load_idx %arg10[%broadcast_in_dim3A_650, %gather3A] : memref<32x1024xf32, #tpu.memory_space<vmem>>[vector<16xi32>, vector<16xi32>], vector<16xf32>,
      %sub3A_658 = arith.subf %gather3A_656, %gather3A_657 : vector<16xf32>
      %mul3A_659 = arith.mulf %sub3A_658, %sub3A_658 : vector<16xf32>
      %add3A_660 = arith.addf %add3A_616, %mul3A_659 : vector<16xf32>
      %gather3A_661 = tpu.vector_load_idx %arg11[%broadcast_in_dim3A_650, %add3A_120] : memref<32x512xf32, #tpu.memory_space<vmem>>[vector<16xi32>, vector<16xi32>], vector<16xf32>,
      %gather3A_662 = tpu.vector_load_idx %arg9[%broadcast_in_dim3A_650, %gather3A_127] : memref<32x1024xf32, #tpu.memory_space<vmem>>[vector<16xi32>, vector<16xi32>], vector<16xf32>,
      %sub3A_663 = arith.subf %gather3A_661, %gather3A_662 : vector<16xf32>
      %mul3A_664 = arith.mulf %sub3A_663, %sub3A_663 : vector<16xf32>
      %add3A_665 = arith.addf %add3A_621, %mul3A_664 : vector<16xf32>
      %gather3A_666 = tpu.vector_load_idx %arg12[%broadcast_in_dim3A_650, %add3A_120] : memref<32x512xf32, #tpu.memory_space<vmem>>[vector<16xi32>, vector<16xi32>], vector<16xf32>,
      %gather3A_667 = tpu.vector_load_idx %arg10[%broadcast_in_dim3A_650, %gather3A_127] : memref<32x1024xf32, #tpu.memory_space<vmem>>[vector<16xi32>, vector<16xi32>], vector<16xf32>,
      %sub3A_668 = arith.subf %gather3A_666, %gather3A_667 : vector<16xf32>
      %mul3A_669 = arith.mulf %sub3A_668, %sub3A_668 : vector<16xf32>
      %add3A_670 = arith.addf %add3A_626, %mul3A_669 : vector<16xf32>
      %broadcast_in_dim3A_671 = arith.constant 24 : i32
      %broadcast_in_dim3A_672 = vector.broadcast %broadcast_in_dim3A_671 : i32 to vector<16xi32>
      %gather3A_673 = tpu.vector_load_idx %arg11[%broadcast_in_dim3A_672, %add3A_112] : memref<32x512xf32, #tpu.memory_space<vmem>>[vector<16xi32>, vector<16xi32>], vector<16xf32>,
      %gather3A_674 = tpu.vector_load_idx %arg9[%broadcast_in_dim3A_672, %gather3A] : memref<32x1024xf32, #tpu.memory_space<vmem>>[vector<16xi32>, vector<16xi32>], vector<16xf32>,
      %sub3A_675 = arith.subf %gather3A_673, %gather3A_674 : vector<16xf32>
      %mul3A_676 = arith.mulf %sub3A_675, %sub3A_675 : vector<16xf32>
      %add3A_677 = arith.addf %add3A_633, %mul3A_676 : vector<16xf32>
      %gather3A_678 = tpu.vector_load_idx %arg12[%broadcast_in_dim3A_672, %add3A_112] : memref<32x512xf32, #tpu.memory_space<vmem>>[vector<16xi32>, vector<16xi32>], vector<16xf32>,
      %gather3A_679 = tpu.vector_load_idx %arg10[%broadcast_in_dim3A_672, %gather3A] : memref<32x1024xf32, #tpu.memory_space<vmem>>[vector<16xi32>, vector<16xi32>], vector<16xf32>,
      %sub3A_680 = arith.subf %gather3A_678, %gather3A_679 : vector<16xf32>
      %mul3A_681 = arith.mulf %sub3A_680, %sub3A_680 : vector<16xf32>
      %add3A_682 = arith.addf %add3A_638, %mul3A_681 : vector<16xf32>
      %gather3A_683 = tpu.vector_load_idx %arg11[%broadcast_in_dim3A_672, %add3A_120] : memref<32x512xf32, #tpu.memory_space<vmem>>[vector<16xi32>, vector<16xi32>], vector<16xf32>,
      %gather3A_684 = tpu.vector_load_idx %arg9[%broadcast_in_dim3A_672, %gather3A_127] : memref<32x1024xf32, #tpu.memory_space<vmem>>[vector<16xi32>, vector<16xi32>], vector<16xf32>,
      %sub3A_685 = arith.subf %gather3A_683, %gather3A_684 : vector<16xf32>
      %mul3A_686 = arith.mulf %sub3A_685, %sub3A_685 : vector<16xf32>
      %add3A_687 = arith.addf %add3A_643, %mul3A_686 : vector<16xf32>
      %gather3A_688 = tpu.vector_load_idx %arg12[%broadcast_in_dim3A_672, %add3A_120] : memref<32x512xf32, #tpu.memory_space<vmem>>[vector<16xi32>, vector<16xi32>], vector<16xf32>,
      %gather3A_689 = tpu.vector_load_idx %arg10[%broadcast_in_dim3A_672, %gather3A_127] : memref<32x1024xf32, #tpu.memory_space<vmem>>[vector<16xi32>, vector<16xi32>], vector<16xf32>,
      %sub3A_690 = arith.subf %gather3A_688, %gather3A_689 : vector<16xf32>
      %mul3A_691 = arith.mulf %sub3A_690, %sub3A_690 : vector<16xf32>
      %add3A_692 = arith.addf %add3A_648, %mul3A_691 : vector<16xf32>
      %broadcast_in_dim3A_693 = arith.constant 25 : i32
      %broadcast_in_dim3A_694 = vector.broadcast %broadcast_in_dim3A_693 : i32 to vector<16xi32>
      %gather3A_695 = tpu.vector_load_idx %arg11[%broadcast_in_dim3A_694, %add3A_112] : memref<32x512xf32, #tpu.memory_space<vmem>>[vector<16xi32>, vector<16xi32>], vector<16xf32>,
      %gather3A_696 = tpu.vector_load_idx %arg9[%broadcast_in_dim3A_694, %gather3A] : memref<32x1024xf32, #tpu.memory_space<vmem>>[vector<16xi32>, vector<16xi32>], vector<16xf32>,
      %sub3A_697 = arith.subf %gather3A_695, %gather3A_696 : vector<16xf32>
      %mul3A_698 = arith.mulf %sub3A_697, %sub3A_697 : vector<16xf32>
      %add3A_699 = arith.addf %add3A_655, %mul3A_698 : vector<16xf32>
      %gather3A_700 = tpu.vector_load_idx %arg12[%broadcast_in_dim3A_694, %add3A_112] : memref<32x512xf32, #tpu.memory_space<vmem>>[vector<16xi32>, vector<16xi32>], vector<16xf32>,
      %gather3A_701 = tpu.vector_load_idx %arg10[%broadcast_in_dim3A_694, %gather3A] : memref<32x1024xf32, #tpu.memory_space<vmem>>[vector<16xi32>, vector<16xi32>], vector<16xf32>,
      %sub3A_702 = arith.subf %gather3A_700, %gather3A_701 : vector<16xf32>
      %mul3A_703 = arith.mulf %sub3A_702, %sub3A_702 : vector<16xf32>
      %add3A_704 = arith.addf %add3A_660, %mul3A_703 : vector<16xf32>
      %gather3A_705 = tpu.vector_load_idx %arg11[%broadcast_in_dim3A_694, %add3A_120] : memref<32x512xf32, #tpu.memory_space<vmem>>[vector<16xi32>, vector<16xi32>], vector<16xf32>,
      %gather3A_706 = tpu.vector_load_idx %arg9[%broadcast_in_dim3A_694, %gather3A_127] : memref<32x1024xf32, #tpu.memory_space<vmem>>[vector<16xi32>, vector<16xi32>], vector<16xf32>,
      %sub3A_707 = arith.subf %gather3A_705, %gather3A_706 : vector<16xf32>
      %mul3A_708 = arith.mulf %sub3A_707, %sub3A_707 : vector<16xf32>
      %add3A_709 = arith.addf %add3A_665, %mul3A_708 : vector<16xf32>
      %gather3A_710 = tpu.vector_load_idx %arg12[%broadcast_in_dim3A_694, %add3A_120] : memref<32x512xf32, #tpu.memory_space<vmem>>[vector<16xi32>, vector<16xi32>], vector<16xf32>,
      %gather3A_711 = tpu.vector_load_idx %arg10[%broadcast_in_dim3A_694, %gather3A_127] : memref<32x1024xf32, #tpu.memory_space<vmem>>[vector<16xi32>, vector<16xi32>], vector<16xf32>,
      %sub3A_712 = arith.subf %gather3A_710, %gather3A_711 : vector<16xf32>
      %mul3A_713 = arith.mulf %sub3A_712, %sub3A_712 : vector<16xf32>
      %add3A_714 = arith.addf %add3A_670, %mul3A_713 : vector<16xf32>
      %broadcast_in_dim3A_715 = arith.constant 26 : i32
      %broadcast_in_dim3A_716 = vector.broadcast %broadcast_in_dim3A_715 : i32 to vector<16xi32>
      %gather3A_717 = tpu.vector_load_idx %arg11[%broadcast_in_dim3A_716, %add3A_112] : memref<32x512xf32, #tpu.memory_space<vmem>>[vector<16xi32>, vector<16xi32>], vector<16xf32>,
      %gather3A_718 = tpu.vector_load_idx %arg9[%broadcast_in_dim3A_716, %gather3A] : memref<32x1024xf32, #tpu.memory_space<vmem>>[vector<16xi32>, vector<16xi32>], vector<16xf32>,
      %sub3A_719 = arith.subf %gather3A_717, %gather3A_718 : vector<16xf32>
      %mul3A_720 = arith.mulf %sub3A_719, %sub3A_719 : vector<16xf32>
      %add3A_721 = arith.addf %add3A_677, %mul3A_720 : vector<16xf32>
      %gather3A_722 = tpu.vector_load_idx %arg12[%broadcast_in_dim3A_716, %add3A_112] : memref<32x512xf32, #tpu.memory_space<vmem>>[vector<16xi32>, vector<16xi32>], vector<16xf32>,
      %gather3A_723 = tpu.vector_load_idx %arg10[%broadcast_in_dim3A_716, %gather3A] : memref<32x1024xf32, #tpu.memory_space<vmem>>[vector<16xi32>, vector<16xi32>], vector<16xf32>,
      %sub3A_724 = arith.subf %gather3A_722, %gather3A_723 : vector<16xf32>
      %mul3A_725 = arith.mulf %sub3A_724, %sub3A_724 : vector<16xf32>
      %add3A_726 = arith.addf %add3A_682, %mul3A_725 : vector<16xf32>
      %gather3A_727 = tpu.vector_load_idx %arg11[%broadcast_in_dim3A_716, %add3A_120] : memref<32x512xf32, #tpu.memory_space<vmem>>[vector<16xi32>, vector<16xi32>], vector<16xf32>,
      %gather3A_728 = tpu.vector_load_idx %arg9[%broadcast_in_dim3A_716, %gather3A_127] : memref<32x1024xf32, #tpu.memory_space<vmem>>[vector<16xi32>, vector<16xi32>], vector<16xf32>,
      %sub3A_729 = arith.subf %gather3A_727, %gather3A_728 : vector<16xf32>
      %mul3A_730 = arith.mulf %sub3A_729, %sub3A_729 : vector<16xf32>
      %add3A_731 = arith.addf %add3A_687, %mul3A_730 : vector<16xf32>
      %gather3A_732 = tpu.vector_load_idx %arg12[%broadcast_in_dim3A_716, %add3A_120] : memref<32x512xf32, #tpu.memory_space<vmem>>[vector<16xi32>, vector<16xi32>], vector<16xf32>,
      %gather3A_733 = tpu.vector_load_idx %arg10[%broadcast_in_dim3A_716, %gather3A_127] : memref<32x1024xf32, #tpu.memory_space<vmem>>[vector<16xi32>, vector<16xi32>], vector<16xf32>,
      %sub3A_734 = arith.subf %gather3A_732, %gather3A_733 : vector<16xf32>
      %mul3A_735 = arith.mulf %sub3A_734, %sub3A_734 : vector<16xf32>
      %add3A_736 = arith.addf %add3A_692, %mul3A_735 : vector<16xf32>
      %broadcast_in_dim3A_737 = arith.constant 27 : i32
      %broadcast_in_dim3A_738 = vector.broadcast %broadcast_in_dim3A_737 : i32 to vector<16xi32>
      %gather3A_739 = tpu.vector_load_idx %arg11[%broadcast_in_dim3A_738, %add3A_112] : memref<32x512xf32, #tpu.memory_space<vmem>>[vector<16xi32>, vector<16xi32>], vector<16xf32>,
      %gather3A_740 = tpu.vector_load_idx %arg9[%broadcast_in_dim3A_738, %gather3A] : memref<32x1024xf32, #tpu.memory_space<vmem>>[vector<16xi32>, vector<16xi32>], vector<16xf32>,
      %sub3A_741 = arith.subf %gather3A_739, %gather3A_740 : vector<16xf32>
      %mul3A_742 = arith.mulf %sub3A_741, %sub3A_741 : vector<16xf32>
      %add3A_743 = arith.addf %add3A_699, %mul3A_742 : vector<16xf32>
      %gather3A_744 = tpu.vector_load_idx %arg12[%broadcast_in_dim3A_738, %add3A_112] : memref<32x512xf32, #tpu.memory_space<vmem>>[vector<16xi32>, vector<16xi32>], vector<16xf32>,
      %gather3A_745 = tpu.vector_load_idx %arg10[%broadcast_in_dim3A_738, %gather3A] : memref<32x1024xf32, #tpu.memory_space<vmem>>[vector<16xi32>, vector<16xi32>], vector<16xf32>,
      %sub3A_746 = arith.subf %gather3A_744, %gather3A_745 : vector<16xf32>
      %mul3A_747 = arith.mulf %sub3A_746, %sub3A_746 : vector<16xf32>
      %add3A_748 = arith.addf %add3A_704, %mul3A_747 : vector<16xf32>
      %gather3A_749 = tpu.vector_load_idx %arg11[%broadcast_in_dim3A_738, %add3A_120] : memref<32x512xf32, #tpu.memory_space<vmem>>[vector<16xi32>, vector<16xi32>], vector<16xf32>,
      %gather3A_750 = tpu.vector_load_idx %arg9[%broadcast_in_dim3A_738, %gather3A_127] : memref<32x1024xf32, #tpu.memory_space<vmem>>[vector<16xi32>, vector<16xi32>], vector<16xf32>,
      %sub3A_751 = arith.subf %gather3A_749, %gather3A_750 : vector<16xf32>
      %mul3A_752 = arith.mulf %sub3A_751, %sub3A_751 : vector<16xf32>
      %add3A_753 = arith.addf %add3A_709, %mul3A_752 : vector<16xf32>
      %gather3A_754 = tpu.vector_load_idx %arg12[%broadcast_in_dim3A_738, %add3A_120] : memref<32x512xf32, #tpu.memory_space<vmem>>[vector<16xi32>, vector<16xi32>], vector<16xf32>,
      %gather3A_755 = tpu.vector_load_idx %arg10[%broadcast_in_dim3A_738, %gather3A_127] : memref<32x1024xf32, #tpu.memory_space<vmem>>[vector<16xi32>, vector<16xi32>], vector<16xf32>,
      %sub3A_756 = arith.subf %gather3A_754, %gather3A_755 : vector<16xf32>
      %mul3A_757 = arith.mulf %sub3A_756, %sub3A_756 : vector<16xf32>
      %add3A_758 = arith.addf %add3A_714, %mul3A_757 : vector<16xf32>
      %broadcast_in_dim3A_759 = arith.constant 28 : i32
      %broadcast_in_dim3A_760 = vector.broadcast %broadcast_in_dim3A_759 : i32 to vector<16xi32>
      %gather3A_761 = tpu.vector_load_idx %arg11[%broadcast_in_dim3A_760, %add3A_112] : memref<32x512xf32, #tpu.memory_space<vmem>>[vector<16xi32>, vector<16xi32>], vector<16xf32>,
      %gather3A_762 = tpu.vector_load_idx %arg9[%broadcast_in_dim3A_760, %gather3A] : memref<32x1024xf32, #tpu.memory_space<vmem>>[vector<16xi32>, vector<16xi32>], vector<16xf32>,
      %sub3A_763 = arith.subf %gather3A_761, %gather3A_762 : vector<16xf32>
      %mul3A_764 = arith.mulf %sub3A_763, %sub3A_763 : vector<16xf32>
      %add3A_765 = arith.addf %add3A_721, %mul3A_764 : vector<16xf32>
      %gather3A_766 = tpu.vector_load_idx %arg12[%broadcast_in_dim3A_760, %add3A_112] : memref<32x512xf32, #tpu.memory_space<vmem>>[vector<16xi32>, vector<16xi32>], vector<16xf32>,
      %gather3A_767 = tpu.vector_load_idx %arg10[%broadcast_in_dim3A_760, %gather3A] : memref<32x1024xf32, #tpu.memory_space<vmem>>[vector<16xi32>, vector<16xi32>], vector<16xf32>,
      %sub3A_768 = arith.subf %gather3A_766, %gather3A_767 : vector<16xf32>
      %mul3A_769 = arith.mulf %sub3A_768, %sub3A_768 : vector<16xf32>
      %add3A_770 = arith.addf %add3A_726, %mul3A_769 : vector<16xf32>
      %gather3A_771 = tpu.vector_load_idx %arg11[%broadcast_in_dim3A_760, %add3A_120] : memref<32x512xf32, #tpu.memory_space<vmem>>[vector<16xi32>, vector<16xi32>], vector<16xf32>,
      %gather3A_772 = tpu.vector_load_idx %arg9[%broadcast_in_dim3A_760, %gather3A_127] : memref<32x1024xf32, #tpu.memory_space<vmem>>[vector<16xi32>, vector<16xi32>], vector<16xf32>,
      %sub3A_773 = arith.subf %gather3A_771, %gather3A_772 : vector<16xf32>
      %mul3A_774 = arith.mulf %sub3A_773, %sub3A_773 : vector<16xf32>
      %add3A_775 = arith.addf %add3A_731, %mul3A_774 : vector<16xf32>
      %gather3A_776 = tpu.vector_load_idx %arg12[%broadcast_in_dim3A_760, %add3A_120] : memref<32x512xf32, #tpu.memory_space<vmem>>[vector<16xi32>, vector<16xi32>], vector<16xf32>,
      %gather3A_777 = tpu.vector_load_idx %arg10[%broadcast_in_dim3A_760, %gather3A_127] : memref<32x1024xf32, #tpu.memory_space<vmem>>[vector<16xi32>, vector<16xi32>], vector<16xf32>,
      %sub3A_778 = arith.subf %gather3A_776, %gather3A_777 : vector<16xf32>
      %mul3A_779 = arith.mulf %sub3A_778, %sub3A_778 : vector<16xf32>
      %add3A_780 = arith.addf %add3A_736, %mul3A_779 : vector<16xf32>
      %broadcast_in_dim3A_781 = arith.constant 29 : i32
      %broadcast_in_dim3A_782 = vector.broadcast %broadcast_in_dim3A_781 : i32 to vector<16xi32>
      %gather3A_783 = tpu.vector_load_idx %arg11[%broadcast_in_dim3A_782, %add3A_112] : memref<32x512xf32, #tpu.memory_space<vmem>>[vector<16xi32>, vector<16xi32>], vector<16xf32>,
      %gather3A_784 = tpu.vector_load_idx %arg9[%broadcast_in_dim3A_782, %gather3A] : memref<32x1024xf32, #tpu.memory_space<vmem>>[vector<16xi32>, vector<16xi32>], vector<16xf32>,
      %sub3A_785 = arith.subf %gather3A_783, %gather3A_784 : vector<16xf32>
      %mul3A_786 = arith.mulf %sub3A_785, %sub3A_785 : vector<16xf32>
      %add3A_787 = arith.addf %add3A_743, %mul3A_786 : vector<16xf32>
      %gather3A_788 = tpu.vector_load_idx %arg12[%broadcast_in_dim3A_782, %add3A_112] : memref<32x512xf32, #tpu.memory_space<vmem>>[vector<16xi32>, vector<16xi32>], vector<16xf32>,
      %gather3A_789 = tpu.vector_load_idx %arg10[%broadcast_in_dim3A_782, %gather3A] : memref<32x1024xf32, #tpu.memory_space<vmem>>[vector<16xi32>, vector<16xi32>], vector<16xf32>,
      %sub3A_790 = arith.subf %gather3A_788, %gather3A_789 : vector<16xf32>
      %mul3A_791 = arith.mulf %sub3A_790, %sub3A_790 : vector<16xf32>
      %add3A_792 = arith.addf %add3A_748, %mul3A_791 : vector<16xf32>
      %gather3A_793 = tpu.vector_load_idx %arg11[%broadcast_in_dim3A_782, %add3A_120] : memref<32x512xf32, #tpu.memory_space<vmem>>[vector<16xi32>, vector<16xi32>], vector<16xf32>,
      %gather3A_794 = tpu.vector_load_idx %arg9[%broadcast_in_dim3A_782, %gather3A_127] : memref<32x1024xf32, #tpu.memory_space<vmem>>[vector<16xi32>, vector<16xi32>], vector<16xf32>,
      %sub3A_795 = arith.subf %gather3A_793, %gather3A_794 : vector<16xf32>
      %mul3A_796 = arith.mulf %sub3A_795, %sub3A_795 : vector<16xf32>
      %add3A_797 = arith.addf %add3A_753, %mul3A_796 : vector<16xf32>
      %gather3A_798 = tpu.vector_load_idx %arg12[%broadcast_in_dim3A_782, %add3A_120] : memref<32x512xf32, #tpu.memory_space<vmem>>[vector<16xi32>, vector<16xi32>], vector<16xf32>,
      %gather3A_799 = tpu.vector_load_idx %arg10[%broadcast_in_dim3A_782, %gather3A_127] : memref<32x1024xf32, #tpu.memory_space<vmem>>[vector<16xi32>, vector<16xi32>], vector<16xf32>,
      %sub3A_800 = arith.subf %gather3A_798, %gather3A_799 : vector<16xf32>
      %mul3A_801 = arith.mulf %sub3A_800, %sub3A_800 : vector<16xf32>
      %add3A_802 = arith.addf %add3A_758, %mul3A_801 : vector<16xf32>
      %broadcast_in_dim3A_803 = arith.constant 30 : i32
      %broadcast_in_dim3A_804 = vector.broadcast %broadcast_in_dim3A_803 : i32 to vector<16xi32>
      %gather3A_805 = tpu.vector_load_idx %arg11[%broadcast_in_dim3A_804, %add3A_112] : memref<32x512xf32, #tpu.memory_space<vmem>>[vector<16xi32>, vector<16xi32>], vector<16xf32>,
      %gather3A_806 = tpu.vector_load_idx %arg9[%broadcast_in_dim3A_804, %gather3A] : memref<32x1024xf32, #tpu.memory_space<vmem>>[vector<16xi32>, vector<16xi32>], vector<16xf32>,
      %sub3A_807 = arith.subf %gather3A_805, %gather3A_806 : vector<16xf32>
      %mul3A_808 = arith.mulf %sub3A_807, %sub3A_807 : vector<16xf32>
      %add3A_809 = arith.addf %add3A_765, %mul3A_808 : vector<16xf32>
      %gather3A_810 = tpu.vector_load_idx %arg12[%broadcast_in_dim3A_804, %add3A_112] : memref<32x512xf32, #tpu.memory_space<vmem>>[vector<16xi32>, vector<16xi32>], vector<16xf32>,
      %gather3A_811 = tpu.vector_load_idx %arg10[%broadcast_in_dim3A_804, %gather3A] : memref<32x1024xf32, #tpu.memory_space<vmem>>[vector<16xi32>, vector<16xi32>], vector<16xf32>,
      %sub3A_812 = arith.subf %gather3A_810, %gather3A_811 : vector<16xf32>
      %mul3A_813 = arith.mulf %sub3A_812, %sub3A_812 : vector<16xf32>
      %add3A_814 = arith.addf %add3A_770, %mul3A_813 : vector<16xf32>
      %gather3A_815 = tpu.vector_load_idx %arg11[%broadcast_in_dim3A_804, %add3A_120] : memref<32x512xf32, #tpu.memory_space<vmem>>[vector<16xi32>, vector<16xi32>], vector<16xf32>,
      %gather3A_816 = tpu.vector_load_idx %arg9[%broadcast_in_dim3A_804, %gather3A_127] : memref<32x1024xf32, #tpu.memory_space<vmem>>[vector<16xi32>, vector<16xi32>], vector<16xf32>,
      %sub3A_817 = arith.subf %gather3A_815, %gather3A_816 : vector<16xf32>
      %mul3A_818 = arith.mulf %sub3A_817, %sub3A_817 : vector<16xf32>
      %add3A_819 = arith.addf %add3A_775, %mul3A_818 : vector<16xf32>
      %gather3A_820 = tpu.vector_load_idx %arg12[%broadcast_in_dim3A_804, %add3A_120] : memref<32x512xf32, #tpu.memory_space<vmem>>[vector<16xi32>, vector<16xi32>], vector<16xf32>,
      %gather3A_821 = tpu.vector_load_idx %arg10[%broadcast_in_dim3A_804, %gather3A_127] : memref<32x1024xf32, #tpu.memory_space<vmem>>[vector<16xi32>, vector<16xi32>], vector<16xf32>,
      %sub3A_822 = arith.subf %gather3A_820, %gather3A_821 : vector<16xf32>
      %mul3A_823 = arith.mulf %sub3A_822, %sub3A_822 : vector<16xf32>
      %add3A_824 = arith.addf %add3A_780, %mul3A_823 : vector<16xf32>
      %broadcast_in_dim3A_825 = arith.constant 31 : i32
      %broadcast_in_dim3A_826 = vector.broadcast %broadcast_in_dim3A_825 : i32 to vector<16xi32>
      %gather3A_827 = tpu.vector_load_idx %arg11[%broadcast_in_dim3A_826, %add3A_112] : memref<32x512xf32, #tpu.memory_space<vmem>>[vector<16xi32>, vector<16xi32>], vector<16xf32>,
      %gather3A_828 = tpu.vector_load_idx %arg9[%broadcast_in_dim3A_826, %gather3A] : memref<32x1024xf32, #tpu.memory_space<vmem>>[vector<16xi32>, vector<16xi32>], vector<16xf32>,
      %sub3A_829 = arith.subf %gather3A_827, %gather3A_828 : vector<16xf32>
      %mul3A_830 = arith.mulf %sub3A_829, %sub3A_829 : vector<16xf32>
      %add3A_831 = arith.addf %add3A_787, %mul3A_830 : vector<16xf32>
      %gather3A_832 = tpu.vector_load_idx %arg12[%broadcast_in_dim3A_826, %add3A_112] : memref<32x512xf32, #tpu.memory_space<vmem>>[vector<16xi32>, vector<16xi32>], vector<16xf32>,
      %gather3A_833 = tpu.vector_load_idx %arg10[%broadcast_in_dim3A_826, %gather3A] : memref<32x1024xf32, #tpu.memory_space<vmem>>[vector<16xi32>, vector<16xi32>], vector<16xf32>,
      %sub3A_834 = arith.subf %gather3A_832, %gather3A_833 : vector<16xf32>
      %mul3A_835 = arith.mulf %sub3A_834, %sub3A_834 : vector<16xf32>
      %add3A_836 = arith.addf %add3A_792, %mul3A_835 : vector<16xf32>
      %gather3A_837 = tpu.vector_load_idx %arg11[%broadcast_in_dim3A_826, %add3A_120] : memref<32x512xf32, #tpu.memory_space<vmem>>[vector<16xi32>, vector<16xi32>], vector<16xf32>,
      %gather3A_838 = tpu.vector_load_idx %arg9[%broadcast_in_dim3A_826, %gather3A_127] : memref<32x1024xf32, #tpu.memory_space<vmem>>[vector<16xi32>, vector<16xi32>], vector<16xf32>,
      %sub3A_839 = arith.subf %gather3A_837, %gather3A_838 : vector<16xf32>
      %mul3A_840 = arith.mulf %sub3A_839, %sub3A_839 : vector<16xf32>
      %add3A_841 = arith.addf %add3A_797, %mul3A_840 : vector<16xf32>
      %gather3A_842 = tpu.vector_load_idx %arg12[%broadcast_in_dim3A_826, %add3A_120] : memref<32x512xf32, #tpu.memory_space<vmem>>[vector<16xi32>, vector<16xi32>], vector<16xf32>,
      %gather3A_843 = tpu.vector_load_idx %arg10[%broadcast_in_dim3A_826, %gather3A_127] : memref<32x1024xf32, #tpu.memory_space<vmem>>[vector<16xi32>, vector<16xi32>], vector<16xf32>,
      %sub3A_844 = arith.subf %gather3A_842, %gather3A_843 : vector<16xf32>
      %mul3A_845 = arith.mulf %sub3A_844, %sub3A_844 : vector<16xf32>
      %add3A_846 = arith.addf %add3A_802, %mul3A_845 : vector<16xf32>
      %add3A_847 = arith.addf %add3A_809, %add3A_831 : vector<16xf32>
      tpu.vector_store_idx %arg14[%add3A_123], %add3A_847 : memref<1024xf32, #tpu.memory_space<vmem>>[vector<16xi32>], vector<16xf32>,
      %add3A_848 = arith.addf %add3A_814, %add3A_836 : vector<16xf32>
      tpu.vector_store_idx %arg15[%add3A_123], %add3A_848 : memref<1024xf32, #tpu.memory_space<vmem>>[vector<16xi32>], vector<16xf32>,
      %add3A_849 = arith.addf %add3A_819, %add3A_841 : vector<16xf32>
      tpu.vector_store_idx %arg14[%add3A_126], %add3A_849 : memref<1024xf32, #tpu.memory_space<vmem>>[vector<16xi32>], vector<16xf32>,
      %add3A_850 = arith.addf %add3A_824, %add3A_846 : vector<16xf32>
      tpu.vector_store_idx %arg15[%add3A_126], %add3A_850 : memref<1024xf32, #tpu.memory_space<vmem>>[vector<16xi32>], vector<16xf32>,
    }
    %scan3A_105 = arith.constant 16 : i32
    "tpu.region"() ({
      %run_scoped3A = tpu.sem_alloc : memref<!tpu.dma_semaphore, #tpu.memory_space<semaphore_mem>>
      %dma_start3A_106 = tpu.memref_slice %arg7[%add3A_20, %mul3A_36] : memref<32x1024xf32, #tpu.memory_space<hbm>> -> memref<1x1024xf32, #tpu.memory_space<hbm>>
      %dma_start3A_107 = tpu.memref_squeeze %dma_start3A_106 : memref<1x1024xf32, #tpu.memory_space<hbm>> -> memref<1024xf32, #tpu.memory_space<hbm>>
      %dma_start3A_108 = tpu.memref_slice %arg7[%add3A_20, %mul3A_36] : memref<32x1024xf32, #tpu.memory_space<hbm>> -> memref<1x1024xf32, #tpu.memory_space<hbm>>
      %dma_start3A_109 = tpu.memref_squeeze %dma_start3A_108 : memref<1x1024xf32, #tpu.memory_space<hbm>> -> memref<1024xf32, #tpu.memory_space<hbm>>
      tpu.enqueue_dma source(%arg14 : memref<1024xf32, #tpu.memory_space<vmem>>) target(%dma_start3A_109 : memref<1024xf32, #tpu.memory_space<hbm>>) target_semaphore(%run_scoped3A : memref<!tpu.dma_semaphore, #tpu.memory_space<semaphore_mem>>)
      %dma_wait3A_110 = tpu.memref_slice %arg7[%add3A_20, %mul3A_36] : memref<32x1024xf32, #tpu.memory_space<hbm>> -> memref<1x1024xf32, #tpu.memory_space<hbm>>
      %dma_wait3A_111 = tpu.memref_squeeze %dma_wait3A_110 : memref<1x1024xf32, #tpu.memory_space<hbm>> -> memref<1024xf32, #tpu.memory_space<hbm>>
      %dma_wait3A_112 = tpu.memref_slice %arg7[%add3A_20, %mul3A_36] : memref<32x1024xf32, #tpu.memory_space<hbm>> -> memref<1x1024xf32, #tpu.memory_space<hbm>>
      %dma_wait3A_113 = tpu.memref_squeeze %dma_wait3A_112 : memref<1x1024xf32, #tpu.memory_space<hbm>> -> memref<1024xf32, #tpu.memory_space<hbm>>
      tpu.wait_dma2 semaphore(%run_scoped3A : memref<!tpu.dma_semaphore, #tpu.memory_space<semaphore_mem>>) src(%arg14 : memref<1024xf32, #tpu.memory_space<vmem>>) dst(%dma_wait3A_113 : memref<1024xf32, #tpu.memory_space<hbm>>)
      tpu.yield
    }) : () -> ()
    "tpu.region"() ({
      %run_scoped3A = tpu.sem_alloc : memref<!tpu.dma_semaphore, #tpu.memory_space<semaphore_mem>>
      %dma_start3A_106 = tpu.memref_slice %arg8[%add3A_20, %mul3A_36] : memref<32x1024xf32, #tpu.memory_space<hbm>> -> memref<1x1024xf32, #tpu.memory_space<hbm>>
      %dma_start3A_107 = tpu.memref_squeeze %dma_start3A_106 : memref<1x1024xf32, #tpu.memory_space<hbm>> -> memref<1024xf32, #tpu.memory_space<hbm>>
      %dma_start3A_108 = tpu.memref_slice %arg8[%add3A_20, %mul3A_36] : memref<32x1024xf32, #tpu.memory_space<hbm>> -> memref<1x1024xf32, #tpu.memory_space<hbm>>
      %dma_start3A_109 = tpu.memref_squeeze %dma_start3A_108 : memref<1x1024xf32, #tpu.memory_space<hbm>> -> memref<1024xf32, #tpu.memory_space<hbm>>
      tpu.enqueue_dma source(%arg15 : memref<1024xf32, #tpu.memory_space<vmem>>) target(%dma_start3A_109 : memref<1024xf32, #tpu.memory_space<hbm>>) target_semaphore(%run_scoped3A : memref<!tpu.dma_semaphore, #tpu.memory_space<semaphore_mem>>)
      %dma_wait3A_110 = tpu.memref_slice %arg8[%add3A_20, %mul3A_36] : memref<32x1024xf32, #tpu.memory_space<hbm>> -> memref<1x1024xf32, #tpu.memory_space<hbm>>
      %dma_wait3A_111 = tpu.memref_squeeze %dma_wait3A_110 : memref<1x1024xf32, #tpu.memory_space<hbm>> -> memref<1024xf32, #tpu.memory_space<hbm>>
      %dma_wait3A_112 = tpu.memref_slice %arg8[%add3A_20, %mul3A_36] : memref<32x1024xf32, #tpu.memory_space<hbm>> -> memref<1x1024xf32, #tpu.memory_space<hbm>>
      %dma_wait3A_113 = tpu.memref_squeeze %dma_wait3A_112 : memref<1x1024xf32, #tpu.memory_space<hbm>> -> memref<1024xf32, #tpu.memory_space<hbm>>
      tpu.wait_dma2 semaphore(%run_scoped3A : memref<!tpu.dma_semaphore, #tpu.memory_space<semaphore_mem>>) src(%arg15 : memref<1024xf32, #tpu.memory_space<vmem>>) dst(%dma_wait3A_113 : memref<1024xf32, #tpu.memory_space<hbm>>)
      tpu.yield
    }) : () -> ()
    return
  }
}

module attributes {stable_mosaic.version = 14 : i64} {
  func.func @_argmax_body(%arg0: i32, %arg1: i32, %arg2: memref<1x32x1024xf32, #tpu.memory_space<vmem>>, %arg3: memref<32x1024xf32, #tpu.memory_space<vmem>>, %arg4: memref<1x1x1024xi32, #tpu.memory_space<vmem>>) attributes {dimension_semantics = [#tpu.dimension_semantics<parallel>, #tpu.dimension_semantics<parallel>], iteration_bounds = array<i64: 32, 1>, scalar_prefetch = 0 : i64, scratch_operands = 0 : i64, tpu.core_type = #tpu.core_type<tc>, window_params = [{transform_indices = @transform_0, window_bounds = array<i64: 1, 32, 1024>}, {pipeline_mode = #tpu.pipeline_mode<synchronous>, transform_indices = @transform_1, window_bounds = array<i64: 32, 1024>}, {transform_indices = @transform_2, window_bounds = array<i64: 1, 1, 1024>}]} {
    %get3A = arith.constant 0 : index
    %get3A_0 = arith.constant 0 : index
    %get3A_1 = arith.constant 0 : index
    %get3A_2 = vector.load %arg2[%get3A, %get3A_0, %get3A_1] : memref<1x32x1024xf32, #tpu.memory_space<vmem>>, vector<1x32x1024xf32>
    %get3A_3 = vector.shape_cast %get3A_2 : vector<1x32x1024xf32> to vector<32x1024xf32>
    %get3A_4 = arith.constant 0 : index
    %get3A_5 = arith.constant 0 : index
    %get3A_6 = vector.load %arg3[%get3A_4, %get3A_5] : memref<32x1024xf32, #tpu.memory_space<vmem>>, vector<32x1024xf32>
    %dot_general3A = arith.constant dense<0.000000e+00> : vector<1024x1024xf32>
    %dot_general3A_7 = tpu.matmul %get3A_6, %get3A_3, %dot_general3A {dimension_numbers = #tpu.dot_dimension_numbers<[0], [0], [1], [1], [0, 1, 1, 1], [], []>, transpose_lhs_hint = true} : vector<32x1024xf32>, vector<32x1024xf32>, vector<1024x1024xf32> -> vector<1024x1024xf32>
    %argmax3A = tpu.reduce_index %dot_general3A_7 {axis = 0 : i32, kind = #tpu.reduction_kind<arg_max>} : vector<1024x1024xf32> -> vector<1024xi32>
    %swap3A = arith.constant 0 : index
    %swap3A_8 = arith.constant 0 : index
    %swap3A_9 = arith.constant 0 : index
    %swap3A_10 = vector.load %arg4[%swap3A, %swap3A_8, %swap3A_9] : memref<1x1x1024xi32, #tpu.memory_space<vmem>>, vector<1x1x1024xi32>
    %swap3A_11 = vector.shape_cast %swap3A_10 : vector<1x1x1024xi32> to vector<1024xi32>
    %swap3A_12 = vector.shape_cast %argmax3A : vector<1024xi32> to vector<1x1x1024xi32>
    tpu.vector_store %arg4[%swap3A, %swap3A_8, %swap3A_9], %swap3A_12 {strides = array<i32>} : memref<1x1x1024xi32, #tpu.memory_space<vmem>>, vector<1x1x1024xi32>,
    return
  }
  func.func @transform_0(%arg0: i32, %arg1: i32) -> (i32, i32, i32) {
    %add3A = arith.constant 0 : i32
    %add3A_0 = arith.addi %arg0, %add3A : i32
    %c0_i32 = arith.constant 0 : i32
    %c0_i32_1 = arith.constant 0 : i32
    return %add3A_0, %c0_i32, %arg1 : i32, i32, i32
  }
  func.func @transform_1(%arg0: i32, %arg1: i32) -> (i32, i32) {
    %c0_i32 = arith.constant 0 : i32
    %c0_i32_0 = arith.constant 0 : i32
    %c0_i32_1 = arith.constant 0 : i32
    return %c0_i32, %c0_i32_0 : i32, i32
  }
  func.func @transform_2(%arg0: i32, %arg1: i32) -> (i32, i32, i32) {
    %mul3A = arith.constant 1 : i32
    %mul3A_0 = arith.muli %arg0, %mul3A : i32
    %add3A = arith.addi %mul3A_0, %arg1 : i32
    %c0_i32 = arith.constant 0 : i32
    %c0_i32_1 = arith.constant 0 : i32
    %c0_i32_2 = arith.constant 0 : i32
    return %add3A, %c0_i32, %c0_i32_1 : i32, i32, i32
  }
}

</mosaic_0001>

<sc_bundles>
// kernel: kernel.4.cloned.1.call-start
scs
__scs_entry_jumppad:
0x0: {  	(pc) =	sbr.rel $0x88, $3  }
0x1: {  	(tag) =	ssettag $0x0;
	lr =	simm.s32 $0x1  }
0x2: {  	[smem:$0x3F9D] =	sst lr;
	_ =	strace $0xD0000000  }
0x3: {  	_ = 	snop  }
0x4: {  	_ = 	snop  }
0x5: {  	_ = 	snop  }
0x6: {  	_ = 	snop  }
0x7: {  	_ = 	snop  }
__scs_overlays_trampoline_lowered:
0x8: {  	[smem:$0x3FAC] =	sst s0  }
0x9: {  	[smem:$0x3FAD] =	sst s1  }
0xa: {  	[smem:$0x3FAE] =	sst s2  }
0xb: {  	[smem:$0x3FAF] =	sst s3  }
0xc: {  	[smem:$0x3FB0] =	sst s4  }
0xd: {  	[smem:$0x3FB1] =	sst s5  }
0xe: {  	[smem:$0x3FB2] =	sst s6  }
0xf: {  	[smem:$0x3FB3] =	sst s7  }
0x10: {  	[smem:$0x3FB4] =	sst s8  }
0x11: {  	[smem:$0x3FB5] =	sst s9;
	s0 =	simm.s32 @!p0 $0x0  }
0x12: {  	s1 =	sld [smem:$0x3F9B];
	s0 =	simm.s32 @p0 $0x1  }
0x13: {  	[smem:$0x3FB6] =	sst s0;
	s0 =	simm.s32 @!p1 $0x0  }
0x14: {  	s2 =	sld [smem:$0x3F9A];
	s0 =	simm.s32 @p1 $0x1  }
0x15: {  	[smem:$0x3FB7] =	sst s0;
	s0 =	simm.s32 @!p2 $0x0  }
0x16: {  	s3 =	sld [smem:$0x3FDB];
	s0 =	simm.s32 @p2 $0x1  }
0x17: {  	s4 =	simm.s32 $0x1BF5;
	[smem:$0x3FB9] =	sst s0  }
0x18: {  	s0 =	sld [smem:$0x3F9C];
	_ =	swait.ge [sflag:s4], $0x0  }
0x19: {  	s7 =	sld [smem:$0x3F9D]  }
0x1a: {  	s8 =	sadd.s32 $0xFFFFE003, lr  }
0x1b: {  	s9 =	sadd.s32 $0xFFFFFEF7, lr;
	s5 =	simm.s32 $0xFFFFFFFF;
	p2 =	slt.u32 s8, $0xFFFFF086  }
0x1c: {  	p1 =	slt.u32 s9, $0xF7A;
	s5 =	simm.s32 @!p2 $0x0  }
0x1d: {  	s5 =	simm.s32 @p1 $0x1;
	p0 =	seq.s32 s7, s2  }
0x1e: {  	s7 =	smul.u32 @!p0 $0xF7A, s2;
	p2 =	seq.s32 @!p0 s5, $0x0  }
0x1f: {  	s9 =	smul.u32 $0xF7A, s1;
	s8 =	simm.s32 @!p0 $0x1BF5;
	p2 =	por !p2, p0  }
0x20: {  	[sflag:s8] =	ssyncset.s32 @!p0 $0xFFFFF086;
	s6 =	sadd.s32 @!p0 s3, s7;
	s7 =	simm.s32 @!p0 $0x108  }
0x21: {  	s3 =	sadd.s32 s3, s9;
	s6 =	sadd.s32 @!p0 $0x88, s6;
	s7 =	simm.s32 @p2 $0x1082  }
0x22: {  	[simem:s7], [sflag:s8] =	dma.local @!p0 [hbm:s6], $0xF7A  }
0x23: {  	s9 =	sor.u32 $0xD0000000, s2;
	s6 =	simm.s32 $0x108;
	_ =	swait.ge @!p0 [sflag:s8], $0x0  }
0x24: {  	s3 =	sadd.s32 $0x88, s3;
	s6 =	simm.s32 @!p1 $0x1082;
	[sflag:s4] =	ssyncset.s32 $0xFFFFF086  }
0x25: {  	[simem:s6], [sflag:s4] =	dma.local [hbm:s3], $0xF7A  }
0x26: {  	[smem:$0x3F9D] =	sst s1;
	(tag) =	ssettag s2;
	_ =	strace s9  }
0x27: {  	s1 =	sld [smem:$0x3FAD]  }
0x28: {  	s2 =	sld [smem:$0x3FAE]  }
0x29: {  	s4 =	sld [smem:$0x3FB0]  }
0x2a: {  	p0 =	seq.s32 s5, $0x0;
	s5 =	sld [smem:$0x3FB1]  }
0x2b: {  	s6 =	sld [smem:$0x3FB2]  }
0x2c: {  	s7 =	sld [smem:$0x3FB3]  }
0x2d: {  	s3 =	simm.s32 $0x108;
	s8 =	sld [smem:$0x3FB4]  }
0x2e: {  	s3 =	simm.s32 @!p0 $0x1082;
	s9 =	sld [smem:$0x3FB5]  }
0x2f: {  	lr =	sadd.s32 s0, s3;
	s0 =	sld [smem:$0x3FAC]  }
0x30: {  	s3 =	sld [smem:$0x3FAF]  }
0x31: {  	[smem:$0x3FB8] =	sst s10  }
0x32: {  	s10 =	sld [smem:$0x3FB6];
	_ =	sdelay $0x3  }
0x33: {  	p0 =	seq.s32 s10, $0x1;
	s10 =	sld [smem:$0x3FB8];
	_ =	sdelay $0x3  }
0x34: {  	[smem:$0x3FB8] =	sst s10  }
0x35: {  	s10 =	sld [smem:$0x3FB7];
	_ =	sdelay $0x3  }
0x36: {  	p1 =	seq.s32 s10, $0x1;
	s10 =	sld [smem:$0x3FB8];
	_ =	sdelay $0x3  }
0x37: {  	[smem:$0x3FB8] =	sst s10  }
0x38: {  	s10 =	sld [smem:$0x3FB9]  }
0x39: {  	_ = 	snop;
	(pc) =	sbr.ind lr, $3  }
0x3a: {  	_ = 	snop  }
0x3b: {  	_ = 	snop  }
0x3c: {  	p2 =	seq.s32 s10, $0x1;
	s10 =	sld [smem:$0x3FB8]  }
0x3d: {  	_ =	shalt  }
0x3e: {  	_ =	shalt  }
0x3f: {  	_ =	shalt  }
0x40: {  	_ =	shalt  }
0x41: {  	_ =	shalt  }
0x42: {  	_ =	shalt  }
0x43: {  	_ =	shalt  }
0x44: {  	_ =	shalt  }
0x45: {  	_ =	shalt  }
0x46: {  	_ =	shalt  }
0x47: {  	_ =	shalt  }
0x48: {  	_ =	shalt  }
0x49: {  	_ =	shalt  }
0x4a: {  	_ =	shalt  }
0x4b: {  	_ =	shalt  }
0x4c: {  	_ =	shalt  }
0x4d: {  	_ =	shalt  }
0x4e: {  	_ =	shalt  }
0x4f: {  	_ =	shalt  }
0x50: {  	_ =	shalt  }
0x51: {  	_ =	shalt  }
0x52: {  	_ =	shalt  }
0x53: {  	_ =	shalt  }
0x54: {  	_ =	shalt  }
0x55: {  	_ =	shalt  }
0x56: {  	_ =	shalt  }
0x57: {  	_ =	shalt  }
0x58: {  	_ =	shalt  }
0x59: {  	_ =	shalt  }
0x5a: {  	_ =	shalt  }
0x5b: {  	_ =	shalt  }
0x5c: {  	_ =	shalt  }
0x5d: {  	_ =	shalt  }
0x5e: {  	_ =	shalt  }
0x5f: {  	_ =	shalt  }
0x60: {  	_ =	shalt  }
0x61: {  	_ =	shalt  }
0x62: {  	_ =	shalt  }
0x63: {  	_ =	shalt  }
0x64: {  	_ =	shalt  }
0x65: {  	_ =	shalt  }
0x66: {  	_ =	shalt  }
0x67: {  	_ =	shalt  }
0x68: {  	_ =	shalt  }
0x69: {  	_ =	shalt  }
0x6a: {  	_ =	shalt  }
0x6b: {  	_ =	shalt  }
0x6c: {  	_ =	shalt  }
0x6d: {  	_ =	shalt  }
0x6e: {  	_ =	shalt  }
0x6f: {  	_ =	shalt  }
0x70: {  	_ =	shalt  }
0x71: {  	_ =	shalt  }
0x72: {  	_ =	shalt  }
0x73: {  	_ =	shalt  }
0x74: {  	_ =	shalt  }
0x75: {  	_ =	shalt  }
0x76: {  	_ =	shalt  }
0x77: {  	_ =	shalt  }
0x78: {  	_ =	shalt  }
0x79: {  	_ =	shalt  }
0x7a: {  	_ =	shalt  }
0x7b: {  	_ =	shalt  }
0x7c: {  	_ =	shalt  }
0x7d: {  	_ =	shalt  }
0x7e: {  	_ =	shalt  }
0x7f: {  	_ =	shalt  }
0x80: {  	_ =	shalt  }
0x81: {  	_ =	shalt  }
0x82: {  	_ =	shalt  }
0x83: {  	_ =	shalt  }
0x84: {  	_ =	shalt  }
0x85: {  	_ =	shalt  }
0x86: {  	_ =	shalt  }
0x87: {  	_ =	shalt  }
.Lfunc_end0:
.L_simem_size_0:
called_computation_lowered:
.L_overlay_start_0:
0x88: {  	s2 =	sld [smem:$0x3FD9]  }
0x89: {  	s3 =	sld [smem:$0x3FFE];
	_ =	sdelay $0x1  }
0x8a: {  	s1 =	srdreg.scid  }
0x8b: {  	s0 =	sand.u32 $0x1, s1  }
0x8c: {  	s14 =	sshll.u32 s0, $0xA;
	s2 =	sadd.s32 s3, s2  }
0x8d: {  	s2 =	sadd.s32 s2, s14  }
0x8e: {  	[smem:$0x3FC4] =	sst s2  }
0x8f: {  	_ = 	snop  }
0x90: {  	s2 =	sld [smem:$0x3FC9]  }
0x91: {  	s15 =	sld [smem:$0x3FD0]  }
0x92: {  	s4 =	sld [smem:$0x3FC8]  }
0x93: {  	s5 =	sld [smem:$0x3FC7]  }
0x94: {  	s7 =	simm.s32 $0xA;
	s8 =	simm.s32 $0x10;
	s6 =	sld [smem:$0x3FC6]  }
0x95: {  	[smem:s8], [sflag:s7] =	dma.local [hbm:s15], $0x1  }
0x96: {  	_ =	swait.eq [sflag:s7], $0x1  }
0x97: {  	[sflag:s7] =	ssyncset.done $0x0  }
0x98: {  	s16 =	sld [smem:$0x10];
	[sflag:s7] =	ssyncadd.s32 $0xFFFFFFFF  }
0x99: {  	s17 =	sld [smem:$0x11];
	(tm) =	ssettm $0x1  }
0x9a: {  	s18 =	sld [smem:$0x3FFB];
	_ =	sdelay $0x3  }
0x9b: {  	_ =	strace s18  }
0x9c: {  	s8 =	sld [smem:$0x3FFC];
	_ =	sdelay $0x3  }
0x9d: {  	_ =	strace s8  }
0x9e: {  	s8 =	sld [smem:$0x3FFD];
	_ =	sdelay $0x3  }
0x9f: {  	_ =	strace s8  }
0xa0: {  	_ =	strace $0x8FFFFFFF  }
0xa1: {  	s19 =	sld [smem:$0x3FDB];
	_ =	sdelay $0x1  }
0xa2: {  	s9 =	simm.s32 $_scs_section_size  }
0xa3: {  	s10 =	simm.s32 $_size__tile_overlayer_lowered;
	s11 =	simm.s32 $_tile_overlayer_lowered  }
0xa4: {  	s22 =	simm.s32 $0x1BFF;
	s21 =	sshll.u32 s11, $0x1;
	s8 =	sadd.s32 s9, s19  }
0xa5: {  	s12 =	simm.s32 $0x0;
	s20 =	sshll.u32 s10, $0x1;
	s10 =	sadd.s32 s21, s8  }
0xa6: {  	[timem:s12], [sflag:s22] =	dma.local [hbm:s10], s20  }
0xa7: {  	_ =	swait.ge [sflag:s22], s20  }
0xa8: {  	s9 =	ssub.s32 $0x0, s20;
	[sflag:s22] =	ssyncset.done $0x0  }
0xa9: {  	[sflag:s22] =	ssyncadd.s32 s9;
	_ =	sdelay $0x1  }
0xaa: {  	s23 =	simm.s32 $0x1B8B  }
0xab: {  	_ =	swait.ge [sflag:s23], $0x1  }
0xac: {  	[sflag:s23] =	ssyncset.done $0x0  }
0xad: {  	s25 =	simm.s32 $0x1B8E;
	s24 =	sld [smem:$0x3FFE];
	[sflag:s23] =	ssyncadd.s32 $0xFFFFFFFF  }
0xae: {  	s26 =	simm.s32 $execute0_lowered;
	[smem:$0x3FD2] =	sst s25  }
0xaf: {  	s10 =	sshll.u32 s26, $0x1;
	_ =	strace $0x80000046;
	[dreg:$0x1] =	wrdreg $0xFFFFFFFF  }
0xb0: {  	s28 =	simm.s32 $_size_execute0_lowered;
	s8 =	sadd.s32 s8, s10;
	[dreg:$0x0] =	wrdreg $0x0  }
0xb1: {  	s10 =	sshll.u32 s28, $0x1;
	[dreg:$0x2] =	wrdreg s8  }
0xb2: {  	[dreg:$0x3] =	wrdreg s10  }
0xb3: {  	[dreg:$0x4] =	wrdreg $0xC0  }
0xb4: {  	_ =	task [dreg:s12], $0x5FFFF  }
0xb5: {  	[dreg:$0x1] =	wrdreg $0xFFFFFFFF  }
0xb6: {  	[dreg:$0x0] =	wrdreg $0x60  }
0xb7: {  	[dreg:$0x2] =	wrdreg s2  }
0xb8: {  	[dreg:$0x3] =	wrdreg s4  }
0xb9: {  	[dreg:$0x4] =	wrdreg s5  }
0xba: {  	[dreg:$0x5] =	wrdreg s6  }
0xbb: {  	[dreg:$0x6] =	wrdreg s24  }
0xbc: {  	[dreg:$0x7] =	wrdreg s16  }
0xbd: {  	[dreg:$0x8] =	wrdreg s17  }
0xbe: {  	[dreg:$0x9] =	wrdreg $0x9  }
0xbf: {  	_ =	task.clear_ibuf [dreg:s12], $0xAFFFF;
	_ =	strace $0x90000046  }
0xc0: {  	s29 =	simm.s32 $0x9;
	_ =	strace $0x80000048  }
0xc1: {  	_ =	swait.ge [sflag:s29], $0x1  }
0xc2: {  	[sflag:s29] =	ssyncadd.s32 $0xFFFFFFFF  }
0xc3: {  	_ =	strace $0x90000048  }
0xc4: {  	_ =	sfence  }
0xc5: {  	s30 =	sld [smem:$0x0];
	_ =	sdelay $0x2  }
0xc6: {  	s31 =	sshll.u32 s1, $0xD;
	s1 =	sshrl.u32 s1, $0x2  }
0xc7: {  	s3 =	sand.u32 $0x4000, s31;
	s1 =	sadd.s32 s1, s30  }
0xc8: {  	s0 =	sor.u32 s3, s0;
	s1 =	sshll.u32 s1, $0x11  }
0xc9: {  	s0 =	sor.u32 s1, s0  }
0xca: {  	s0 =	sadd.s32 $0x8F2B, s0  }
0xcb: {  	[sflag:s0] =	ssyncadd.remote.s32 $0x1  }
0xcc: {  	_ =	sfence.sel $0xFFFF  }
0xcd: {  	[dreg:$0x0] =	wrdreg $0xFFFFFFFF;
	(pc) =	sbr.abs _section_cstart, $3  }
0xce: {  	[dreg:$0x1] =	wrdreg $0xFFFFFFFF  }
0xcf: {  	_ =	task.clear_ibuf [dreg:s12], $0x2FFFF;
	_ =	strace $0x9FFFFFFF  }
0xd0: {  	(tm) =	ssettm $0x7FFFFFFF  }
0xd1: {  	_ =	shalt  }
tec
execute0_lowered:
.L_overlay_start_1:
0x0: {  	(tag) =	ssettag $0x1  }
0x1: {  	s8 =	rddreg [dreg:$0x0]  }
0x2: {  	s9 =	rddreg [dreg:$0x1]  }
0x3: {  	s1 =	rddreg [dreg:$0x2]  }
0x4: {  	s2 =	rddreg [dreg:$0x3]  }
0x5: {  	s5 =	rddreg [dreg:$0x4]  }
0x6: {  	s10 =	rddreg [dreg:$0x5]  }
0x7: {  	s11 =	rddreg [dreg:$0x6]  }
0x8: {  	s6 =	srdreg.scid;
	s3 =	stileid.u32  }
0x9: {  	s4 =	simm.s32 $0x0;
	s15 =	simm.s32 $0x1;
	s16 =	simm.s32 $0x2  }
0xa: {  	s17 =	simm.s32 $0x5;
	s18 =	simm.s32 $0x1000;
	s19 =	simm.s32 $0x2000  }
0xb: {  	s20 =	simm.s32 $0x10000;
	s21 =	simm.s32 $0x14000;
	s22 =	simm.s32 $0x3  }
0xc: {  	s23 =	simm.s32 $0x4;
	s24 =	simm.s32 $0x18400;
	s25 =	simm.s32 $0x18800  }
0xd: {  	s26 =	simm.s32 $0x80;
	s28 =	simm.s32 $0x400;
	s29 =	simm.s32 $0x6  }
0xe: {  	s30 =	simm.s32 $0x0;
	s6 =	sand.u32 $0x1, s6;
	s7 =	sshll.u32 s3, $0x1  }
0xf: {  	[smem:$0x7FF] =	sst s4;
	s31 =	sshll.u32 s3, $0xB;
	s7 =	sor.u32 s6, s7  }
0x10: {  	s6 =	ssub.s32 $0x2, s6;
	_ =	strace $0x80000047;
	s12 =	sshll.u32 s7, $0x7  }
0x11: {  	s13 =	sshrl.u32 s6, $0x1;
	s7 =	sshll.u32 s7, $0xC;
	s5 =	sadd.s32 s12, s5  }
0x12: {  	s13 =	ssub.s32 s6, s13;
	s12 =	sor.u32 s31, s12;
	s6 =	sadd.s32 s8, s7  }
0x13: {  	s14 =	sor.u32 $0x200, s7;
	s7 =	sadd.s32 s9, s7;
	s12 =	sand.u32 $0x6380, s12  }
0x14: {  	s5 =	sadd.s32 $0xC00, s5;
	s8 =	sadd.s32 s8, s14;
	s12 =	sshrl.u32 s12, $0x3  }
0x15: {  	s9 =	sadd.s32 s9, s14;
	s14 =	simm.s32 $0x18000;
	s10 =	sadd.s32 s10, s12  }
0x16: {  	v4 =	vlaneseq.u32;
	s11 =	sadd.s32 s11, s12;
	s12 =	smax.u32 s13, $0x1;
	s13 =	simm.s32 $0x8000  }
.LBB2_1:
0x17: {  	[tilespmem:s4], [sflag:$0x1] =	stream.linear.gather [hbm4b:s1+s4], $0x8000, $0x38;
	[tilespmem:$0x18C00] =	vst v63  }
0x18: {  	_ = 	snop  }
0x19: {  	[tilespmem:s13], [sflag:$0x2] =	stream.linear.gather [hbm4b:s2+s4], $0x8000, $0x38;
	[tilespmem:$0x18C00] =	vst v63  }
0x1a: {  	_ = 	snop  }
0x1b: {  	[tilespmem:s14], [sflag:$0x5] =	stream.linear.gather [hbm4b:s5+s4], $0x400, $0x38;
	[tilespmem:$0x18C00] =	vst v63  }
0x1c: {  	_ =	swait.ge [sflag:s15], $0x8000  }
0x1d: {  	[sflag:s15] =	ssyncset.done $0x0  }
0x1e: {  	[sflag:s15] =	ssyncadd.s32 $0xFFFF8000  }
0x1f: {  	_ =	swait.ge [sflag:s16], $0x8000  }
0x20: {  	[sflag:s16] =	ssyncset.done $0x0  }
0x21: {  	[sflag:s16] =	ssyncadd.s32 $0xFFFF8000  }
0x22: {  	_ =	swait.ge [sflag:s17], $0x400  }
0x23: {  	[sflag:s17] =	ssyncset.done $0x0  }
0x24: {  	[sflag:s17] =	ssyncadd.s32 $0xFFFFFC00  }
0x25: {  	[tilespmem:s20], [sflag:$0x3] =	stream.strided.gather [hbm4b:s6+s18], $0x4000, s19, s18, $0x38;
	[tilespmem:$0x18C00] =	vst v63  }
0x26: {  	_ = 	snop  }
0x27: {  	[tilespmem:s21], [sflag:$0x4] =	stream.strided.gather [hbm4b:s7+s18], $0x4000, s19, s18, $0x38;
	[tilespmem:$0x18C00] =	vst v63  }
0x28: {  	_ =	swait.ge [sflag:s22], $0x4000  }
0x29: {  	[sflag:s22] =	ssyncset.done $0x0  }
0x2a: {  	[sflag:s22] =	ssyncadd.s32 $0xFFFFC000  }
0x2b: {  	_ =	swait.ge [sflag:s23], $0x4000  }
0x2c: {  	[sflag:s23] =	ssyncset.done $0x0  }
0x2d: {  	s31 =	simm.s32 $0x0;
	[sflag:s23] =	ssyncadd.s32 $0xFFFFC000  }
.LBB2_2:
0x2e: {  	v3 =	vor.u32 s31, v4  }
0x2f: {  	v1 =	vmov s31  }
0x30: {  	v38 =	vshll.u32 v1, $0x3  }
0x31: {  	s0 =	sadd.s32 $0x10, s31;
	v27 =	vand.u32 $0x6F, v3;
	v1 =	vand.u32 $0xC00, v38  }
0x32: {  	v4 =	vor.u32 s0, v4;
	v15 =	vor.u32 v27, v1  }
0x33: {  	v23 =	vor.u32 $0x80, v15;
	v0 =	vld.idx.msk [tilespmem:v3+s14+$0x0], $0xffff;
	_ =	sdelay $0x1  }
0x34: {  	v26 =	vor.u32 $0x100, v15;
	_ =	sdelay $0x1  }
0x35: {  	v42 =	vor.u32 $0x200, v15;
	v2 =	vld.idx.msk [tilespmem:v4+s14+$0x0], $0xffff  }
0x36: {  	[tilespmem:$0x1FFE0] =	vst v3;
	v45 =	vld.idx.msk [tilespmem:v23+s20+$0x0], $0xffff;
	v3 =	vshll.u32 v0, $0x3  }
0x37: {  	v29 =	vor.u32 $0x280, v15;
	v37 =	vld.idx.msk [tilespmem:v23+s21+$0x0], $0xffff;
	v0 =	vand.u32 $0x7F, v0;
	v22 =	vand.u32 $0xFFFFFC00, v3  }
0x38: {  	v18 =	vld.idx.msk [tilespmem:v26+s20+$0x0], $0xffff;
	v11 =	vor.u32 v0, v22  }
0x39: {  	v19 =	vld.idx.msk [tilespmem:v26+s21+$0x0], $0xffff;
	v1 =	vor.u32 $0x80, v11  }
0x3a: {  	v57 =	vld.idx.msk [tilespmem:v42+s20+$0x0], $0xffff;
	v9 =	vor.u32 $0x100, v11  }
0x3b: {  	v62 =	vld.idx.msk [tilespmem:v42+s21+$0x0], $0xffff;
	v3 =	vmov s0  }
0x3c: {  	v60 =	vld.idx.msk [tilespmem:v29+s20+$0x0], $0xffff;
	v40 =	vshll.u32 v3, $0x3;
	v22 =	vor.u32 $0x180, v11  }
0x3d: {  	v41 =	vand.u32 $0x7F, v4;
	v61 =	vld.idx.msk [tilespmem:v29+s21+$0x0], $0xffff;
	v3 =	vand.u32 $0xC00, v40  }
0x3e: {  	v30 =	vor.u32 $0x280, v11;
	v14 =	vor.u32 v41, v3;
	v44 =	vld.idx.msk [tilespmem:v1+s4+$0x0], $0xffff  }
0x3f: {  	v12 =	vor.u32 $0x100, v14;
	v16 =	vld.idx.msk [tilespmem:v9+s4+$0x0], $0xffff  }
0x40: {  	v17 =	vld.idx.msk [tilespmem:v9+s13+$0x0], $0xffff  }
0x41: {  	v23 =	vor.u32 $0x180, v14;
	v46 =	vld.idx.msk [tilespmem:v22+s4+$0x0], $0xffff  }
0x42: {  	v8 =	vshll.u32 v2, $0x3;
	v51 =	vld.idx.msk [tilespmem:v22+s13+$0x0], $0xffff  }
0x43: {  	v2 =	vand.u32 $0x7F, v2;
	v3 =	vand.u32 $0xFFFFFC00, v8;
	v47 =	vor.u32 $0x200, v14;
	v63 =	vld.idx.msk [tilespmem:v30+s13+$0x0], $0xffff  }
0x44: {  	v13 =	vor.u32 v2, v3;
	v31 =	vld.idx.msk [tilespmem:v12+s20+$0x0], $0xffff  }
0x45: {  	v20 =	vor.u32 $0x100, v13;
	v43 =	vld.idx.msk [tilespmem:v12+s21+$0x0], $0xffff  }
0x46: {  	v49 =	vld.idx.msk [tilespmem:v23+s20+$0x0], $0xffff  }
0x47: {  	v48 =	vor.u32 $0x200, v13;
	v55 =	vld.idx.msk [tilespmem:v23+s21+$0x0], $0xffff  }
0x48: {  	v58 =	vld.idx.msk [tilespmem:v47+s20+$0x0], $0xffff  }
0x49: {  	v32 =	vor.u32 $0x280, v14;
	v59 =	vld.idx.msk [tilespmem:v47+s21+$0x0], $0xffff  }
0x4a: {  	v26 =	vld.idx.msk [tilespmem:v20+s4+$0x0], $0xffff  }
0x4b: {  	v47 =	vor.u32 $0x300, v14;
	v12 =	vld.idx.msk [tilespmem:v20+s13+$0x0], $0xffff  }
0x4c: {  	v22 =	vld.idx.msk [tilespmem:v48+s4+$0x0], $0xffff  }
0x4d: {  	v23 =	vld.idx.msk [tilespmem:v48+s13+$0x0], $0xffff;
	v20 =	vor.u32 v38, v27;
	v48 =	vor.u32 $0x300, v13  }
0x4e: {  	v9 =	vld.idx.msk [tilespmem:v32+s21+$0x0], $0xffff;
	v10 =	vor.u32 $0x380, v20  }
0x4f: {  	v36 =	vld.idx.msk [tilespmem:v1+s13+$0x0], $0xffff  }
0x50: {  	v56 =	vor.u32 $0x380, v11;
	[tilespmem:$0x1FB50] =	vst v60;
	v60 =	vld.idx.msk [tilespmem:v47+s20+$0x0], $0xffff  }
0x51: {  	[tilespmem:$0x1FB70] =	vst v63;
	v63 =	vld.idx.msk [tilespmem:v47+s21+$0x0], $0xffff  }
0x52: {  	v42 =	vor.u32 $0x300, v11;
	v40 =	vor.u32 v41, v40;
	[tilespmem:$0x1FB60] =	vst v61;
	v61 =	vld.idx.msk [tilespmem:v48+s4+$0x0], $0xffff  }
0x53: {  	v40 =	vor.u32 $0x380, v40;
	[tilespmem:$0x1FB90] =	vst v9;
	v9 =	vld.idx.msk [tilespmem:v10+s20+$0x0], $0xffff  }
0x54: {  	v47 =	vld.idx.msk [tilespmem:v10+s21+$0x0], $0xffff;
	v10 =	vor.u32 $0x1000, v15  }
0x55: {  	v41 =	vld.idx.msk [tilespmem:v56+s13+$0x0], $0xffff;
	[tilespmem:$0x1FBA0] =	vst v60;
	v60 =	vor.u32 $0x380, v13  }
0x56: {  	v8 =	vld.idx.msk [tilespmem:v32+s20+$0x0], $0xffff  }
0x57: {  	v32 =	vld.idx.msk [tilespmem:v42+s13+$0x0], $0xffff  }
0x58: {  	[tilespmem:$0x1FBB0] =	vst v61;
	v61 =	vld.idx.msk [tilespmem:v40+s21+$0x0], $0xffff  }
0x59: {  	v1 =	vor.u32 $0x1080, v15;
	[tilespmem:$0x1FBE0] =	vst v9;
	v9 =	vld.idx.msk [tilespmem:v10+s21+$0x0], $0xffff  }
0x5a: {  	[tilespmem:$0x1FBC0] =	vst v63;
	v63 =	vld.idx.msk [tilespmem:v60+s13+$0x0], $0xffff  }
0x5b: {  	[tilespmem:$0x1FB80] =	vst v8;
	v8 =	vld.idx.msk [tilespmem:v48+s13+$0x0], $0xffff  }
0x5c: {  	v27 =	vld.idx.msk [tilespmem:v42+s4+$0x0], $0xffff  }
0x5d: {  	v42 =	vld.idx.msk [tilespmem:v40+s20+$0x0], $0xffff;
	[tilespmem:$0x1FBF0] =	vst v61;
	v61 =	vadd.s32 $0x2000, v11  }
0x5e: {  	v3 =	vld.idx.msk [tilespmem:v1+s20+$0x0], $0xffff;
	[tilespmem:$0x1FC30] =	vst v9;
	v9 =	vadd.s32 $0x2080, v11  }
0x5f: {  	v48 =	vld.idx.msk [tilespmem:v56+s4+$0x0], $0xffff;
	[tilespmem:$0x1FC00] =	vst v63;
	v63 =	vor.u32 $0x1000, v14  }
0x60: {  	[tilespmem:$0x1FBD0] =	vst v8;
	v8 =	vld.idx.msk [tilespmem:v10+s20+$0x0], $0xffff  }
0x61: {  	v10 =	vadd.s32 $0x2000, v13;
	v40 =	vld.idx.msk [tilespmem:v60+s4+$0x0], $0xffff  }
0x62: {  	v56 =	vld.idx.msk [tilespmem:v61+s4+$0x0], $0xffff  }
0x63: {  	[tilespmem:$0x1FC60] =	vst v3;
	v3 =	vld.idx.msk [tilespmem:v9+s4+$0x0], $0xffff  }
0x64: {  	v60 =	vld.idx.msk [tilespmem:v63+s20+$0x0], $0xffff  }
0x65: {  	[tilespmem:$0x1FC10] =	vst v8;
	v8 =	vld.idx.msk [tilespmem:v63+s21+$0x0], $0xffff  }
0x66: {  	v63 =	vld.idx.msk [tilespmem:v10+s13+$0x0], $0xffff  }
0x67: {  	[tilespmem:$0x1FC20] =	vst v56;
	v56 =	vld.idx.msk [tilespmem:v10+s4+$0x0], $0xffff;
	v10 =	vor.u32 $0x1080, v14  }
0x68: {  	v21 =	vor.u32 $0x180, v15;
	_ =	sdelay $0x2  }
0x69: {  	[tilespmem:$0x1FC70] =	vst v3  }
0x6a: {  	[tilespmem:$0x1FC40] =	vst v60;
	v60 =	vadd.s32 $0x2080, v13;
	v3 =	vld.idx.msk [tilespmem:v10+s20+$0x0], $0xffff  }
0x6b: {  	v52 =	vld.idx.msk [tilespmem:v21+s20+$0x0], $0xffff  }
0x6c: {  	v50 =	vld.idx.msk [tilespmem:v21+s21+$0x0], $0xffff;
	v24 =	vor.u32 $0x80, v14  }
0x6d: {  	v7 =	vld.idx.msk [tilespmem:v11+s13+$0x0], $0xffff  }
0x6e: {  	v6 =	vld.idx.msk [tilespmem:v14+s20+$0x0], $0xffff;
	[tilespmem:$0x1FC50] =	vst v8  }
0x6f: {  	v8 =	vor.u32 $0x1100, v15;
	[tilespmem:$0x1FCA0] =	vst v3;
	v3 =	vld.idx.msk [tilespmem:v60+s4+$0x0], $0xffff  }
0x70: {  	[tilespmem:$0x1FFF0] =	vst v4;
	v4 =	vld.idx.msk [tilespmem:v14+s21+$0x0], $0xffff  }
0x71: {  	v25 =	vor.u32 $0x80, v13;
	v33 =	vld.idx.msk [tilespmem:v24+s20+$0x0], $0xffff  }
0x72: {  	v39 =	vld.idx.msk [tilespmem:v24+s21+$0x0], $0xffff  }
0x73: {  	v2 =	vld.idx.msk [tilespmem:v9+s13+$0x0], $0xffff  }
0x74: {  	v9 =	vadd.s32 $0x2100, v11;
	[tilespmem:$0x1FCB0] =	vst v3;
	v3 =	vld.idx.msk [tilespmem:v8+s20+$0x0], $0xffff  }
0x75: {  	v5 =	vld.idx.msk [tilespmem:v13+s4+$0x0], $0xffff  }
0x76: {  	v35 =	vor.u32 $0x280, v13;
	v28 =	vld.idx.msk [tilespmem:v25+s4+$0x0], $0xffff  }
0x77: {  	v24 =	vor.u32 $0x180, v13;
	v1 =	vld.idx.msk [tilespmem:v1+s21+$0x0], $0xffff  }
0x78: {  	v0 =	vld.idx.msk [tilespmem:v10+s21+$0x0], $0xffff  }
0x79: {  	v10 =	vor.u32 $0x1100, v14;
	[tilespmem:$0x1FCE0] =	vst v3;
	v3 =	vld.idx.msk [tilespmem:v9+s4+$0x0], $0xffff  }
0x7a: {  	v34 =	vld.idx.msk [tilespmem:v25+s13+$0x0], $0xffff  }
0x7b: {  	v29 =	vld.idx.msk [tilespmem:v35+s4+$0x0], $0xffff  }
0x7c: {  	v21 =	vld.idx.msk [tilespmem:v24+s4+$0x0], $0xffff  }
0x7d: {  	[tilespmem:$0x1FC80] =	vst v1;
	v1 =	vld.idx.msk [tilespmem:v60+s13+$0x0], $0xffff  }
0x7e: {  	v60 =	vadd.s32 $0x2100, v13;
	[tilespmem:$0x1FCF0] =	vst v3;
	v3 =	vld.idx.msk [tilespmem:v10+s20+$0x0], $0xffff  }
0x7f: {  	[tilespmem:$0x1FC90] =	vst v2;
	v2 =	vld.idx.msk [tilespmem:v8+s21+$0x0], $0xffff  }
0x80: {  	[tilespmem:$0x1FCC0] =	vst v0;
	v0 =	vld.idx.msk [tilespmem:v9+s13+$0x0], $0xffff;
	v8 =	vor.u32 $0x1180, v15  }
0x81: {  	v54 =	vld.idx.msk [tilespmem:v24+s13+$0x0], $0xffff  }
0x82: {  	v24 =	vld.idx.msk [tilespmem:v30+s4+$0x0], $0xffff  }
0x83: {  	[tilespmem:$0x1FD20] =	vst v3;
	v3 =	vld.idx.msk [tilespmem:v60+s4+$0x0], $0xffff  }
0x84: {  	v25 =	vor.u32 $0x200, v11;
	[tilespmem:$0x1FD00] =	vst v2;
	v2 =	vld.idx.msk [tilespmem:v60+s13+$0x0], $0xffff  }
0x85: {  	[tilespmem:$0x1FD10] =	vst v0;
	v0 =	vld.idx.msk [tilespmem:v8+s21+$0x0], $0xffff;
	v60 =	vadd.s32 $0x2180, v13  }
0x86: {  	v30 =	vld.idx.msk [tilespmem:v35+s13+$0x0], $0xffff  }
0x87: {  	[tilespmem:$0x1FCD0] =	vst v1;
	v1 =	vld.idx.msk [tilespmem:v10+s21+$0x0], $0xffff;
	v10 =	vor.u32 $0x1180, v14  }
0x88: {  	v9 =	vadd.s32 $0x2180, v11;
	[tilespmem:$0x1FD30] =	vst v3;
	v3 =	vld.idx.msk [tilespmem:v8+s20+$0x0], $0xffff  }
0x89: {  	v53 =	vld.idx.msk [tilespmem:v25+s4+$0x0], $0xffff  }
0x8a: {  	[tilespmem:$0x1FD80] =	vst v0;
	v0 =	vld.idx.msk [tilespmem:v60+s13+$0x0], $0xffff  }
0x8b: {  	v25 =	vld.idx.msk [tilespmem:v25+s13+$0x0], $0xffff  }
0x8c: {  	v8 =	vld.idx.msk [tilespmem:v10+s20+$0x0], $0xffff  }
0x8d: {  	[tilespmem:$0x1FD60] =	vst v3;
	v3 =	vld.idx.msk [tilespmem:v9+s4+$0x0], $0xffff  }
0x8e: {  	v38 =	vor.u32 $0x300, v20;
	[tilespmem:$0x1FD40] =	vst v1;
	v1 =	vld.idx.msk [tilespmem:v9+s13+$0x0], $0xffff  }
0x8f: {  	v9 =	vld.idx.msk [tilespmem:v10+s21+$0x0], $0xffff;
	[tilespmem:$0x1FDD0] =	vst v0;
	v0 =	vor.u32 $0x1200, v15  }
0x90: {  	v10 =	vld.idx.msk [tilespmem:v60+s4+$0x0], $0xffff  }
0x91: {  	[tilespmem:$0x1FDA0] =	vst v8;
	v8 =	vld.idx.msk [tilespmem:v15+s21+$0x0], $0xffff  }
0x92: {  	[tilespmem:$0x1FD70] =	vst v3;
	v3 =	vld.idx.msk [tilespmem:v13+s13+$0x0], $0xffff  }
0x93: {  	v35 =	vld.idx.msk [tilespmem:v38+s20+$0x0], $0xffff  }
0x94: {  	v17 =	vsub.f32 v19, v17;
	v5 =	vsub.f32 v6, v5;
	[tilespmem:$0x1FD90] =	vst v1;
	v1 =	vadd.s32 $0x2200, v11;
	v60 =	vld.idx.msk [tilespmem:v0+s20+$0x0], $0xffff  }
0x95: {  	v6 =	vsub.f32 v37, v36;
	v38 =	vld.idx.msk [tilespmem:v38+s21+$0x0], $0xffff;
	v53 =	vsub.f32 v57, v53  }
0x96: {  	v57 =	vsub.f32 v62, v25;
	[tilespmem:$0x1FD50] =	vst v2;
	v0 =	vld.idx.msk [tilespmem:v0+s21+$0x0], $0xffff;
	v7 =	vsub.f32 v8, v7  }
0x97: {  	v62 =	vor.u32 $0x1380, v14;
	[tilespmem:$0x1FDB0] =	vst v10;
	v10 =	vld.idx.msk [tilespmem:v15+s20+$0x0], $0xffff;
	v8 =	vsub.f32 v33, v28;
	v3 =	vsub.f32 v4, v3  }
0x98: {  	[tilespmem:$0x1FDC0] =	vst v9;
	v9 =	vld.idx.msk [tilespmem:v11+s4+$0x0], $0xffff;
	v33 =	vadd.s32 $0x2280, v13;
	v4 =	vsub.f32 v45, v44;
	v44 =	vsub.f32 v18, v16  }
0x99: {  	v2 =	vor.u32 $0x1200, v14;
	[tilespmem:$0x1FDE0] =	vst v60;
	v60 =	vld.idx.msk [tilespmem:v1+s4+$0x0], $0xffff;
	v16 =	vsub.f32 v39, v34;
	v34 =	vsub.f32 v31, v26  }
0x9a: {  	v36 =	vsub.f32 v43, v12;
	v58 =	vsub.f32 v58, v22;
	v61 =	vld.idx.msk [tilespmem:v61+s13+$0x0], $0xffff  }
0x9b: {  	v5 =	vmul.f32 v5, v5;
	[tilespmem:$0x1FE00] =	vst v0;
	v0 =	vadd.s32 $0x2200, v13;
	v1 =	vld.idx.msk [tilespmem:v1+s13+$0x0], $0xffff;
	v43 =	vmul.f32 v34, v34  }
0x9c: {  	v52 =	vsub.f32 v52, v46;
	v17 =	vmul.f32 v17, v17;
	v34 =	vmul.f32 v58, v58;
	v58 =	vld.idx.msk [tilespmem:v62+s20+$0x0], $0xffff  }
0x9d: {  	v7 =	vmul.f32 v7, v7;
	v45 =	vor.u32 $0x1280, v14;
	v5 =	vadd.f32 v43, v5;
	v43 =	vld.idx.msk [tilespmem:v33+s4+$0x0], $0xffff  }
0x9e: {  	v9 =	vsub.f32 v10, v9;
	[tilespmem:$0x1FDF0] =	vst v60;
	v60 =	vld.idx.msk [tilespmem:v2+s20+$0x0], $0xffff  }
0x9f: {  	v7 =	vadd.f32 v17, v7;
	v17 =	vmul.f32 v52, v52;
	v39 =	vor.u32 $0x1300, v20;
	v2 =	vld.idx.msk [tilespmem:v2+s21+$0x0], $0xffff  }
0xa0: {  	v52 =	vor.u32 $0x1380, v20;
	v9 =	vmul.f32 v9, v9;
	v10 =	vmul.f32 v44, v44;
	v37 =	vld.idx.msk [tilespmem:v0+s4+$0x0], $0xffff  }
0xa1: {  	[tilespmem:$0x1FE10] =	vst v1;
	v1 =	vor.u32 $0x1280, v15;
	v28 =	vld.idx.msk [tilespmem:v0+s13+$0x0], $0xffff  }
0xa2: {  	v9 =	vadd.f32 v10, v9;
	v44 =	vld.idx.msk [tilespmem:v45+s20+$0x0], $0xffff  }
0xa3: {  	v10 =	vmul.f32 v36, v36;
	v36 =	vsub.f32 v49, v21;
	v0 =	vld.idx.msk [tilespmem:v45+s21+$0x0], $0xffff;
	v45 =	vadd.s32 $0x2300, v11  }
0xa4: {  	v49 =	vld.idx.msk [tilespmem:v39+s21+$0x0], $0xffff  }
0xa5: {  	v46 =	vmul.f32 v36, v36;
	v36 =	vld.idx.msk [tilespmem:v52+s20+$0x0], $0xffff  }
0xa6: {  	[tilespmem:$0x1FE20] =	vst v60;
	v60 =	vld.idx.msk [tilespmem:v1+s20+$0x0], $0xffff  }
0xa7: {  	v8 =	vmul.f32 v8, v8;
	[tilespmem:$0x1FE40] =	vst v2;
	v2 =	vadd.s32 $0x2280, v11;
	v1 =	vld.idx.msk [tilespmem:v1+s21+$0x0], $0xffff  }
0xa8: {  	v31 =	vld.idx.msk [tilespmem:v45+s13+$0x0], $0xffff  }
0xa9: {  	v18 =	vadd.f32 v46, v8;
	v8 =	vmul.f32 v53, v53;
	[tilespmem:$0x1FE80] =	vst v0;
	v0 =	vld.idx.msk [tilespmem:v52+s21+$0x0], $0xffff  }
0xaa: {  	v52 =	vld [tilespmem:$0x1FBA0]  }
0xab: {  	v9 =	vadd.f32 v8, v9;
	v8 =	vld [tilespmem:$0x1FC40]  }
0xac: {  	v26 =	vor.u32 $0x1300, v14;
	[tilespmem:$0x1FE30] =	vst v37;
	v37 =	vld.idx.msk [tilespmem:v2+s4+$0x0], $0xffff  }
0xad: {  	v46 =	vadd.s32 $0x2380, v13;
	v12 =	vld.idx.msk [tilespmem:v2+s13+$0x0], $0xffff  }
0xae: {  	[tilespmem:$0x1FE60] =	vst v1;
	v1 =	vld.idx.msk [tilespmem:v33+s13+$0x0], $0xffff  }
0xaf: {  	[tilespmem:$0x1FE50] =	vst v60;
	v60 =	vsub.f32 v50, v51;
	v51 =	vld.idx.msk [tilespmem:v39+s20+$0x0], $0xffff;
	v39 =	vadd.s32 $0x2300, v13  }
0xb0: {  	v33 =	vld.idx.msk [tilespmem:v45+s4+$0x0], $0xffff  }
0xb1: {  	v50 =	vsub.f32 v55, v54;
	v54 =	vld.idx.msk [tilespmem:v26+s20+$0x0], $0xffff  }
0xb2: {  	v55 =	vadd.s32 $0x2380, v11;
	[tilespmem:$0x1FEE0] =	vst v0;
	v0 =	vld.idx.msk [tilespmem:v46+s13+$0x0], $0xffff  }
0xb3: {  	[tilespmem:$0x1FE90] =	vst v1;
	v1 =	vld.idx.msk [tilespmem:v26+s21+$0x0], $0xffff  }
0xb4: {  	[tilespmem:$0x1FE70] =	vst v44;
	v44 =	vld.idx.msk [tilespmem:v39+s4+$0x0], $0xffff  }
0xb5: {  	v3 =	vmul.f32 v3, v3;
	v45 =	vld.idx.msk [tilespmem:v39+s13+$0x0], $0xffff  }
0xb6: {  	v6 =	vmul.f32 v6, v6;
	v4 =	vmul.f32 v4, v4;
	v39 =	vld [tilespmem:$0x1FB50]  }
0xb7: {  	v3 =	vadd.f32 v10, v3;
	v22 =	vadd.f32 v34, v5;
	v10 =	vmul.f32 v60, v60;
	v5 =	vld.idx.msk [tilespmem:v55+s4+$0x0], $0xffff  }
0xb8: {  	v16 =	vmul.f32 v16, v16;
	v4 =	vadd.f32 v17, v4;
	v17 =	vld.idx.msk [tilespmem:v55+s13+$0x0], $0xffff  }
0xb9: {  	v60 =	vsub.f32 v59, v23;
	v6 =	vadd.f32 v10, v6;
	v10 =	vmul.f32 v50, v50;
	[tilespmem:$0x1FEA0] =	vst v54;
	v54 =	vld [tilespmem:$0x1FB60]  }
0xba: {  	[tilespmem:$0x1FEC0] =	vst v36;
	v36 =	vor.u32 $0x2000, v14;
	v26 =	vmul.f32 v57, v57;
	v55 =	vld [tilespmem:$0x1FB80]  }
0xbb: {  	v10 =	vadd.f32 v10, v16;
	v16 =	vmul.f32 v60, v60;
	v60 =	vld.idx.msk [tilespmem:v62+s21+$0x0], $0xffff;
	v62 =	vadd.s32 $0x4000, v11  }
0xbc: {  	v21 =	vadd.f32 v26, v7;
	v7 =	vld [tilespmem:$0x1FB70]  }
0xbd: {  	v59 =	vld [tilespmem:$0x1FB90]  }
0xbe: {  	v23 =	vld.idx.msk [tilespmem:v46+s4+$0x0], $0xffff;
	[tilespmem:$0x1FF10] =	vst v0  }
0xbf: {  	v0 =	vld.idx.msk [tilespmem:v36+s21+$0x0], $0xffff;
	v19 =	vsub.f32 v39, v24;
	[tilespmem:$0x1FED0] =	vst v5;
	v5 =	vor.u32 $0x2000, v15  }
0xc0: {  	v57 =	vsub.f32 v55, v29;
	v53 =	vld.idx.msk [tilespmem:v62+s4+$0x0], $0xffff  }
0xc1: {  	v50 =	vadd.f32 v16, v3;
	v3 =	vmul.f32 v19, v19;
	v7 =	vsub.f32 v54, v7;
	v54 =	vld [tilespmem:$0x1FBC0]  }
0xc2: {  	v34 =	vmul.f32 v57, v57;
	v57 =	vld.idx.msk [tilespmem:v62+s13+$0x0], $0xffff  }
0xc3: {  	v25 =	vadd.f32 v3, v4;
	v3 =	vsub.f32 v59, v30;
	v59 =	vld [tilespmem:$0x1FBE0]  }
0xc4: {  	v39 =	vld.idx.msk [tilespmem:v5+s21+$0x0], $0xffff  }
0xc5: {  	[tilespmem:$0x1FEF0] =	vst v58;
	v16 =	vld.idx.msk [tilespmem:v5+s20+$0x0], $0xffff;
	v3 =	vmul.f32 v3, v3  }
0xc6: {  	v4 =	vsub.f32 v35, v27;
	[tilespmem:$0x1FF20] =	vst v53;
	v53 =	vld [tilespmem:$0x1FBF0]  }
0xc7: {  	[tilespmem:$0x1FF00] =	vst v60;
	v27 =	vadd.f32 v3, v10;
	v3 =	vld [tilespmem:$0x1FBB0]  }
0xc8: {  	v58 =	vor.u32 $0x2080, v15;
	v4 =	vmul.f32 v4, v4;
	[tilespmem:$0x1FF40] =	vst v57;
	v57 =	vld [tilespmem:$0x1FC10]  }
0xc9: {  	v60 =	vsub.f32 v59, v48;
	[tilespmem:$0x1FF30] =	vst v39;
	v39 =	vld.idx.msk [tilespmem:v36+s20+$0x0], $0xffff;
	v36 =	vadd.s32 $0x4080, v11  }
0xca: {  	v29 =	vadd.f32 v4, v9;
	v9 =	vsub.f32 v8, v56;
	v8 =	vld [tilespmem:$0x1FC90]  }
0xcb: {  	v62 =	vsub.f32 v47, v41;
	v41 =	vsub.f32 v42, v40;
	v42 =	vmul.f32 v60, v60;
	v60 =	vld [tilespmem:$0x1FC30]  }
0xcc: {  	v46 =	vadd.s32 $0x4000, v13;
	v4 =	vsub.f32 v52, v3;
	v3 =	vld [tilespmem:$0x1FBD0]  }
0xcd: {  	v52 =	vld.idx.msk [tilespmem:v58+s20+$0x0], $0xffff  }
0xce: {  	v48 =	vmul.f32 v62, v62;
	v62 =	vld.idx.msk [tilespmem:v36+s4+$0x0], $0xffff  }
0xcf: {  	v26 =	vmul.f32 v4, v4;
	v19 =	vld.idx.msk [tilespmem:v36+s13+$0x0], $0xffff  }
0xd0: {  	v61 =	vsub.f32 v60, v61;
	v60 =	vld [tilespmem:$0x1FC60]  }
0xd1: {  	v18 =	vadd.f32 v34, v18;
	v34 =	vadd.f32 v26, v22;
	v26 =	vld.idx.msk [tilespmem:v46+s4+$0x0], $0xffff  }
0xd2: {  	v7 =	vmul.f32 v7, v7;
	v46 =	vld.idx.msk [tilespmem:v46+s13+$0x0], $0xffff  }
0xd3: {  	v35 =	vsub.f32 v38, v32;
	v22 =	vor.u32 $0x2100, v15;
	v55 =	vsub.f32 v54, v3;
	v54 =	vld [tilespmem:$0x1FC00]  }
0xd4: {  	[tilespmem:$0x1FF70] =	vst v52;
	v52 =	vld [tilespmem:$0x1FC50]  }
0xd5: {  	v6 =	vadd.f32 v7, v6;
	v38 =	vmul.f32 v35, v35;
	v10 =	vmul.f32 v55, v55;
	v55 =	vld.idx.msk [tilespmem:v58+s21+$0x0], $0xffff  }
0xd6: {  	v32 =	vor.u32 $0x2080, v14;
	v58 =	vld [tilespmem:$0x1FC20]  }
0xd7: {  	v30 =	vadd.f32 v38, v21;
	v38 =	vadd.f32 v48, v6;
	v3 =	vld [tilespmem:$0x1FDF0]  }
0xd8: {  	v35 =	vadd.f32 v42, v25;
	v24 =	vadd.f32 v10, v50;
	v50 =	vmul.f32 v41, v41;
	v21 =	vld.idx.msk [tilespmem:v22+s21+$0x0], $0xffff  }
0xd9: {  	v25 =	vadd.s32 $0x4080, v13;
	v6 =	vsub.f32 v53, v54;
	v53 =	vsub.f32 v52, v63;
	v63 =	vld [tilespmem:$0x1FC80]  }
0xda: {  	[tilespmem:$0x1FF50] =	vst v39;
	v39 =	vadd.f32 v50, v18;
	v18 =	vld [tilespmem:$0x1FCB0]  }
0xdb: {  	v59 =	vsub.f32 v57, v58;
	v57 =	vld.idx.msk [tilespmem:v32+s21+$0x0], $0xffff  }
0xdc: {  	[tilespmem:$0x1FF90] =	vst v55;
	v55 =	vmul.f32 v61, v61;
	v61 =	vld [tilespmem:$0x1FC70]  }
0xdd: {  	v54 =	vmul.f32 v59, v59;
	v59 =	vld.idx.msk [tilespmem:v32+s20+$0x0], $0xffff  }
0xde: {  	v58 =	vmul.f32 v53, v53;
	v32 =	vld.idx.msk [tilespmem:v25+s4+$0x0], $0xffff  }
0xdf: {  	v10 =	vmul.f32 v6, v6;
	v48 =	vadd.f32 v55, v30;
	v30 =	vld.idx.msk [tilespmem:v25+s13+$0x0], $0xffff  }
0xe0: {  	v53 =	vadd.f32 v58, v24;
	v58 =	vld.idx.msk [tilespmem:v22+s20+$0x0], $0xffff  }
0xe1: {  	v50 =	vadd.s32 $0x4100, v11;
	v41 =	vadd.f32 v10, v27;
	v10 =	vld [tilespmem:$0x1FCA0]  }
0xe2: {  	v42 =	vor.u32 $0x2100, v14;
	v22 =	vld [tilespmem:$0x1FCC0]  }
0xe3: {  	v24 =	vld [tilespmem:$0x1FCD0]  }
0xe4: {  	[tilespmem:$0x1FFC0] =	vst v21;
	v21 =	vld [tilespmem:$0x1FD20]  }
0xe5: {  	v56 =	vmul.f32 v9, v9;
	v9 =	vsub.f32 v63, v8;
	v63 =	vld [tilespmem:$0x1FCF0]  }
0xe6: {  	[tilespmem:$0x1FF80] =	vst v62;
	v40 =	vld.idx.msk [tilespmem:v50+s4+$0x0], $0xffff  }
0xe7: {  	[tilespmem:$0x1FFB0] =	vst v57;
	v62 =	vsub.f32 v60, v61;
	v57 =	vld.idx.msk [tilespmem:v42+s20+$0x0], $0xffff  }
0xe8: {  	v47 =	vadd.f32 v54, v29;
	v29 =	vmul.f32 v9, v9;
	v9 =	vld [tilespmem:$0x1FD00]  }
0xe9: {  	v54 =	vadd.s32 $0x4100, v13;
	v27 =	vmul.f32 v62, v62;
	v62 =	vld [tilespmem:$0x1FCE0]  }
0xea: {  	[tilespmem:$0x1FFA0] =	vst v19;
	v19 =	vsub.f32 v10, v18;
	v10 =	vld [tilespmem:$0x1FD10]  }
0xeb: {  	v25 =	vsub.f32 v22, v24;
	v22 =	vld [tilespmem:$0x1FD30]  }
0xec: {  	v34 =	vadd.f32 v56, v34;
	v56 =	vadd.f32 v27, v35;
	v35 =	vld.idx.msk [tilespmem:v50+s13+$0x0], $0xffff  }
0xed: {  	v52 =	vmul.f32 v19, v19;
	v19 =	vld.idx.msk [tilespmem:v42+s21+$0x0], $0xffff  }
0xee: {  	v60 =	vadd.f32 v29, v38;
	v38 =	vld.idx.msk [tilespmem:v54+s13+$0x0], $0xffff  }
0xef: {  	v36 =	vmul.f32 v25, v25;
	v25 =	vld [tilespmem:$0x1FD40]  }
0xf0: {  	v50 =	vor.u32 $0x2180, v15;
	v27 =	vld [tilespmem:$0x1FD50]  }
0xf1: {  	v61 =	vadd.f32 v36, v41;
	v36 =	vld.idx.msk [tilespmem:v54+s4+$0x0], $0xffff  }
0xf2: {  	v42 =	vadd.s32 $0x4180, v11;
	v18 =	vsub.f32 v9, v10;
	v9 =	vld [tilespmem:$0x1FD60]  }
0xf3: {  	v10 =	vld [tilespmem:$0x1FD70]  }
0xf4: {  	v24 =	vsub.f32 v21, v22;
	v21 =	vld [tilespmem:$0x1FD90]  }
0xf5: {  	v41 =	vld.idx.msk [tilespmem:v50+s20+$0x0], $0xffff  }
0xf6: {  	[tilespmem:$0x1FFD0] =	vst v19;
	v19 =	vld [tilespmem:$0x1FD80]  }
0xf7: {  	v2 =	vsub.f32 v62, v63;
	v63 =	vld.idx.msk [tilespmem:v42+s4+$0x0], $0xffff  }
0xf8: {  	v29 =	vsub.f32 v25, v27;
	v25 =	vld [tilespmem:$0x1FDA0]  }
0xf9: {  	v55 =	vadd.f32 v52, v39;
	v54 =	vor.u32 $0x2180, v14;
	v39 =	vmul.f32 v18, v18;
	v27 =	vld [tilespmem:$0x1FDB0]  }
0xfa: {  	v42 =	vld.idx.msk [tilespmem:v42+s13+$0x0], $0xffff  }
0xfb: {  	v8 =	vmul.f32 v2, v2;
	v7 =	vadd.f32 v39, v48;
	v39 =	vld.idx.msk [tilespmem:v50+s21+$0x0], $0xffff  }
0xfc: {  	v52 =	vmul.f32 v29, v29;
	v18 =	vsub.f32 v9, v10;
	v9 =	vld [tilespmem:$0x1FDC0]  }
0xfd: {  	v62 =	vadd.f32 v8, v47;
	v47 =	vmul.f32 v24, v24;
	v10 =	vld [tilespmem:$0x1FDD0]  }
0xfe: {  	v48 =	vadd.s32 $0x4180, v13;
	v5 =	vadd.f32 v52, v53;
	v52 =	vld.idx.msk [tilespmem:v54+s20+$0x0], $0xffff  }
0xff: {  	v34 =	vadd.f32 v47, v34;
	v47 =	vld.idx.msk [tilespmem:v54+s21+$0x0], $0xffff  }
0x100: {  	v2 =	vor.u32 $0x2200, v15;
	v22 =	vsub.f32 v19, v21;
	v21 =	vld [tilespmem:$0x1FDE0]  }
0x101: {  	v29 =	vsub.f32 v25, v27;
	v25 =	vld [tilespmem:$0x1FE00]  }
0x102: {  	v27 =	vld [tilespmem:$0x1FE20]  }
0x103: {  	v54 =	vld.idx.msk [tilespmem:v48+s4+$0x0], $0xffff  }
0x104: {  	v24 =	vmul.f32 v18, v18;
	v53 =	vld.idx.msk [tilespmem:v48+s13+$0x0], $0xffff  }
0x105: {  	v50 =	vmul.f32 v22, v22;
	v48 =	vld.idx.msk [tilespmem:v2+s20+$0x0], $0xffff;
	v18 =	vsub.f32 v9, v10  }
0x106: {  	v6 =	vadd.f32 v24, v56;
	v22 =	vsub.f32 v21, v3;
	v3 =	vld [tilespmem:$0x1FE10]  }
0x107: {  	v8 =	vadd.f32 v50, v60;
	v60 =	vor.u32 $0x2200, v14;
	v50 =	vld.idx.msk [tilespmem:v2+s21+$0x0], $0xffff;
	v24 =	vmul.f32 v18, v18  }
0x108: {  	[tilespmem:$0x1FEB0] =	vst v1;
	v1 =	vadd.s32 $0x4200, v11;
	v21 =	vld [tilespmem:$0x1FE50]  }
0x109: {  	v56 =	vadd.f32 v24, v61;
	v61 =	vld [tilespmem:$0x1FE40]  }
0x10a: {  	v19 =	vmul.f32 v29, v29;
	v29 =	vmul.f32 v22, v22;
	v22 =	vor.u32 $0x2280, v15;
	v24 =	vld [tilespmem:$0x1FEA0]  }
0x10b: {  	v4 =	vsub.f32 v25, v3;
	v3 =	vld [tilespmem:$0x1FE30]  }
0x10c: {  	v62 =	vadd.f32 v29, v62;
	v29 =	vld.idx.msk [tilespmem:v60+s21+$0x0], $0xffff  }
0x10d: {  	[tilespmem:$0x1FF60] =	vst v0;
	v0 =	vsub.f32 v21, v37;
	v37 =	vld.idx.msk [tilespmem:v1+s13+$0x0], $0xffff  }
0x10e: {  	v18 =	vsub.f32 v61, v28;
	v28 =	vld.idx.msk [tilespmem:v1+s4+$0x0], $0xffff  }
0x10f: {  	v51 =	vsub.f32 v51, v33;
	v4 =	vmul.f32 v4, v4;
	v33 =	vld.idx.msk [tilespmem:v22+s20+$0x0], $0xffff  }
0x110: {  	v49 =	vsub.f32 v49, v31;
	v25 =	vadd.s32 $0x4280, v11;
	v31 =	vld.idx.msk [tilespmem:v22+s21+$0x0], $0xffff;
	v3 =	vsub.f32 v27, v3  }
0x111: {  	v7 =	vadd.f32 v4, v7;
	v4 =	vld [tilespmem:$0x1FE70]  }
0x112: {  	v61 =	vmul.f32 v18, v18;
	v18 =	vld [tilespmem:$0x1FE80];
	v3 =	vmul.f32 v3, v3  }
0x113: {  	v27 =	vld.idx.msk [tilespmem:v60+s20+$0x0], $0xffff  }
0x114: {  	v34 =	vadd.f32 v3, v34;
	v3 =	vld [tilespmem:$0x1FE60]  }
0x115: {  	v55 =	vadd.f32 v19, v55;
	v19 =	vadd.s32 $0x4200, v13;
	v21 =	vmul.f32 v51, v51;
	v51 =	vld.idx.msk [tilespmem:v25+s4+$0x0], $0xffff  }
0x116: {  	v22 =	vmul.f32 v49, v49;
	v49 =	vld.idx.msk [tilespmem:v25+s13+$0x0], $0xffff  }
0x117: {  	v10 =	vadd.f32 v61, v5;
	v5 =	vld [tilespmem:$0x1FE90]  }
0x118: {  	v60 =	vadd.f32 v21, v62;
	v62 =	vld [tilespmem:$0x1FEB0]  }
0x119: {  	v25 =	vsub.f32 v24, v44;
	v24 =	vld [tilespmem:$0x1FEF0];
	v3 =	vsub.f32 v3, v12  }
0x11a: {  	v41 =	vsub.f32 v41, v63;
	v0 =	vmul.f32 v0, v0;
	v61 =	vld.idx.msk [tilespmem:v19+s4+$0x0], $0xffff  }
0x11b: {  	v1 =	vadd.s32 $0x4280, v13;
	v4 =	vsub.f32 v4, v43;
	v43 =	vld.idx.msk [tilespmem:v19+s13+$0x0], $0xffff;
	v3 =	vmul.f32 v3, v3  }
0x11c: {  	v9 =	vadd.f32 v0, v6;
	v19 =	vor.u32 $0x2280, v14;
	v6 =	vsub.f32 v18, v5;
	v18 =	vld [tilespmem:$0x1FEC0]  }
0x11d: {  	v63 =	vsub.f32 v47, v53;
	v5 =	vadd.f32 v3, v8;
	v3 =	vld [tilespmem:$0x1FED0]  }
0x11e: {  	v53 =	vor.u32 $0x3080, v14;
	v7 =	vadd.f32 v22, v7;
	v22 =	vld [tilespmem:$0x1FEE0];
	v4 =	vmul.f32 v4, v4  }
0x11f: {  	v21 =	vld [tilespmem:$0x1FF40]  }
0x120: {  	v23 =	vsub.f32 v24, v23;
	v24 =	vld.idx.msk [tilespmem:v1+s13+$0x0], $0xffff;
	v6 =	vmul.f32 v6, v6;
	v4 =	vadd.f32 v4, v55  }
0x121: {  	v55 =	vsub.f32 v62, v45;
	v44 =	vld.idx.msk [tilespmem:v19+s20+$0x0], $0xffff;
	v29 =	vsub.f32 v29, v43  }
0x122: {  	v45 =	vld.idx.msk [tilespmem:v19+s21+$0x0], $0xffff;
	v12 =	vadd.f32 v6, v56;
	v19 =	vsub.f32 v18, v3  }
0x123: {  	v43 =	vld.idx.msk [tilespmem:v53+s20+$0x0], $0xffff;
	v56 =	vor.u32 $0x2300, v20;
	v8 =	vmul.f32 v25, v25;
	v3 =	vsub.f32 v22, v17  }
0x124: {  	v25 =	vld.idx.msk [tilespmem:v1+s4+$0x0], $0xffff;
	v62 =	vmul.f32 v19, v19  }
0x125: {  	v6 =	vadd.f32 v8, v34;
	v8 =	vld [tilespmem:$0x1FF20];
	v3 =	vmul.f32 v3, v3  }
0x126: {  	v2 =	vadd.s32 $0x4300, v11;
	v9 =	vadd.f32 v62, v9;
	v62 =	vld [tilespmem:$0x1FF00]  }
0x127: {  	v3 =	vadd.f32 v3, v5;
	v5 =	vld [tilespmem:$0x1FF10]  }
0x128: {  	v34 =	vld.idx.msk [tilespmem:v56+s20+$0x0], $0xffff  }
0x129: {  	v23 =	vmul.f32 v23, v23;
	v22 =	vld.idx.msk [tilespmem:v56+s21+$0x0], $0xffff  }
0x12a: {  	v0 =	vor.u32 $0x2300, v14;
	v19 =	vld [tilespmem:$0x1FF30]  }
0x12b: {  	v4 =	vadd.f32 v23, v4;
	v17 =	vld.idx.msk [tilespmem:v2+s4+$0x0], $0xffff  }
0x12c: {  	v55 =	vmul.f32 v55, v55;
	v23 =	vsub.f32 v62, v5;
	v62 =	vsub.f32 v16, v8;
	v8 =	vld [tilespmem:$0x1FF50]  }
0x12d: {  	v16 =	vld [tilespmem:$0x1FF60]  }
0x12e: {  	v10 =	vadd.f32 v55, v10;
	v55 =	vadd.s32 $0x4300, v13;
	v18 =	vld.idx.msk [tilespmem:v2+s13+$0x0], $0xffff  }
0x12f: {  	v1 =	vsub.f32 v19, v21;
	v19 =	vld.idx.msk [tilespmem:v0+s20+$0x0], $0xffff  }
0x130: {  	v56 =	vor.u32 $0x2380, v20;
	v5 =	vld [tilespmem:$0x1FF80]  }
0x131: {  	v23 =	vmul.f32 v23, v23;
	v26 =	vsub.f32 v8, v26;
	v8 =	vld [tilespmem:$0x1FF70]  }
0x132: {  	v21 =	vld.idx.msk [tilespmem:v0+s21+$0x0], $0xffff;
	v1 =	vmul.f32 v1, v1;
	v46 =	vsub.f32 v16, v46  }
0x133: {  	v0 =	vadd.s32 $0x4380, v11;
	v12 =	vadd.f32 v23, v12;
	v16 =	vld.idx.msk [tilespmem:v55+s4+$0x0], $0xffff;
	v23 =	vmul.f32 v26, v26  }
0x134: {  	v1 =	vadd.f32 v1, v7;
	v26 =	vld.idx.msk [tilespmem:v55+s13+$0x0], $0xffff;
	v55 =	vor.u32 $0x2380, v14;
	v7 =	vmul.f32 v46, v46  }
0x135: {  	v46 =	vld.idx.msk [tilespmem:v56+s20+$0x0], $0xffff;
	v6 =	vadd.f32 v23, v6  }
0x136: {  	v7 =	vadd.f32 v7, v10;
	v10 =	vld [tilespmem:$0x1FF90];
	v23 =	vsub.f32 v8, v5  }
0x137: {  	v5 =	vld [tilespmem:$0x1FFA0]  }
0x138: {  	v8 =	vld.idx.msk [tilespmem:v0+s13+$0x0], $0xffff;
	v23 =	vmul.f32 v23, v23  }
0x139: {  	v62 =	vmul.f32 v62, v62;
	v2 =	vld.idx.msk [tilespmem:v55+s20+$0x0], $0xffff  }
0x13a: {  	v9 =	vadd.f32 v23, v9;
	v23 =	vsub.f32 v58, v40;
	v40 =	vld.idx.msk [tilespmem:v55+s21+$0x0], $0xffff  }
0x13b: {  	v32 =	vsub.f32 v59, v32;
	v60 =	vadd.f32 v62, v60;
	v62 =	vadd.s32 $0x4380, v13;
	v58 =	vld [tilespmem:$0x1FFC0]  }
0x13c: {  	v10 =	vsub.f32 v10, v5;
	v5 =	vld.idx.msk [tilespmem:v0+s4+$0x0], $0xffff  }
0x13d: {  	v32 =	vmul.f32 v32, v32;
	v55 =	vor.u32 $0x3000, v14;
	v0 =	vld [tilespmem:$0x1FFB0];
	v23 =	vmul.f32 v23, v23  }
0x13e: {  	v36 =	vsub.f32 v57, v36;
	v56 =	vld.idx.msk [tilespmem:v56+s21+$0x0], $0xffff;
	v10 =	vmul.f32 v10, v10  }
0x13f: {  	v59 =	vor.u32 $0x3000, v15;
	v4 =	vadd.f32 v32, v4;
	v23 =	vadd.f32 v23, v60;
	v60 =	vld [tilespmem:$0x1FFD0]  }
0x140: {  	v32 =	vld.idx.msk [tilespmem:v62+s13+$0x0], $0xffff;
	v3 =	vadd.f32 v10, v3;
	v10 =	vsub.f32 v58, v35  }
0x141: {  	v39 =	vsub.f32 v39, v42;
	v35 =	vld.idx.msk [tilespmem:v62+s4+$0x0], $0xffff;
	v62 =	vsub.f32 v52, v54  }
0x142: {  	v58 =	vadd.s32 $0x6000, v13;
	v42 =	vld.idx.msk [tilespmem:v55+s20+$0x0], $0xffff;
	v30 =	vsub.f32 v0, v30;
	v10 =	vmul.f32 v10, v10  }
0x143: {  	v28 =	vsub.f32 v48, v28;
	v47 =	vld.idx.msk [tilespmem:v55+s21+$0x0], $0xffff;
	v54 =	vadd.s32 $0x6080, v13;
	v62 =	vmul.f32 v62, v62  }
0x144: {  	v30 =	vmul.f32 v30, v30;
	v1 =	vadd.f32 v10, v1;
	v10 =	vsub.f32 v60, v38;
	v38 =	vld.idx.msk [tilespmem:v59+s21+$0x0], $0xffff  }
0x145: {  	v55 =	vadd.s32 $0x6100, v11;
	v4 =	vadd.f32 v62, v4;
	v62 =	vsub.f32 v31, v49;
	v31 =	vld.idx.msk [tilespmem:v53+s21+$0x0], $0xffff  }
0x146: {  	v36 =	vmul.f32 v36, v36;
	v27 =	vsub.f32 v27, v61;
	v12 =	vadd.f32 v30, v12;
	v30 =	vld.idx.msk [tilespmem:v59+s20+$0x0], $0xffff  }
0x147: {  	v28 =	vmul.f32 v28, v28;
	v0 =	vadd.s32 $0x6000, v11;
	v52 =	vld.idx.msk [tilespmem:v58+s4+$0x0], $0xffff  }
0x148: {  	v27 =	vmul.f32 v27, v27;
	v6 =	vadd.f32 v36, v6;
	v36 =	vmul.f32 v41, v41;
	v41 =	vld.idx.msk [tilespmem:v58+s13+$0x0], $0xffff  }
0x149: {  	v23 =	vadd.f32 v28, v23;
	v60 =	vadd.s32 $0x6080, v11;
	v28 =	vld.idx.msk [tilespmem:v54+s13+$0x0], $0xffff  }
0x14a: {  	v6 =	vadd.f32 v27, v6;
	v27 =	vld.idx.msk [tilespmem:v55+s4+$0x0], $0xffff  }
0x14b: {  	v17 =	vsub.f32 v34, v17;
	v34 =	vld.idx.msk [tilespmem:v55+s13+$0x0], $0xffff  }
0x14c: {  	v49 =	vor.u32 $0x3100, v14;
	v57 =	vld.idx.msk [tilespmem:v0+s4+$0x0], $0xffff  }
0x14d: {  	v59 =	vor.u32 $0x3080, v15;
	v0 =	vld.idx.msk [tilespmem:v0+s13+$0x0], $0xffff  }
0x14e: {  	v9 =	vadd.f32 v36, v9;
	v10 =	vmul.f32 v10, v10;
	v36 =	vld.idx.msk [tilespmem:v60+s4+$0x0], $0xffff  }
0x14f: {  	v58 =	vsub.f32 v50, v37;
	v50 =	vor.u32 $0x3100, v15;
	v48 =	vld.idx.msk [tilespmem:v60+s13+$0x0], $0xffff  }
0x150: {  	v7 =	vadd.f32 v10, v7;
	v10 =	vmul.f32 v39, v39;
	v60 =	vsub.f32 v33, v51;
	v33 =	vld.idx.msk [tilespmem:v54+s4+$0x0], $0xffff  }
0x151: {  	v63 =	vmul.f32 v63, v63;
	v18 =	vsub.f32 v22, v18;
	v22 =	vld.idx.msk [tilespmem:v49+s20+$0x0], $0xffff  }
0x152: {  	v61 =	vmul.f32 v29, v29;
	v51 =	vadd.s32 $0x6180, v13;
	v3 =	vadd.f32 v10, v3;
	v39 =	vld.idx.msk [tilespmem:v59+s20+$0x0], $0xffff  }
0x153: {  	v10 =	vadd.f32 v63, v12;
	v37 =	vld.idx.msk [tilespmem:v59+s21+$0x0], $0xffff;
	v12 =	vmul.f32 v58, v58;
	v58 =	vadd.s32 $0x6100, v13  }
0x154: {  	v25 =	vsub.f32 v44, v25;
	v16 =	vsub.f32 v19, v16;
	v29 =	vld.idx.msk [tilespmem:v50+s20+$0x0], $0xffff;
	v63 =	vmul.f32 v60, v60  }
0x155: {  	v7 =	vadd.f32 v61, v7;
	v59 =	vsub.f32 v45, v24;
	v24 =	vld.idx.msk [tilespmem:v50+s21+$0x0], $0xffff;
	v61 =	vadd.s32 $0x6180, v11  }
0x156: {  	v16 =	vmul.f32 v16, v16;
	v9 =	vadd.f32 v63, v9;
	v63 =	vsub.f32 v21, v26;
	v21 =	vld.idx.msk [tilespmem:v49+s21+$0x0], $0xffff  }
0x157: {  	v17 =	vmul.f32 v17, v17;
	v8 =	vsub.f32 v56, v8;
	v55 =	vsub.f32 v30, v57;
	v30 =	vld.idx.msk [tilespmem:v51+s4+$0x0], $0xffff  }
0x158: {  	v6 =	vadd.f32 v16, v6;
	v5 =	vsub.f32 v46, v5;
	v60 =	vor.u32 $0x3180, v15;
	v19 =	vld.idx.msk [tilespmem:v58+s4+$0x0], $0xffff  }
0x159: {  	v8 =	vmul.f32 v8, v8;
	v32 =	vsub.f32 v40, v32;
	v17 =	vadd.f32 v17, v23;
	v23 =	vld.idx.msk [tilespmem:v58+s13+$0x0], $0xffff  }
0x15a: {  	v5 =	vmul.f32 v5, v5;
	v53 =	vor.u32 $0x3200, v15;
	v2 =	vsub.f32 v2, v35;
	v16 =	vld.idx.msk [tilespmem:v61+s4+$0x0], $0xffff  }
0x15b: {  	v54 =	vmul.f32 v62, v62;
	v1 =	vadd.f32 v12, v1;
	v12 =	vmul.f32 v59, v59;
	v35 =	vld.idx.msk [tilespmem:v61+s13+$0x0], $0xffff  }
0x15c: {  	v56 =	vmul.f32 v32, v32;
	v57 =	vor.u32 $0x3200, v14;
	v5 =	vadd.f32 v5, v9;
	v9 =	vld.idx.msk [tilespmem:v51+s13+$0x0], $0xffff  }
0x15d: {  	v62 =	vmul.f32 v18, v18;
	v3 =	vadd.f32 v54, v3;
	v10 =	vadd.f32 v12, v10;
	v18 =	vld.idx.msk [tilespmem:v60+s20+$0x0], $0xffff  }
0x15e: {  	v54 =	vadd.s32 $0x6200, v11;
	v12 =	vld.idx.msk [tilespmem:v60+s21+$0x0], $0xffff  }
0x15f: {  	v25 =	vmul.f32 v25, v25;
	v3 =	vadd.f32 v8, v3;
	v8 =	vadd.f32 v56, v10;
	v10 =	vld.idx.msk [tilespmem:v53+s20+$0x0], $0xffff  }
0x160: {  	v49 =	vor.u32 $0x3180, v14;
	v60 =	vsub.f32 v47, v41;
	v41 =	vld.idx.msk [tilespmem:v53+s21+$0x0], $0xffff  }
0x161: {  	v4 =	vadd.f32 v25, v4;
	v59 =	vsub.f32 v42, v52;
	v42 =	vld.idx.msk [tilespmem:v57+s20+$0x0], $0xffff  }
0x162: {  	v2 =	vmul.f32 v2, v2;
	v33 =	vsub.f32 v43, v33;
	v43 =	vadd.s32 $0x6280, v13;
	v26 =	vld.idx.msk [tilespmem:v57+s21+$0x0], $0xffff  }
0x163: {  	v0 =	vsub.f32 v38, v0;
	v58 =	vadd.s32 $0x6200, v13;
	v38 =	vld.idx.msk [tilespmem:v54+s4+$0x0], $0xffff  }
0x164: {  	v2 =	vadd.f32 v2, v4;
	v36 =	vsub.f32 v39, v36;
	v39 =	vld.idx.msk [tilespmem:v54+s13+$0x0], $0xffff  }
0x165: {  	v0 =	vmul.f32 v0, v0;
	v1 =	vadd.f32 v62, v1;
	v61 =	vadd.s32 $0x6280, v11;
	v40 =	vld.idx.msk [tilespmem:v49+s20+$0x0], $0xffff  }
0x166: {  	v28 =	vsub.f32 v31, v28;
	v15 =	vor.u32 $0x3280, v15;
	v50 =	vmul.f32 v63, v63;
	v25 =	vld.idx.msk [tilespmem:v49+s21+$0x0], $0xffff  }
0x167: {  	v4 =	vmul.f32 v55, v55;
	v37 =	vsub.f32 v37, v48;
	v0 =	vadd.f32 v0, v1;
	v52 =	vld.idx.msk [tilespmem:v43+s4+$0x0], $0xffff  }
0x168: {  	v7 =	vadd.f32 v50, v7;
	v62 =	vmul.f32 v36, v36;
	v1 =	vmul.f32 v60, v60;
	v36 =	vld.idx.msk [tilespmem:v58+s4+$0x0], $0xffff  }
0x169: {  	v4 =	vadd.f32 v4, v17;
	v17 =	vmul.f32 v59, v59;
	v56 =	vor.u32 $0x3300, v14;
	v31 =	vld.idx.msk [tilespmem:v58+s13+$0x0], $0xffff  }
0x16a: {  	v59 =	vadd.s32 $0x6300, v13;
	v1 =	vadd.f32 v1, v7;
	v7 =	vmul.f32 v37, v37;
	v46 =	vld.idx.msk [tilespmem:v61+s4+$0x0], $0xffff  }
0x16b: {  	v45 =	vsub.f32 v29, v27;
	v63 =	vmul.f32 v33, v33;
	v49 =	vor.u32 $0x3300, v20;
	v48 =	vld.idx.msk [tilespmem:v61+s13+$0x0], $0xffff  }
0x16c: {  	v47 =	vsub.f32 v24, v34;
	v3 =	vadd.f32 v7, v3;
	v7 =	vmul.f32 v28, v28;
	v28 =	vld.idx.msk [tilespmem:v15+s20+$0x0], $0xffff  }
0x16d: {  	v6 =	vadd.f32 v17, v6;
	v50 =	vadd.s32 $0x6300, v11;
	v20 =	vor.u32 $0x3380, v20;
	v15 =	vld.idx.msk [tilespmem:v15+s21+$0x0], $0xffff  }
0x16e: {  	v11 =	vadd.s32 $0x6380, v11;
	v10 =	vsub.f32 v10, v38;
	v38 =	vsub.f32 v41, v39;
	v39 =	vld.idx.msk [tilespmem:v56+s20+$0x0], $0xffff  }
0x16f: {  	v17 =	vmul.f32 v45, v45;
	v2 =	vadd.f32 v63, v2;
	v5 =	vadd.f32 v62, v5;
	v41 =	vld.idx.msk [tilespmem:v59+s4+$0x0], $0xffff  }
0x170: {  	v37 =	vor.u32 $0x3280, v14;
	v19 =	vsub.f32 v22, v19;
	v21 =	vsub.f32 v21, v23;
	v58 =	vld.idx.msk [tilespmem:v49+s20+$0x0], $0xffff  }
0x171: {  	v4 =	vadd.f32 v17, v4;
	v16 =	vsub.f32 v18, v16;
	v63 =	vld.idx.msk [tilespmem:v49+s21+$0x0], $0xffff  }
0x172: {  	v12 =	vsub.f32 v12, v35;
	v51 =	vmul.f32 v19, v19;
	v53 =	vmul.f32 v21, v21;
	v49 =	vld.idx.msk [tilespmem:v20+s21+$0x0], $0xffff  }
0x173: {  	v16 =	vmul.f32 v16, v16;
	v7 =	vadd.f32 v7, v8;
	v8 =	vmul.f32 v47, v47;
	v47 =	vld.idx.msk [tilespmem:v11+s4+$0x0], $0xffff  }
0x174: {  	v57 =	vmul.f32 v12, v12;
	v60 =	vsub.f32 v40, v30;
	v62 =	vsub.f32 v25, v9;
	v11 =	vld.idx.msk [tilespmem:v11+s13+$0x0], $0xffff  }
0x175: {  	v14 =	vor.u32 $0x3380, v14;
	v6 =	vadd.f32 v51, v6;
	v1 =	vadd.f32 v53, v1;
	v23 =	vld.idx.msk [tilespmem:v37+s20+$0x0], $0xffff  }
0x176: {  	v10 =	vmul.f32 v10, v10;
	v54 =	vld.idx.msk [tilespmem:v37+s21+$0x0], $0xffff;
	v5 =	vadd.f32 v16, v5;
	v3 =	vadd.f32 v57, v3  }
0x177: {  	v16 =	vmul.f32 v60, v60;
	v37 =	vld.idx.msk [tilespmem:v50+s13+$0x0], $0xffff;
	v40 =	vsub.f32 v42, v36;
	v42 =	vsub.f32 v26, v31  }
0x178: {  	v55 =	vld.idx.msk [tilespmem:v43+s13+$0x0], $0xffff;
	v0 =	vadd.f32 v8, v0;
	v8 =	vmul.f32 v62, v62;
	v4 =	vadd.f32 v10, v4  }
0x179: {  	v13 =	vadd.s32 $0x6380, v13;
	v44 =	vld.idx.msk [tilespmem:v59+s13+$0x0], $0xffff;
	v2 =	vadd.f32 v16, v2;
	v46 =	vsub.f32 v28, v46  }
0x17a: {  	v61 =	vld.idx.msk [tilespmem:v50+s4+$0x0], $0xffff;
	v48 =	vsub.f32 v15, v48;
	v7 =	vadd.f32 v8, v7;
	v8 =	vmul.f32 v42, v42  }
0x17b: {  	v21 =	vld.idx.msk [tilespmem:v56+s21+$0x0], $0xffff;
	v25 =	vmul.f32 v38, v38;
	v56 =	vsub.f32 v39, v41;
	v11 =	vsub.f32 v49, v11  }
0x17c: {  	v45 =	vld.idx.msk [tilespmem:v20+s20+$0x0], $0xffff;
	v1 =	vadd.f32 v8, v1;
	v8 =	vmul.f32 v48, v48;
	v9 =	vsub.f32 v63, v37  }
0x17d: {  	v50 =	vld.idx.msk [tilespmem:v14+s20+$0x0], $0xffff;
	v0 =	vadd.f32 v25, v0;
	v18 =	vsub.f32 v23, v52  }
0x17e: {  	v52 =	vld.idx.msk [tilespmem:v13+s4+$0x0], $0xffff;
	v11 =	vmul.f32 v11, v11;
	v3 =	vadd.f32 v8, v3;
	v9 =	vmul.f32 v9, v9  }
0x17f: {  	v43 =	vmul.f32 v40, v40;
	v12 =	vsub.f32 v58, v61;
	v17 =	vsub.f32 v54, v55;
	v54 =	vld.idx.msk [tilespmem:v14+s21+$0x0], $0xffff  }
0x180: {  	v55 =	vld.idx.msk [tilespmem:v13+s13+$0x0], $0xffff;
	v0 =	vadd.f32 v9, v0;
	v3 =	vadd.f32 v11, v3  }
0x181: {  	v58 =	vsub.f32 v21, v44;
	v6 =	vadd.f32 v43, v6;
	v10 =	vmul.f32 v46, v46  }
0x182: {  	v57 =	vsub.f32 v45, v47;
	v53 =	vmul.f32 v12, v12;
	v0 =	vadd.f32 v3, v0;
	v3 =	vld [tilespmem:$0x1FFE0]  }
0x183: {  	v13 =	vmul.f32 v58, v58;
	v5 =	vadd.f32 v10, v5;
	v51 =	vmul.f32 v18, v18  }
0x184: {  	v63 =	vld [tilespmem:$0x1FFF0];
	v17 =	vmul.f32 v17, v17;
	v9 =	vmul.f32 v57, v57;
	v59 =	vsub.f32 v50, v52  }
0x185: {  	v4 =	vadd.f32 v53, v4;
	v8 =	vmul.f32 v56, v56;
	v10 =	vsub.f32 v54, v55  }
0x186: {  	v2 =	vadd.f32 v51, v2;
	v5 =	vadd.f32 v9, v5;
	v60 =	vmul.f32 v59, v59  }
0x187: {  	v7 =	vadd.f32 v17, v7;
	v6 =	vadd.f32 v8, v6;
	v61 =	vmul.f32 v10, v10  }
0x188: {  	p0 =	sne.s32 s31, $0x1E0;
	v4 =	vadd.f32 v5, v4;
	v2 =	vadd.f32 v60, v2  }
.Ltmp0:
0x189: {  	v1 =	vadd.f32 v13, v1;
	v5 =	vadd.f32 v61, v7;
	(pc) =	sbr.rel @p0 .LBB2_2-.Ltmp0, $4  }
0x18a: {  	v2 =	vadd.f32 v2, v6;
	[tilespmem:v3+s24+$0x0] =	vst.idx.msk $0xffff, v4  }
0x18b: {  	v62 =	vadd.f32 v5, v1;
	[tilespmem:v3+s25+$0x0] =	vst.idx.msk $0xffff, v0  }
0x18c: {  	[tilespmem:v63+s24+$0x0] =	vst.idx.msk $0xffff, v2  }
0x18d: {  	s31 =	sadd.s32 $0x20, s31;
	v4 =	vlaneseq.u32;
	[tilespmem:v63+s25+$0x0] =	vst.idx.msk $0xffff, v62  }
0x18e: {  	[tilespmem:s20], [sflag:$0x3] =	stream.strided.gather [hbm4b:s8+s18], $0x4000, s19, s18, $0x38;
	[tilespmem:$0x18C00] =	vst v63  }
0x18f: {  	_ = 	snop  }
0x190: {  	[tilespmem:s21], [sflag:$0x4] =	stream.strided.gather [hbm4b:s9+s18], $0x4000, s19, s18, $0x38;
	[tilespmem:$0x18C00] =	vst v63  }
0x191: {  	_ =	swait.ge [sflag:s22], $0x4000  }
0x192: {  	[sflag:s22] =	ssyncset.done $0x0  }
0x193: {  	[sflag:s22] =	ssyncadd.s32 $0xFFFFC000  }
0x194: {  	_ =	swait.ge [sflag:s23], $0x4000  }
0x195: {  	[sflag:s23] =	ssyncset.done $0x0  }
0x196: {  	s31 =	simm.s32 $0x0;
	[sflag:s23] =	ssyncadd.s32 $0xFFFFC000  }
.LBB2_4:
0x197: {  	s0 =	sadd.s32 $0x10, s31  }
0x198: {  	v21 =	vmov s0  }
0x199: {  	v0 =	vor.u32 $0x200, v4;
	v23 =	vor.u32 s0, v4;
	v39 =	vshll.u32 v21, $0x3  }
0x19a: {  	v1 =	vor.u32 s31, v0;
	v40 =	vand.u32 $0x7F, v23;
	v25 =	vand.u32 $0xC00, v39  }
0x19b: {  	v3 =	vor.u32 s0, v0;
	v15 =	vor.u32 v40, v25  }
0x19c: {  	v28 =	vor.u32 $0x80, v15;
	_ =	sdelay $0x1  }
0x19d: {  	v13 =	vmov s31;
	v23 =	vor.u32 $0x180, v15  }
0x19e: {  	v2 =	vor.u32 s31, v4;
	v36 =	vshll.u32 v13, $0x3;
	[tilespmem:$0x1FB30] =	vst v1;
	v12 =	vld.idx.msk [tilespmem:v1+s14+$0x0], $0xffff  }
0x19f: {  	v27 =	vand.u32 $0x6F, v2;
	[tilespmem:$0x1FB40] =	vst v3;
	v42 =	vor.u32 $0x200, v15;
	v3 =	vld.idx.msk [tilespmem:v3+s14+$0x0], $0xffff;
	v1 =	vand.u32 $0xC00, v36  }
0x1a0: {  	v16 =	vor.u32 v27, v1;
	v38 =	vld.idx.msk [tilespmem:v28+s20+$0x0], $0xffff  }
0x1a1: {  	v22 =	vor.u32 $0x80, v16;
	v43 =	vld.idx.msk [tilespmem:v28+s21+$0x0], $0xffff  }
0x1a2: {  	v52 =	vld.idx.msk [tilespmem:v23+s20+$0x0], $0xffff  }
0x1a3: {  	v9 =	vor.u32 $0x100, v16;
	v54 =	vld.idx.msk [tilespmem:v23+s21+$0x0], $0xffff  }
0x1a4: {  	v41 =	vor.u32 $0x200, v16;
	v58 =	vld.idx.msk [tilespmem:v42+s20+$0x0], $0xffff  }
0x1a5: {  	v59 =	vld.idx.msk [tilespmem:v42+s21+$0x0], $0xffff;
	v14 =	vshll.u32 v12, $0x3;
	v0 =	vand.u32 $0x7F, v12;
	v8 =	vshll.u32 v3, $0x3  }
0x1a6: {  	v26 =	vand.u32 $0x7F, v3;
	v12 =	vor.u32 $0x100, v15;
	v3 =	vand.u32 $0xFFFFFC00, v8;
	v48 =	vld.idx.msk [tilespmem:v22+s20+$0x0], $0xffff  }
0x1a7: {  	v20 =	vand.u32 $0xFFFFFC00, v14;
	v14 =	vor.u32 v26, v3;
	v46 =	vld.idx.msk [tilespmem:v22+s21+$0x0], $0xffff  }
0x1a8: {  	v19 =	vld.idx.msk [tilespmem:v9+s20+$0x0], $0xffff;
	v29 =	vor.u32 $0x80, v14  }
0x1a9: {  	v26 =	vld.idx.msk [tilespmem:v9+s21+$0x0], $0xffff  }
0x1aa: {  	v13 =	vor.u32 v0, v20;
	v57 =	vld.idx.msk [tilespmem:v41+s20+$0x0], $0xffff;
	v20 =	vor.u32 $0x100, v14  }
0x1ab: {  	v33 =	vld.idx.msk [tilespmem:v12+s20+$0x0], $0xffff  }
0x1ac: {  	v22 =	vor.u32 $0x180, v13;
	v44 =	vld.idx.msk [tilespmem:v12+s21+$0x0], $0xffff  }
0x1ad: {  	v32 =	vld.idx.msk [tilespmem:v29+s4+$0x0], $0xffff  }
0x1ae: {  	v47 =	vor.u32 $0x200, v14;
	v35 =	vld.idx.msk [tilespmem:v29+s13+$0x0], $0xffff  }
0x1af: {  	v28 =	vld.idx.msk [tilespmem:v20+s4+$0x0], $0xffff  }
0x1b0: {  	v12 =	vld.idx.msk [tilespmem:v20+s13+$0x0], $0xffff;
	v29 =	vor.u32 $0x280, v16  }
0x1b1: {  	v30 =	vor.u32 $0x280, v13;
	v49 =	vld.idx.msk [tilespmem:v22+s4+$0x0], $0xffff  }
0x1b2: {  	v51 =	vld.idx.msk [tilespmem:v22+s13+$0x0], $0xffff  }
0x1b3: {  	v31 =	vor.u32 $0x280, v15;
	v22 =	vld.idx.msk [tilespmem:v47+s4+$0x0], $0xffff  }
0x1b4: {  	v23 =	vld.idx.msk [tilespmem:v47+s13+$0x0], $0xffff  }
0x1b5: {  	v42 =	vor.u32 $0x300, v15;
	v56 =	vld.idx.msk [tilespmem:v29+s20+$0x0], $0xffff  }
0x1b6: {  	v62 =	vld.idx.msk [tilespmem:v30+s13+$0x0], $0xffff  }
0x1b7: {  	v20 =	vor.u32 v36, v27;
	v47 =	vor.u32 $0x300, v14;
	v60 =	vld.idx.msk [tilespmem:v29+s21+$0x0], $0xffff  }
0x1b8: {  	v9 =	vld.idx.msk [tilespmem:v31+s21+$0x0], $0xffff;
	v10 =	vor.u32 $0x380, v20  }
0x1b9: {  	v61 =	vld.idx.msk [tilespmem:v41+s21+$0x0], $0xffff  }
0x1ba: {  	[tilespmem:$0x1F690] =	vst v56;
	v56 =	vld.idx.msk [tilespmem:v42+s20+$0x0], $0xffff  }
0x1bb: {  	v39 =	vor.u32 v40, v39;
	v1 =	vor.u32 $0x1080, v16;
	[tilespmem:$0x1F6B0] =	vst v62;
	v62 =	vld.idx.msk [tilespmem:v42+s21+$0x0], $0xffff  }
0x1bc: {  	v39 =	vor.u32 $0x380, v39;
	[tilespmem:$0x1F6A0] =	vst v60;
	v60 =	vld.idx.msk [tilespmem:v47+s4+$0x0], $0xffff  }
0x1bd: {  	v41 =	vor.u32 $0x300, v13;
	[tilespmem:$0x1F6D0] =	vst v9;
	v9 =	vld.idx.msk [tilespmem:v10+s20+$0x0], $0xffff  }
0x1be: {  	v42 =	vld.idx.msk [tilespmem:v10+s21+$0x0], $0xffff;
	v10 =	vor.u32 $0x1000, v16  }
0x1bf: {  	v8 =	vld.idx.msk [tilespmem:v31+s20+$0x0], $0xffff;
	[tilespmem:$0x1F6E0] =	vst v56;
	v56 =	vor.u32 $0x380, v14  }
0x1c0: {  	v3 =	vld.idx.msk [tilespmem:v1+s20+$0x0], $0xffff  }
0x1c1: {  	[tilespmem:$0x1F6F0] =	vst v60;
	v60 =	vld.idx.msk [tilespmem:v39+s21+$0x0], $0xffff  }
0x1c2: {  	v55 =	vor.u32 $0x380, v13;
	v27 =	vld.idx.msk [tilespmem:v41+s4+$0x0], $0xffff  }
0x1c3: {  	[tilespmem:$0x1F720] =	vst v9;
	v9 =	vld.idx.msk [tilespmem:v10+s21+$0x0], $0xffff  }
0x1c4: {  	[tilespmem:$0x1F700] =	vst v62;
	v62 =	vld.idx.msk [tilespmem:v56+s13+$0x0], $0xffff  }
0x1c5: {  	[tilespmem:$0x1F6C0] =	vst v8;
	v8 =	vld.idx.msk [tilespmem:v47+s13+$0x0], $0xffff  }
0x1c6: {  	v31 =	vld.idx.msk [tilespmem:v41+s13+$0x0], $0xffff;
	[tilespmem:$0x1F730] =	vst v60;
	v60 =	vadd.s32 $0x2000, v13  }
0x1c7: {  	v40 =	vld.idx.msk [tilespmem:v55+s13+$0x0], $0xffff  }
0x1c8: {  	v41 =	vld.idx.msk [tilespmem:v39+s20+$0x0], $0xffff;
	[tilespmem:$0x1F770] =	vst v9;
	v9 =	vadd.s32 $0x2080, v13  }
0x1c9: {  	v47 =	vld.idx.msk [tilespmem:v55+s4+$0x0], $0xffff;
	[tilespmem:$0x1F740] =	vst v62;
	v62 =	vor.u32 $0x1000, v15  }
0x1ca: {  	[tilespmem:$0x1F710] =	vst v8;
	v8 =	vld.idx.msk [tilespmem:v10+s20+$0x0], $0xffff  }
0x1cb: {  	v10 =	vadd.s32 $0x2000, v14;
	v55 =	vld.idx.msk [tilespmem:v60+s4+$0x0], $0xffff  }
0x1cc: {  	v39 =	vld.idx.msk [tilespmem:v56+s4+$0x0], $0xffff  }
0x1cd: {  	[tilespmem:$0x1F7A0] =	vst v3;
	v3 =	vld.idx.msk [tilespmem:v9+s4+$0x0], $0xffff  }
0x1ce: {  	v56 =	vld.idx.msk [tilespmem:v62+s20+$0x0], $0xffff  }
0x1cf: {  	[tilespmem:$0x1F750] =	vst v8;
	v8 =	vld.idx.msk [tilespmem:v62+s21+$0x0], $0xffff  }
0x1d0: {  	[tilespmem:$0x1F760] =	vst v55;
	v55 =	vld.idx.msk [tilespmem:v10+s4+$0x0], $0xffff  }
0x1d1: {  	v62 =	vld.idx.msk [tilespmem:v10+s13+$0x0], $0xffff;
	v10 =	vor.u32 $0x1080, v15;
	_ =	sdelay $0x3  }
0x1d2: {  	[tilespmem:$0x1F7B0] =	vst v3  }
0x1d3: {  	[tilespmem:$0x1F780] =	vst v56;
	v56 =	vadd.s32 $0x2080, v14;
	v3 =	vld.idx.msk [tilespmem:v10+s20+$0x0], $0xffff;
	_ =	sdelay $0x1  }
0x1d4: {  	v21 =	vor.u32 $0x180, v16;
	_ =	sdelay $0x1  }
0x1d5: {  	v6 =	vld.idx.msk [tilespmem:v15+s20+$0x0], $0xffff;
	[tilespmem:$0x1F790] =	vst v8  }
0x1d6: {  	v8 =	vor.u32 $0x1100, v16;
	[tilespmem:$0x1F7E0] =	vst v3;
	v3 =	vld.idx.msk [tilespmem:v56+s4+$0x0], $0xffff  }
0x1d7: {  	v4 =	vld.idx.msk [tilespmem:v15+s21+$0x0], $0xffff  }
0x1d8: {  	v50 =	vld.idx.msk [tilespmem:v21+s20+$0x0], $0xffff  }
0x1d9: {  	v21 =	vld.idx.msk [tilespmem:v21+s21+$0x0], $0xffff  }
0x1da: {  	v2 =	vld.idx.msk [tilespmem:v9+s13+$0x0], $0xffff  }
0x1db: {  	v9 =	vadd.s32 $0x2100, v13;
	[tilespmem:$0x1F7F0] =	vst v3;
	v3 =	vld.idx.msk [tilespmem:v8+s20+$0x0], $0xffff  }
0x1dc: {  	v1 =	vld.idx.msk [tilespmem:v1+s21+$0x0], $0xffff;
	v24 =	vor.u32 $0x80, v13  }
0x1dd: {  	v7 =	vld.idx.msk [tilespmem:v13+s13+$0x0], $0xffff  }
0x1de: {  	v5 =	vld.idx.msk [tilespmem:v14+s4+$0x0], $0xffff  }
0x1df: {  	v0 =	vld.idx.msk [tilespmem:v10+s21+$0x0], $0xffff  }
0x1e0: {  	v10 =	vor.u32 $0x1100, v15;
	[tilespmem:$0x1F820] =	vst v3;
	v3 =	vld.idx.msk [tilespmem:v9+s4+$0x0], $0xffff  }
0x1e1: {  	v45 =	vld.idx.msk [tilespmem:v24+s4+$0x0], $0xffff  }
0x1e2: {  	v11 =	vor.u32 $0x100, v13;
	v37 =	vld.idx.msk [tilespmem:v24+s13+$0x0], $0xffff  }
0x1e3: {  	[tilespmem:$0x1F7C0] =	vst v1;
	v1 =	vld.idx.msk [tilespmem:v56+s13+$0x0], $0xffff  }
0x1e4: {  	[tilespmem:$0x1F7D0] =	vst v2;
	v2 =	vld.idx.msk [tilespmem:v8+s21+$0x0], $0xffff;
	v56 =	vadd.s32 $0x2100, v14  }
0x1e5: {  	[tilespmem:$0x1F830] =	vst v3;
	v3 =	vld.idx.msk [tilespmem:v10+s20+$0x0], $0xffff  }
0x1e6: {  	[tilespmem:$0x1F800] =	vst v0;
	v0 =	vld.idx.msk [tilespmem:v9+s13+$0x0], $0xffff;
	v8 =	vor.u32 $0x1180, v16  }
0x1e7: {  	v25 =	vor.u32 $0x200, v13;
	v17 =	vld.idx.msk [tilespmem:v11+s4+$0x0], $0xffff  }
0x1e8: {  	v18 =	vld.idx.msk [tilespmem:v11+s13+$0x0], $0xffff  }
0x1e9: {  	[tilespmem:$0x1F840] =	vst v2;
	v2 =	vld.idx.msk [tilespmem:v56+s13+$0x0], $0xffff  }
0x1ea: {  	[tilespmem:$0x1F860] =	vst v3;
	v3 =	vld.idx.msk [tilespmem:v56+s4+$0x0], $0xffff  }
0x1eb: {  	[tilespmem:$0x1F850] =	vst v0;
	v0 =	vld.idx.msk [tilespmem:v8+s21+$0x0], $0xffff;
	v56 =	vadd.s32 $0x2180, v14  }
0x1ec: {  	v24 =	vor.u32 $0x180, v14;
	v53 =	vld.idx.msk [tilespmem:v25+s4+$0x0], $0xffff  }
0x1ed: {  	v25 =	vld.idx.msk [tilespmem:v25+s13+$0x0], $0xffff  }
0x1ee: {  	[tilespmem:$0x1F810] =	vst v1;
	v1 =	vld.idx.msk [tilespmem:v10+s21+$0x0], $0xffff;
	v9 =	vadd.s32 $0x2180, v13  }
0x1ef: {  	v10 =	vor.u32 $0x1180, v15;
	[tilespmem:$0x1F870] =	vst v3;
	v3 =	vld.idx.msk [tilespmem:v8+s20+$0x0], $0xffff  }
0x1f0: {  	[tilespmem:$0x1F8C0] =	vst v0;
	v0 =	vld.idx.msk [tilespmem:v56+s13+$0x0], $0xffff  }
0x1f1: {  	v11 =	vld.idx.msk [tilespmem:v24+s4+$0x0], $0xffff  }
0x1f2: {  	v63 =	vld.idx.msk [tilespmem:v24+s13+$0x0], $0xffff  }
0x1f3: {  	[tilespmem:$0x1F880] =	vst v1;
	v1 =	vld.idx.msk [tilespmem:v9+s13+$0x0], $0xffff  }
0x1f4: {  	v34 =	vor.u32 $0x280, v14;
	v8 =	vld.idx.msk [tilespmem:v10+s20+$0x0], $0xffff;
	[tilespmem:$0x1F8A0] =	vst v3  }
0x1f5: {  	v3 =	vld.idx.msk [tilespmem:v9+s4+$0x0], $0xffff;
	[tilespmem:$0x1F910] =	vst v0;
	v0 =	vor.u32 $0x1200, v16  }
0x1f6: {  	v9 =	vld.idx.msk [tilespmem:v10+s21+$0x0], $0xffff  }
0x1f7: {  	v10 =	vld.idx.msk [tilespmem:v56+s4+$0x0], $0xffff  }
0x1f8: {  	v24 =	vld.idx.msk [tilespmem:v30+s4+$0x0], $0xffff  }
0x1f9: {  	v29 =	vld.idx.msk [tilespmem:v34+s4+$0x0], $0xffff;
	[tilespmem:$0x1F890] =	vst v2  }
0x1fa: {  	[tilespmem:$0x1F8D0] =	vst v1;
	v1 =	vadd.s32 $0x2200, v13;
	v56 =	vld.idx.msk [tilespmem:v0+s20+$0x0], $0xffff  }
0x1fb: {  	[tilespmem:$0x1F8E0] =	vst v8;
	v8 =	vld.idx.msk [tilespmem:v16+s21+$0x0], $0xffff  }
0x1fc: {  	[tilespmem:$0x1F8F0] =	vst v10;
	v10 =	vld.idx.msk [tilespmem:v16+s20+$0x0], $0xffff  }
0x1fd: {  	v36 =	vor.u32 $0x300, v20;
	[tilespmem:$0x1F900] =	vst v9;
	v9 =	vld.idx.msk [tilespmem:v13+s4+$0x0], $0xffff  }
0x1fe: {  	[tilespmem:$0x1F8B0] =	vst v3;
	v3 =	vld.idx.msk [tilespmem:v14+s13+$0x0], $0xffff  }
0x1ff: {  	v2 =	vor.u32 $0x1200, v15;
	[tilespmem:$0x1F920] =	vst v56;
	v56 =	vld.idx.msk [tilespmem:v1+s4+$0x0], $0xffff  }
0x200: {  	v30 =	vld.idx.msk [tilespmem:v34+s13+$0x0], $0xffff  }
0x201: {  	v0 =	vld.idx.msk [tilespmem:v0+s21+$0x0], $0xffff  }
0x202: {  	v33 =	vsub.f32 v33, v28;
	v34 =	vld.idx.msk [tilespmem:v36+s20+$0x0], $0xffff  }
0x203: {  	v7 =	vsub.f32 v8, v7;
	v8 =	vsub.f32 v38, v32;
	v32 =	vadd.s32 $0x2280, v14;
	v1 =	vld.idx.msk [tilespmem:v1+s13+$0x0], $0xffff  }
0x204: {  	v9 =	vsub.f32 v10, v9;
	v3 =	vsub.f32 v4, v3;
	[tilespmem:$0x1F930] =	vst v56;
	v56 =	vld.idx.msk [tilespmem:v2+s20+$0x0], $0xffff  }
0x205: {  	v28 =	vor.u32 $0x1300, v15;
	v4 =	vsub.f32 v48, v45;
	v48 =	vsub.f32 v19, v17;
	v2 =	vld.idx.msk [tilespmem:v2+s21+$0x0], $0xffff  }
0x206: {  	v36 =	vld.idx.msk [tilespmem:v36+s21+$0x0], $0xffff;
	[tilespmem:$0x1F940] =	vst v0;
	v0 =	vadd.s32 $0x2200, v14  }
0x207: {  	v60 =	vld.idx.msk [tilespmem:v60+s13+$0x0], $0xffff;
	v9 =	vmul.f32 v9, v9;
	v10 =	vmul.f32 v48, v48  }
0x208: {  	v17 =	vsub.f32 v43, v35;
	v35 =	vsub.f32 v44, v12;
	v43 =	vld.idx.msk [tilespmem:v32+s4+$0x0], $0xffff;
	[tilespmem:$0x1F950] =	vst v1;
	v1 =	vor.u32 $0x1280, v16  }
0x209: {  	v44 =	vld.idx.msk [tilespmem:v32+s13+$0x0], $0xffff;
	v9 =	vadd.f32 v10, v9  }
0x20a: {  	v10 =	vmul.f32 v35, v35;
	v35 =	vsub.f32 v52, v11;
	v11 =	vld.idx.msk [tilespmem:v28+s20+$0x0], $0xffff;
	[tilespmem:$0x1F980] =	vst v2;
	v2 =	vadd.s32 $0x2280, v13  }
0x20b: {  	v5 =	vsub.f32 v6, v5;
	v6 =	vsub.f32 v46, v37;
	v46 =	vld.idx.msk [tilespmem:v0+s4+$0x0], $0xffff  }
0x20c: {  	v0 =	vld.idx.msk [tilespmem:v0+s13+$0x0], $0xffff;
	[tilespmem:$0x1F960] =	vst v56;
	v56 =	vor.u32 $0x1280, v15  }
0x20d: {  	v18 =	vsub.f32 v26, v18;
	v26 =	vld.idx.msk [tilespmem:v1+s20+$0x0], $0xffff  }
0x20e: {  	v38 =	vor.u32 $0x1300, v20;
	v1 =	vld.idx.msk [tilespmem:v1+s21+$0x0], $0xffff  }
0x20f: {  	v37 =	vld.idx.msk [tilespmem:v2+s4+$0x0], $0xffff  }
0x210: {  	v2 =	vld.idx.msk [tilespmem:v2+s13+$0x0], $0xffff  }
0x211: {  	v18 =	vmul.f32 v18, v18;
	v7 =	vmul.f32 v7, v7;
	v48 =	vld.idx.msk [tilespmem:v56+s20+$0x0], $0xffff  }
0x212: {  	v58 =	vsub.f32 v58, v22;
	v6 =	vmul.f32 v6, v6;
	v52 =	vor.u32 $0x1380, v20;
	[tilespmem:$0x1F990] =	vst v0;
	v0 =	vld.idx.msk [tilespmem:v56+s21+$0x0], $0xffff  }
0x213: {  	v22 =	vor.u32 $0x1380, v15;
	v7 =	vadd.f32 v18, v7;
	[tilespmem:$0x1F9A0] =	vst v26;
	v26 =	vsub.f32 v21, v51;
	v51 =	vld.idx.msk [tilespmem:v38+s20+$0x0], $0xffff  }
0x214: {  	v3 =	vmul.f32 v3, v3;
	[tilespmem:$0x1F970] =	vst v46;
	v56 =	vsub.f32 v50, v49;
	v49 =	vld.idx.msk [tilespmem:v38+s21+$0x0], $0xffff  }
0x215: {  	v46 =	vmul.f32 v33, v33;
	v33 =	vadd.s32 $0x2380, v14;
	[tilespmem:$0x1F9B0] =	vst v1;
	v50 =	vsub.f32 v54, v63;
	v1 =	vld.idx.msk [tilespmem:v28+s21+$0x0], $0xffff  }
0x216: {  	v38 =	vadd.s32 $0x2300, v14;
	v54 =	vsub.f32 v57, v53;
	v57 =	vsub.f32 v61, v25;
	v28 =	vld [tilespmem:$0x1F690]  }
0x217: {  	v3 =	vadd.f32 v10, v3;
	v63 =	vsub.f32 v59, v23;
	v10 =	vmul.f32 v26, v26;
	v26 =	vld.idx.msk [tilespmem:v52+s20+$0x0], $0xffff  }
0x218: {  	v12 =	vmul.f32 v56, v56;
	v56 =	vadd.s32 $0x2380, v13;
	v23 =	vmul.f32 v57, v57;
	v57 =	vld.idx.msk [tilespmem:v22+s21+$0x0], $0xffff  }
0x219: {  	v6 =	vadd.f32 v10, v6;
	v10 =	vmul.f32 v50, v50;
	v50 =	vld [tilespmem:$0x1F6B0]  }
0x21a: {  	v5 =	vmul.f32 v5, v5;
	v7 =	vadd.f32 v23, v7;
	v23 =	vld.idx.msk [tilespmem:v33+s4+$0x0], $0xffff  }
0x21b: {  	v61 =	vld.idx.msk [tilespmem:v38+s4+$0x0], $0xffff  }
0x21c: {  	v8 =	vmul.f32 v8, v8;
	v17 =	vmul.f32 v17, v17;
	v5 =	vadd.f32 v46, v5;
	v46 =	vld.idx.msk [tilespmem:v38+s13+$0x0], $0xffff  }
0x21d: {  	v4 =	vmul.f32 v4, v4;
	[tilespmem:$0x1F9D0] =	vst v48;
	v48 =	vmul.f32 v35, v35;
	v35 =	vld.idx.msk [tilespmem:v56+s4+$0x0], $0xffff  }
0x21e: {  	[tilespmem:$0x1F9E0] =	vst v0;
	v0 =	vadd.s32 $0x2300, v13;
	v21 =	vadd.f32 v10, v17;
	v17 =	vld.idx.msk [tilespmem:v56+s13+$0x0], $0xffff  }
0x21f: {  	v4 =	vadd.f32 v12, v4;
	v12 =	vadd.f32 v48, v8;
	v48 =	vld [tilespmem:$0x1F6A0]  }
0x220: {  	v8 =	vmul.f32 v54, v54;
	v54 =	vld.idx.msk [tilespmem:v22+s20+$0x0], $0xffff  }
0x221: {  	v56 =	vld [tilespmem:$0x1F6D0]  }
0x222: {  	v38 =	vor.u32 $0x2000, v16;
	[tilespmem:$0x1FA50] =	vst v57;
	v57 =	vsub.f32 v42, v40;
	v42 =	vld [tilespmem:$0x1F760]  }
0x223: {  	v25 =	vmul.f32 v58, v58;
	v58 =	vadd.s32 $0x4000, v13;
	v32 =	vld.idx.msk [tilespmem:v0+s4+$0x0], $0xffff  }
0x224: {  	v10 =	vmul.f32 v63, v63;
	v45 =	vld.idx.msk [tilespmem:v0+s13+$0x0], $0xffff  }
0x225: {  	v18 =	vsub.f32 v28, v24;
	v0 =	vld.idx.msk [tilespmem:v52+s21+$0x0], $0xffff  }
0x226: {  	v19 =	vadd.f32 v10, v3;
	v52 =	vld [tilespmem:$0x1F6C0]  }
0x227: {  	v3 =	vmul.f32 v18, v18;
	[tilespmem:$0x1F9F0] =	vst v61;
	v61 =	vsub.f32 v36, v31;
	v36 =	vld.idx.msk [tilespmem:v38+s21+$0x0], $0xffff  }
0x228: {  	v18 =	vadd.s32 $0x4000, v14;
	v9 =	vadd.f32 v8, v9;
	v8 =	vsub.f32 v48, v50;
	v48 =	vld.idx.msk [tilespmem:v58+s4+$0x0], $0xffff  }
0x229: {  	v50 =	vld [tilespmem:$0x1F700]  }
0x22a: {  	v24 =	vadd.f32 v3, v4;
	v4 =	vsub.f32 v34, v27;
	[tilespmem:$0x1FA40] =	vst v54;
	v54 =	vld [tilespmem:$0x1F720]  }
0x22b: {  	[tilespmem:$0x1FA20] =	vst v35;
	v35 =	vmul.f32 v61, v61;
	v61 =	vsub.f32 v41, v39;
	v39 =	vld [tilespmem:$0x1F740]  }
0x22c: {  	v4 =	vmul.f32 v4, v4;
	v41 =	vld [tilespmem:$0x1F750]  }
0x22d: {  	v63 =	vor.u32 $0x2000, v15;
	[tilespmem:$0x1FA10] =	vst v26;
	v3 =	vsub.f32 v56, v30;
	v26 =	vld.idx.msk [tilespmem:v18+s4+$0x0], $0xffff  }
0x22e: {  	v5 =	vadd.f32 v25, v5;
	v25 =	vadd.f32 v4, v9;
	v9 =	vmul.f32 v57, v57;
	v57 =	vld.idx.msk [tilespmem:v18+s13+$0x0], $0xffff  }
0x22f: {  	v3 =	vmul.f32 v3, v3;
	[tilespmem:$0x1FA30] =	vst v0;
	v0 =	vld.idx.msk [tilespmem:v33+s13+$0x0], $0xffff  }
0x230: {  	v59 =	vmul.f32 v8, v8;
	v53 =	vsub.f32 v52, v29;
	v52 =	vld.idx.msk [tilespmem:v58+s13+$0x0], $0xffff  }
0x231: {  	v30 =	vadd.f32 v3, v21;
	v3 =	vld [tilespmem:$0x1F6F0]  }
0x232: {  	v27 =	vadd.f32 v59, v6;
	v59 =	vld.idx.msk [tilespmem:v63+s20+$0x0], $0xffff  }
0x233: {  	v21 =	vld [tilespmem:$0x1F7B0]  }
0x234: {  	v6 =	vld [tilespmem:$0x1F970];
	v10 =	vmul.f32 v53, v53;
	v53 =	vor.u32 $0x2080, v16  }
0x235: {  	[tilespmem:$0x1FA70] =	vst v48;
	v48 =	vld [tilespmem:$0x1F770]  }
0x236: {  	v29 =	vadd.f32 v10, v12;
	v10 =	vld.idx.msk [tilespmem:v38+s20+$0x0], $0xffff  }
0x237: {  	v38 =	vld [tilespmem:$0x1F6E0]  }
0x238: {  	[tilespmem:$0x1FA60] =	vst v0;
	v0 =	vld.idx.msk [tilespmem:v63+s21+$0x0], $0xffff  }
0x239: {  	v63 =	vadd.s32 $0x4080, v13;
	v28 =	vld.idx.msk [tilespmem:v53+s20+$0x0], $0xffff  }
0x23a: {  	v40 =	vld.idx.msk [tilespmem:v53+s21+$0x0], $0xffff  }
0x23b: {  	v12 =	vor.u32 $0x2080, v15;
	v53 =	vld [tilespmem:$0x1F780]  }
0x23c: {  	v4 =	vsub.f32 v38, v3;
	v3 =	vld [tilespmem:$0x1F710]  }
0x23d: {  	v56 =	vsub.f32 v54, v47;
	v38 =	vld [tilespmem:$0x1F730]  }
0x23e: {  	[tilespmem:$0x1FA90] =	vst v52;
	v52 =	vld.idx.msk [tilespmem:v63+s4+$0x0], $0xffff  }
0x23f: {  	v8 =	vmul.f32 v56, v56;
	v56 =	vld.idx.msk [tilespmem:v63+s13+$0x0], $0xffff  }
0x240: {  	v63 =	vld.idx.msk [tilespmem:v12+s20+$0x0], $0xffff  }
0x241: {  	v12 =	vld.idx.msk [tilespmem:v12+s21+$0x0], $0xffff;
	v58 =	vmul.f32 v4, v4  }
0x242: {  	v31 =	vadd.f32 v35, v7;
	v35 =	vor.u32 $0x2100, v16;
	[tilespmem:$0x1FAC0] =	vst v28;
	v28 =	vld [tilespmem:$0x1F850]  }
0x243: {  	v54 =	vsub.f32 v53, v55;
	v33 =	vadd.f32 v58, v5;
	v58 =	vld [tilespmem:$0x1F790]  }
0x244: {  	v5 =	vmul.f32 v61, v61;
	v61 =	vld [tilespmem:$0x1F7E0];
	v7 =	vsub.f32 v50, v3  }
0x245: {  	v27 =	vadd.f32 v9, v27;
	v9 =	vmul.f32 v54, v54;
	v3 =	vld [tilespmem:$0x1F920]  }
0x246: {  	v47 =	vsub.f32 v41, v42;
	v34 =	vadd.f32 v8, v24;
	[tilespmem:$0x1FB00] =	vst v12;
	v12 =	vld [tilespmem:$0x1F800];
	v7 =	vmul.f32 v7, v7  }
0x247: {  	[tilespmem:$0x1FA80] =	vst v36;
	v24 =	vadd.s32 $0x4080, v14;
	v50 =	vsub.f32 v48, v60;
	v41 =	vadd.f32 v9, v33;
	v9 =	vld.idx.msk [tilespmem:v35+s21+$0x0], $0xffff  }
0x248: {  	[tilespmem:$0x1FAA0] =	vst v59;
	v36 =	vadd.f32 v7, v19;
	v59 =	vsub.f32 v58, v62;
	v19 =	vld [tilespmem:$0x1F7A0]  }
0x249: {  	v29 =	vadd.f32 v5, v29;
	v5 =	vsub.f32 v38, v39;
	v58 =	vld [tilespmem:$0x1F7C0]  }
0x24a: {  	v38 =	vmul.f32 v50, v50;
	v18 =	vmul.f32 v59, v59;
	v59 =	vld [tilespmem:$0x1F7D0]  }
0x24b: {  	v55 =	vmul.f32 v5, v5;
	v5 =	vld [tilespmem:$0x1F930]  }
0x24c: {  	v38 =	vadd.f32 v38, v31;
	v31 =	vld.idx.msk [tilespmem:v24+s4+$0x0], $0xffff  }
0x24d: {  	v62 =	vld [tilespmem:$0x1F7F0]  }
0x24e: {  	[tilespmem:$0x1FAE0] =	vst v40;
	v40 =	vadd.f32 v55, v30;
	v30 =	vld.idx.msk [tilespmem:v24+s13+$0x0], $0xffff;
	v22 =	vsub.f32 v19, v21  }
0x24f: {  	v21 =	vld [tilespmem:$0x1F820];
	v60 =	vsub.f32 v58, v59  }
0x250: {  	v8 =	vmul.f32 v47, v47;
	[tilespmem:$0x1FAD0] =	vst v52;
	v33 =	vmul.f32 v22, v22;
	v22 =	vld [tilespmem:$0x1F830]  }
0x251: {  	[tilespmem:$0x1FB10] =	vst v9;
	v9 =	vld [tilespmem:$0x1F870];
	v52 =	vadd.f32 v18, v36;
	v36 =	vmul.f32 v60, v60  }
0x252: {  	v42 =	vadd.f32 v8, v25;
	v18 =	vld [tilespmem:$0x1F810];
	v8 =	vsub.f32 v61, v62  }
0x253: {  	v55 =	vadd.f32 v36, v27;
	v27 =	vld [tilespmem:$0x1F840]  }
0x254: {  	v50 =	vmul.f32 v8, v8;
	v8 =	vld [tilespmem:$0x1F860]  }
0x255: {  	v59 =	vld.idx.msk [tilespmem:v35+s20+$0x0], $0xffff;
	v24 =	vsub.f32 v21, v22  }
0x256: {  	v22 =	vld [tilespmem:$0x1F8A0]  }
0x257: {  	v25 =	vmul.f32 v24, v24;
	v24 =	vld [tilespmem:$0x1F8B0]  }
0x258: {  	v54 =	vadd.f32 v50, v29;
	v29 =	vsub.f32 v27, v28;
	v27 =	vld [tilespmem:$0x1F8C0]  }
0x259: {  	v19 =	vsub.f32 v12, v18;
	v12 =	vsub.f32 v8, v9;
	v28 =	vld [tilespmem:$0x1F8D0]  }
0x25a: {  	v9 =	vld [tilespmem:$0x1F8E0]  }
0x25b: {  	v47 =	vadd.s32 $0x4100, v13;
	v60 =	vadd.f32 v25, v42;
	v42 =	vmul.f32 v12, v12;
	v12 =	vld [tilespmem:$0x1F8F0]  }
0x25c: {  	v48 =	vor.u32 $0x2100, v15;
	v18 =	vld [tilespmem:$0x1F880]  }
0x25d: {  	v35 =	vmul.f32 v19, v19;
	v19 =	vld [tilespmem:$0x1F890];
	v25 =	vsub.f32 v22, v24  }
0x25e: {  	v50 =	vmul.f32 v29, v29;
	v29 =	vsub.f32 v27, v28;
	v27 =	vld [tilespmem:$0x1F940]  }
0x25f: {  	v8 =	vmul.f32 v25, v25;
	v25 =	vsub.f32 v3, v5;
	v3 =	vld [tilespmem:$0x1F950]  }
0x260: {  	[tilespmem:$0x1FA00] =	vst v1;
	v53 =	vadd.s32 $0x4100, v14;
	v39 =	vld.idx.msk [tilespmem:v47+s4+$0x0], $0xffff;
	v1 =	vsub.f32 v9, v12  }
0x261: {  	v62 =	vld.idx.msk [tilespmem:v48+s21+$0x0], $0xffff  }
0x262: {  	v58 =	vld.idx.msk [tilespmem:v48+s20+$0x0], $0xffff;
	v1 =	vmul.f32 v1, v1  }
0x263: {  	v48 =	vadd.s32 $0x4180, v13;
	v34 =	vadd.f32 v33, v34;
	v33 =	vld.idx.msk [tilespmem:v47+s13+$0x0], $0xffff;
	v21 =	vsub.f32 v18, v19  }
0x264: {  	v5 =	vadd.f32 v1, v54;
	v1 =	vsub.f32 v27, v3;
	v3 =	vld [tilespmem:$0x1F960]  }
0x265: {  	v47 =	vor.u32 $0x2180, v16;
	v36 =	vld.idx.msk [tilespmem:v53+s13+$0x0], $0xffff  }
0x266: {  	v61 =	vmul.f32 v21, v21;
	v21 =	vld [tilespmem:$0x1F900]  }
0x267: {  	[tilespmem:$0x1FAF0] =	vst v56;
	v22 =	vld [tilespmem:$0x1F910]  }
0x268: {  	[tilespmem:$0x1FB20] =	vst v62;
	v62 =	vld.idx.msk [tilespmem:v48+s4+$0x0], $0xffff;
	v56 =	vadd.f32 v35, v40  }
0x269: {  	v35 =	vld.idx.msk [tilespmem:v53+s4+$0x0], $0xffff;
	v53 =	vor.u32 $0x2180, v15;
	v19 =	vmul.f32 v29, v29;
	v3 =	vsub.f32 v3, v6  }
0x26a: {  	v40 =	vld.idx.msk [tilespmem:v47+s20+$0x0], $0xffff  }
0x26b: {  	v7 =	vadd.f32 v19, v55;
	v19 =	vmul.f32 v3, v3;
	v3 =	vld [tilespmem:$0x1F9A0]  }
0x26c: {  	[tilespmem:$0x1FAB0] =	vst v0;
	v42 =	vadd.f32 v42, v41;
	v41 =	vld.idx.msk [tilespmem:v48+s13+$0x0], $0xffff;
	v0 =	vsub.f32 v21, v22  }
0x26d: {  	v4 =	vadd.f32 v50, v38;
	v38 =	vld.idx.msk [tilespmem:v47+s21+$0x0], $0xffff  }
0x26e: {  	v18 =	vor.u32 $0x2200, v16;
	v50 =	vld.idx.msk [tilespmem:v53+s21+$0x0], $0xffff;
	v0 =	vmul.f32 v0, v0  }
0x26f: {  	v28 =	vld [tilespmem:$0x1F980];
	v55 =	vmul.f32 v25, v25  }
0x270: {  	v47 =	vadd.s32 $0x4180, v14;
	v6 =	vadd.f32 v0, v56;
	v56 =	vld [tilespmem:$0x1F990];
	v3 =	vsub.f32 v3, v37  }
0x271: {  	[tilespmem:$0x1F9C0] =	vst v2;
	v55 =	vadd.f32 v55, v60;
	v60 =	vld [tilespmem:$0x1F9B0]  }
0x272: {  	v22 =	vmul.f32 v3, v3;
	v3 =	vld [tilespmem:$0x1F9C0]  }
0x273: {  	v48 =	vld.idx.msk [tilespmem:v18+s21+$0x0], $0xffff  }
0x274: {  	v29 =	vld.idx.msk [tilespmem:v53+s20+$0x0], $0xffff  }
0x275: {  	v53 =	vld.idx.msk [tilespmem:v47+s4+$0x0], $0xffff;
	v1 =	vmul.f32 v1, v1;
	v12 =	vsub.f32 v28, v56  }
0x276: {  	v61 =	vadd.f32 v61, v52;
	v52 =	vld.idx.msk [tilespmem:v47+s13+$0x0], $0xffff  }
0x277: {  	v4 =	vadd.f32 v1, v4;
	v56 =	vmul.f32 v12, v12;
	v1 =	vsub.f32 v60, v3;
	v3 =	vld [tilespmem:$0x1F9D0]  }
0x278: {  	v47 =	vld.idx.msk [tilespmem:v18+s20+$0x0], $0xffff  }
0x279: {  	v18 =	vadd.s32 $0x4200, v14;
	v56 =	vadd.f32 v56, v61;
	v61 =	vld [tilespmem:$0x1F9E0];
	_ =	sdelay $0x2  }
0x27a: {  	v3 =	vsub.f32 v3, v43  }
0x27b: {  	v34 =	vadd.f32 v8, v34;
	v8 =	vld [tilespmem:$0x1F9F0]  }
0x27c: {  	v60 =	vld.idx.msk [tilespmem:v18+s4+$0x0], $0xffff;
	v9 =	vsub.f32 v61, v44;
	v3 =	vmul.f32 v3, v3  }
0x27d: {  	v43 =	vld.idx.msk [tilespmem:v18+s13+$0x0], $0xffff  }
0x27e: {  	v45 =	vsub.f32 v49, v45;
	v18 =	vmul.f32 v9, v9;
	v5 =	vadd.f32 v3, v5;
	v3 =	vld [tilespmem:$0x1FA00]  }
0x27f: {  	v1 =	vmul.f32 v1, v1  }
0x280: {  	v9 =	vadd.f32 v18, v6;
	v6 =	vmul.f32 v45, v45  }
0x281: {  	v12 =	vor.u32 $0x2280, v15;
	v7 =	vadd.f32 v1, v7  }
0x282: {  	v1 =	vsub.f32 v11, v8;
	v8 =	vadd.f32 v6, v4;
	v4 =	vld [tilespmem:$0x1FA20]  }
0x283: {  	v6 =	vsub.f32 v3, v46;
	v3 =	vld [tilespmem:$0x1FA10];
	_ =	sdelay $0x2  }
0x284: {  	v21 =	vor.u32 $0x2280, v16;
	v45 =	vld.idx.msk [tilespmem:v12+s20+$0x0], $0xffff  }
0x285: {  	v54 =	vor.u32 $0x2200, v15;
	v46 =	vld.idx.msk [tilespmem:v12+s21+$0x0], $0xffff  }
0x286: {  	v12 =	vsub.f32 v3, v4;
	v3 =	vld [tilespmem:$0x1FA30];
	_ =	sdelay $0x1  }
0x287: {  	v39 =	vsub.f32 v59, v39;
	v59 =	vld [tilespmem:$0x1FB10];
	v24 =	vadd.s32 $0x4200, v13  }
0x288: {  	v51 =	vsub.f32 v51, v32;
	v32 =	vld.idx.msk [tilespmem:v21+s21+$0x0], $0xffff  }
0x289: {  	v25 =	vld.idx.msk [tilespmem:v54+s20+$0x0], $0xffff;
	v42 =	vadd.f32 v19, v42;
	v19 =	vadd.s32 $0x4280, v14  }
0x28a: {  	v4 =	vsub.f32 v3, v17;
	v3 =	vld [tilespmem:$0x1FA40]  }
0x28b: {  	v27 =	vld.idx.msk [tilespmem:v54+s21+$0x0], $0xffff  }
0x28c: {  	v28 =	vld.idx.msk [tilespmem:v24+s4+$0x0], $0xffff  }
0x28d: {  	v37 =	vld.idx.msk [tilespmem:v24+s13+$0x0], $0xffff;
	v24 =	vadd.s32 $0x4280, v13  }
0x28e: {  	v34 =	vadd.f32 v22, v34;
	v22 =	vld.idx.msk [tilespmem:v19+s13+$0x0], $0xffff  }
0x28f: {  	v18 =	vld [tilespmem:$0x1FA70];
	v23 =	vsub.f32 v3, v23;
	v3 =	vmul.f32 v6, v6  }
0x290: {  	v0 =	vadd.s32 $0x4300, v13;
	v17 =	vld [tilespmem:$0x1FA50]  }
0x291: {  	v56 =	vadd.f32 v3, v56;
	v3 =	vld [tilespmem:$0x1FA60]  }
0x292: {  	v49 =	vld.idx.msk [tilespmem:v24+s13+$0x0], $0xffff  }
0x293: {  	v44 =	vld.idx.msk [tilespmem:v21+s20+$0x0], $0xffff;
	v23 =	vmul.f32 v23, v23  }
0x294: {  	v61 =	vmul.f32 v51, v51;
	v51 =	vld.idx.msk [tilespmem:v24+s4+$0x0], $0xffff  }
0x295: {  	v11 =	vld.idx.msk [tilespmem:v0+s4+$0x0], $0xffff;
	v5 =	vadd.f32 v23, v5  }
0x296: {  	v54 =	vor.u32 $0x2300, v20;
	v23 =	vsub.f32 v17, v3;
	v3 =	vsub.f32 v10, v18;
	v10 =	vld [tilespmem:$0x1FA80]  }
0x297: {  	v17 =	vld [tilespmem:$0x1FA90]  }
0x298: {  	v18 =	vld [tilespmem:$0x1FAA0]  }
0x299: {  	v55 =	vadd.f32 v61, v55;
	v61 =	vmul.f32 v12, v12;
	v12 =	vld.idx.msk [tilespmem:v0+s13+$0x0], $0xffff;
	v0 =	vadd.s32 $0x4380, v13  }
0x29a: {  	v24 =	vld.idx.msk [tilespmem:v19+s4+$0x0], $0xffff;
	v1 =	vmul.f32 v1, v1  }
0x29b: {  	v19 =	vld.idx.msk [tilespmem:v54+s20+$0x0], $0xffff;
	v34 =	vadd.f32 v61, v34;
	v61 =	vor.u32 $0x2380, v20  }
0x29c: {  	v42 =	vadd.f32 v1, v42;
	v4 =	vmul.f32 v4, v4;
	v1 =	vsub.f32 v10, v17;
	v10 =	vld [tilespmem:$0x1FAB0]  }
0x29d: {  	v21 =	vld.idx.msk [tilespmem:v54+s21+$0x0], $0xffff;
	v54 =	vadd.s32 $0x4300, v14;
	v23 =	vmul.f32 v23, v23;
	v26 =	vsub.f32 v18, v26  }
0x29e: {  	v4 =	vadd.f32 v4, v7;
	v7 =	vld.idx.msk [tilespmem:v0+s13+$0x0], $0xffff;
	v3 =	vmul.f32 v3, v3  }
0x29f: {  	v6 =	vld [tilespmem:$0x1FAD0];
	v9 =	vadd.f32 v23, v9;
	v23 =	vmul.f32 v26, v26  }
0x2a0: {  	v3 =	vadd.f32 v3, v55;
	v55 =	vld.idx.msk [tilespmem:v61+s20+$0x0], $0xffff  }
0x2a1: {  	v1 =	vmul.f32 v1, v1;
	v23 =	vadd.f32 v23, v42;
	v42 =	vld [tilespmem:$0x1FAC0];
	v57 =	vsub.f32 v10, v57  }
0x2a2: {  	v2 =	vor.u32 $0x2300, v15;
	v26 =	vld.idx.msk [tilespmem:v54+s13+$0x0], $0xffff  }
0x2a3: {  	v1 =	vadd.f32 v1, v8;
	v10 =	vld.idx.msk [tilespmem:v54+s4+$0x0], $0xffff;
	v8 =	vmul.f32 v57, v57  }
0x2a4: {  	v54 =	vor.u32 $0x2380, v15;
	v57 =	vld.idx.msk [tilespmem:v61+s21+$0x0], $0xffff  }
0x2a5: {  	v61 =	vadd.s32 $0x4380, v14;
	v8 =	vadd.f32 v8, v56;
	v56 =	vld [tilespmem:$0x1FAE0]  }
0x2a6: {  	v31 =	vsub.f32 v63, v31;
	v42 =	vsub.f32 v42, v6;
	v6 =	vld [tilespmem:$0x1FAF0]  }
0x2a7: {  	v17 =	vld.idx.msk [tilespmem:v2+s20+$0x0], $0xffff  }
0x2a8: {  	v31 =	vmul.f32 v31, v31;
	v18 =	vld.idx.msk [tilespmem:v2+s21+$0x0], $0xffff  }
0x2a9: {  	v2 =	vld.idx.msk [tilespmem:v54+s20+$0x0], $0xffff  }
0x2aa: {  	v5 =	vadd.f32 v31, v5;
	v31 =	vmul.f32 v39, v39;
	v39 =	vld.idx.msk [tilespmem:v61+s13+$0x0], $0xffff  }
0x2ab: {  	v58 =	vsub.f32 v58, v35;
	v42 =	vmul.f32 v42, v42;
	v56 =	vsub.f32 v56, v6;
	v6 =	vld.idx.msk [tilespmem:v0+s4+$0x0], $0xffff  }
0x2ac: {  	v33 =	vsub.f32 v59, v33;
	v59 =	vadd.s32 $0x6000, v14;
	v3 =	vadd.f32 v31, v3;
	v0 =	vld [tilespmem:$0x1FB00]  }
0x2ad: {  	v31 =	vmul.f32 v58, v58;
	v58 =	vor.u32 $0x3080, v16;
	v34 =	vadd.f32 v42, v34;
	v42 =	vld.idx.msk [tilespmem:v54+s21+$0x0], $0xffff  }
0x2ae: {  	v63 =	vor.u32 $0x3000, v16;
	v40 =	vsub.f32 v40, v62;
	v54 =	vld.idx.msk [tilespmem:v61+s4+$0x0], $0xffff;
	v61 =	vmul.f32 v33, v33  }
0x2af: {  	v38 =	vsub.f32 v38, v41;
	v56 =	vmul.f32 v56, v56  }
0x2b0: {  	v23 =	vadd.f32 v31, v23;
	v31 =	vmul.f32 v40, v40;
	v1 =	vadd.f32 v61, v1;
	v61 =	vld [tilespmem:$0x1FB20]  }
0x2b1: {  	v40 =	vld.idx.msk [tilespmem:v59+s4+$0x0], $0xffff;
	v4 =	vadd.f32 v56, v4;
	v56 =	vor.u32 $0x3000, v15;
	v30 =	vsub.f32 v0, v30  }
0x2b2: {  	v62 =	vmul.f32 v38, v38;
	v38 =	vld.idx.msk [tilespmem:v58+s20+$0x0], $0xffff  }
0x2b3: {  	v33 =	vld.idx.msk [tilespmem:v63+s20+$0x0], $0xffff;
	v30 =	vmul.f32 v30, v30  }
0x2b4: {  	v31 =	vadd.f32 v31, v34;
	v34 =	vld.idx.msk [tilespmem:v59+s13+$0x0], $0xffff;
	v0 =	vadd.s32 $0x6000, v13  }
0x2b5: {  	v9 =	vadd.f32 v30, v9;
	v30 =	vsub.f32 v61, v36;
	v36 =	vld.idx.msk [tilespmem:v63+s21+$0x0], $0xffff  }
0x2b6: {  	v6 =	vsub.f32 v55, v6;
	v55 =	vor.u32 $0x3200, v15;
	v41 =	vld.idx.msk [tilespmem:v56+s20+$0x0], $0xffff  }
0x2b7: {  	v61 =	vadd.s32 $0x6080, v13;
	v63 =	vsub.f32 v50, v52;
	v50 =	vld.idx.msk [tilespmem:v56+s21+$0x0], $0xffff  }
0x2b8: {  	v29 =	vsub.f32 v29, v53;
	v56 =	vsub.f32 v48, v37;
	v37 =	vld.idx.msk [tilespmem:v58+s21+$0x0], $0xffff  }
0x2b9: {  	v52 =	vor.u32 $0x3080, v15;
	v35 =	vld.idx.msk [tilespmem:v0+s4+$0x0], $0xffff  }
0x2ba: {  	v53 =	vadd.s32 $0x6200, v13;
	v29 =	vmul.f32 v29, v29;
	v28 =	vsub.f32 v47, v28;
	v0 =	vld.idx.msk [tilespmem:v0+s13+$0x0], $0xffff  }
0x2bb: {  	v25 =	vsub.f32 v25, v60;
	v18 =	vsub.f32 v18, v26;
	v58 =	vadd.s32 $0x6100, v14;
	v26 =	vld.idx.msk [tilespmem:v55+s21+$0x0], $0xffff  }
0x2bc: {  	v28 =	vmul.f32 v28, v28;
	v11 =	vsub.f32 v19, v11;
	v5 =	vadd.f32 v29, v5;
	v29 =	vld.idx.msk [tilespmem:v61+s4+$0x0], $0xffff  }
0x2bd: {  	v60 =	vsub.f32 v32, v49;
	v27 =	vsub.f32 v27, v43;
	v48 =	vor.u32 $0x3100, v16;
	v47 =	vld.idx.msk [tilespmem:v61+s13+$0x0], $0xffff  }
0x2be: {  	v11 =	vmul.f32 v11, v11;
	v3 =	vadd.f32 v28, v3;
	v30 =	vmul.f32 v30, v30;
	v43 =	vld.idx.msk [tilespmem:v52+s20+$0x0], $0xffff  }
0x2bf: {  	v10 =	vsub.f32 v17, v10;
	v4 =	vadd.f32 v62, v4;
	v62 =	vmul.f32 v63, v63;
	v32 =	vld.idx.msk [tilespmem:v52+s21+$0x0], $0xffff  }
0x2c0: {  	v63 =	vadd.s32 $0x6080, v14;
	v8 =	vadd.f32 v30, v8;
	v30 =	vmul.f32 v56, v56;
	v17 =	vld.idx.msk [tilespmem:v58+s4+$0x0], $0xffff  }
0x2c1: {  	v27 =	vmul.f32 v27, v27;
	v3 =	vadd.f32 v11, v3;
	v11 =	vld.idx.msk [tilespmem:v58+s13+$0x0], $0xffff  }
0x2c2: {  	v56 =	vadd.s32 $0x6100, v13;
	v1 =	vadd.f32 v30, v1;
	v30 =	vld.idx.msk [tilespmem:v48+s20+$0x0], $0xffff  }
0x2c3: {  	v59 =	vsub.f32 v44, v51;
	v8 =	vadd.f32 v27, v8;
	v27 =	vld.idx.msk [tilespmem:v48+s21+$0x0], $0xffff  }
0x2c4: {  	v9 =	vadd.f32 v62, v9;
	v62 =	vor.u32 $0x3100, v15;
	v0 =	vsub.f32 v36, v0;
	v36 =	vld.idx.msk [tilespmem:v53+s4+$0x0], $0xffff  }
0x2c5: {  	v25 =	vmul.f32 v25, v25;
	v61 =	vmul.f32 v59, v59;
	v44 =	vld.idx.msk [tilespmem:v63+s4+$0x0], $0xffff  }
0x2c6: {  	v22 =	vsub.f32 v46, v22;
	v59 =	vor.u32 $0x3180, v16;
	v28 =	vld.idx.msk [tilespmem:v63+s13+$0x0], $0xffff  }
0x2c7: {  	v23 =	vadd.f32 v25, v23;
	v25 =	vadd.f32 v61, v31;
	v31 =	vld.idx.msk [tilespmem:v56+s4+$0x0], $0xffff  }
0x2c8: {  	v22 =	vmul.f32 v22, v22;
	v12 =	vsub.f32 v21, v12;
	v52 =	vor.u32 $0x3200, v16;
	v19 =	vld.idx.msk [tilespmem:v56+s13+$0x0], $0xffff  }
0x2c9: {  	v21 =	vld.idx.msk [tilespmem:v62+s20+$0x0], $0xffff  }
0x2ca: {  	v12 =	vmul.f32 v12, v12;
	v58 =	vadd.s32 $0x6280, v13;
	v9 =	vadd.f32 v22, v9;
	v22 =	vld.idx.msk [tilespmem:v62+s21+$0x0], $0xffff  }
0x2cb: {  	v24 =	vsub.f32 v45, v24;
	v7 =	vsub.f32 v57, v7;
	v62 =	vmul.f32 v18, v18;
	v18 =	vld.idx.msk [tilespmem:v59+s20+$0x0], $0xffff  }
0x2cc: {  	v63 =	vmul.f32 v60, v60;
	v60 =	vadd.s32 $0x6180, v13;
	v1 =	vadd.f32 v12, v1;
	v12 =	vld.idx.msk [tilespmem:v59+s21+$0x0], $0xffff  }
0x2cd: {  	v7 =	vmul.f32 v7, v7;
	v39 =	vsub.f32 v42, v39;
	v57 =	vsub.f32 v50, v34;
	v34 =	vld.idx.msk [tilespmem:v52+s21+$0x0], $0xffff  }
0x2ce: {  	v61 =	vor.u32 $0x3180, v15;
	v4 =	vadd.f32 v63, v4;
	v29 =	vsub.f32 v38, v29;
	v38 =	vld.idx.msk [tilespmem:v53+s13+$0x0], $0xffff  }
0x2cf: {  	v24 =	vmul.f32 v24, v24;
	v10 =	vmul.f32 v10, v10;
	v46 =	vld.idx.msk [tilespmem:v58+s4+$0x0], $0xffff  }
0x2d0: {  	v2 =	vsub.f32 v2, v54;
	v4 =	vadd.f32 v7, v4;
	v7 =	vmul.f32 v39, v39;
	v39 =	vld.idx.msk [tilespmem:v55+s20+$0x0], $0xffff  }
0x2d1: {  	v10 =	vadd.f32 v10, v23;
	v63 =	vadd.s32 $0x6180, v14;
	v23 =	vld.idx.msk [tilespmem:v60+s4+$0x0], $0xffff  }
0x2d2: {  	v5 =	vadd.f32 v24, v5;
	v2 =	vmul.f32 v2, v2;
	v45 =	vld.idx.msk [tilespmem:v60+s13+$0x0], $0xffff  }
0x2d3: {  	v54 =	vsub.f32 v33, v35;
	v56 =	vadd.s32 $0x6200, v14;
	v42 =	vld.idx.msk [tilespmem:v61+s20+$0x0], $0xffff  }
0x2d4: {  	v6 =	vmul.f32 v6, v6;
	v2 =	vadd.f32 v2, v5;
	v24 =	vld.idx.msk [tilespmem:v61+s21+$0x0], $0xffff  }
0x2d5: {  	v16 =	vor.u32 $0x3280, v16;
	v5 =	vmul.f32 v54, v54;
	v7 =	vadd.f32 v7, v9;
	v9 =	vld.idx.msk [tilespmem:v52+s20+$0x0], $0xffff  }
0x2d6: {  	v49 =	vadd.s32 $0x6300, v13;
	v48 =	vor.u32 $0x3300, v20;
	v6 =	vadd.f32 v6, v25;
	v33 =	vld.idx.msk [tilespmem:v63+s4+$0x0], $0xffff  }
0x2d7: {  	v0 =	vmul.f32 v0, v0;
	v3 =	vadd.f32 v5, v3;
	v5 =	vsub.f32 v41, v40;
	v25 =	vld.idx.msk [tilespmem:v63+s13+$0x0], $0xffff  }
0x2d8: {  	v13 =	vadd.s32 $0x6380, v13;
	v37 =	vsub.f32 v37, v47;
	v28 =	vsub.f32 v32, v28;
	v41 =	vld.idx.msk [tilespmem:v56+s4+$0x0], $0xffff  }
0x2d9: {  	v0 =	vadd.f32 v0, v1;
	v1 =	vmul.f32 v57, v57;
	v59 =	vmul.f32 v29, v29;
	v29 =	vld.idx.msk [tilespmem:v56+s13+$0x0], $0xffff  }
0x2da: {  	v8 =	vadd.f32 v62, v8;
	v61 =	vmul.f32 v37, v37;
	v37 =	vmul.f32 v28, v28;
	v28 =	vld.idx.msk [tilespmem:v16+s20+$0x0], $0xffff  }
0x2db: {  	v5 =	vmul.f32 v5, v5;
	v60 =	vsub.f32 v43, v44;
	v43 =	vadd.s32 $0x6280, v14;
	v16 =	vld.idx.msk [tilespmem:v16+s21+$0x0], $0xffff  }
0x2dc: {  	v20 =	vor.u32 $0x3380, v20;
	v47 =	vsub.f32 v27, v19;
	v19 =	vld.idx.msk [tilespmem:v58+s13+$0x0], $0xffff  }
0x2dd: {  	v1 =	vadd.f32 v1, v8;
	v5 =	vadd.f32 v5, v10;
	v62 =	vmul.f32 v60, v60;
	v60 =	vld.idx.msk [tilespmem:v48+s20+$0x0], $0xffff  }
0x2de: {  	v6 =	vadd.f32 v59, v6;
	v63 =	vor.u32 $0x3280, v15;
	v17 =	vsub.f32 v21, v17;
	v21 =	vld.idx.msk [tilespmem:v48+s21+$0x0], $0xffff  }
0x2df: {  	v4 =	vadd.f32 v61, v4;
	v44 =	vsub.f32 v30, v31;
	v8 =	vmul.f32 v47, v47;
	v47 =	vld.idx.msk [tilespmem:v13+s4+$0x0], $0xffff  }
0x2e0: {  	v11 =	vsub.f32 v22, v11;
	v58 =	vor.u32 $0x3300, v15;
	v15 =	vor.u32 $0x3380, v15;
	v52 =	vld.idx.msk [tilespmem:v43+s4+$0x0], $0xffff  }
0x2e1: {  	v2 =	vadd.f32 v62, v2;
	v7 =	vadd.f32 v37, v7;
	v10 =	vmul.f32 v44, v44;
	v57 =	vld.idx.msk [tilespmem:v43+s13+$0x0], $0xffff  }
0x2e2: {  	v50 =	vmul.f32 v17, v17;
	v37 =	vsub.f32 v34, v38;
	v54 =	vsub.f32 v12, v45;
	v45 =	vld.idx.msk [tilespmem:v20+s20+$0x0], $0xffff  }
0x2e3: {  	v53 =	vmul.f32 v11, v11;
	v51 =	vsub.f32 v18, v23;
	v9 =	vsub.f32 v9, v36;
	v36 =	vld.idx.msk [tilespmem:v49+s13+$0x0], $0xffff  }
0x2e4: {  	v61 =	vadd.s32 $0x6300, v14;
	v3 =	vadd.f32 v10, v3;
	v0 =	vadd.f32 v8, v0;
	v22 =	vld.idx.msk [tilespmem:v63+s20+$0x0], $0xffff  }
0x2e5: {  	v14 =	vadd.s32 $0x6380, v14;
	v5 =	vadd.f32 v50, v5;
	v1 =	vadd.f32 v53, v1;
	v55 =	vld.idx.msk [tilespmem:v63+s21+$0x0], $0xffff  }
0x2e6: {  	v56 =	vmul.f32 v51, v51;
	v62 =	vsub.f32 v42, v33;
	v63 =	vld.idx.msk [tilespmem:v49+s4+$0x0], $0xffff;
	v35 =	vsub.f32 v24, v25  }
0x2e7: {  	v59 =	vmul.f32 v54, v54;
	v38 =	vld.idx.msk [tilespmem:v58+s20+$0x0], $0xffff;
	v40 =	vsub.f32 v39, v41;
	v42 =	vsub.f32 v26, v29  }
0x2e8: {  	v25 =	vmul.f32 v37, v37;
	v46 =	vsub.f32 v28, v46;
	v48 =	vsub.f32 v16, v19;
	v51 =	vld.idx.msk [tilespmem:v15+s20+$0x0], $0xffff  }
0x2e9: {  	v15 =	vld.idx.msk [tilespmem:v15+s21+$0x0], $0xffff;
	v9 =	vmul.f32 v9, v9;
	v6 =	vadd.f32 v56, v6;
	v4 =	vadd.f32 v59, v4  }
0x2ea: {  	v10 =	vmul.f32 v62, v62;
	v8 =	vmul.f32 v35, v35;
	v0 =	vadd.f32 v25, v0;
	v56 =	vld.idx.msk [tilespmem:v14+s13+$0x0], $0xffff  }
0x2eb: {  	v23 =	vld.idx.msk [tilespmem:v58+s21+$0x0], $0xffff;
	v43 =	vmul.f32 v40, v40;
	v3 =	vadd.f32 v9, v3;
	v58 =	vsub.f32 v45, v47  }
0x2ec: {  	v13 =	vld.idx.msk [tilespmem:v13+s13+$0x0], $0xffff;
	v9 =	vmul.f32 v46, v46;
	v2 =	vadd.f32 v10, v2;
	v12 =	vsub.f32 v55, v57  }
0x2ed: {  	v41 =	vld.idx.msk [tilespmem:v61+s4+$0x0], $0xffff;
	v7 =	vadd.f32 v8, v7;
	v11 =	vsub.f32 v60, v63  }
0x2ee: {  	v44 =	vld.idx.msk [tilespmem:v61+s13+$0x0], $0xffff;
	v5 =	vadd.f32 v43, v5;
	v6 =	vadd.f32 v9, v6;
	v12 =	vmul.f32 v12, v12  }
0x2ef: {  	v49 =	vld.idx.msk [tilespmem:v20+s21+$0x0], $0xffff;
	v54 =	vmul.f32 v11, v11;
	v11 =	vmul.f32 v58, v58;
	v9 =	vsub.f32 v15, v56  }
0x2f0: {  	v53 =	vld.idx.msk [tilespmem:v14+s4+$0x0], $0xffff;
	v50 =	vsub.f32 v21, v36;
	v7 =	vadd.f32 v12, v7  }
0x2f1: {  	v3 =	vadd.f32 v54, v3;
	v6 =	vadd.f32 v11, v6;
	v9 =	vmul.f32 v9, v9  }
0x2f2: {  	v8 =	vmul.f32 v42, v42;
	v18 =	vsub.f32 v22, v52;
	v57 =	vsub.f32 v38, v41  }
0x2f3: {  	v3 =	vadd.f32 v6, v3;
	v6 =	vadd.f32 v9, v7;
	v7 =	vld [tilespmem:$0x1FB30]  }
0x2f4: {  	v59 =	vsub.f32 v49, v13;
	v1 =	vadd.f32 v8, v1;
	v8 =	vmul.f32 v48, v48  }
0x2f5: {  	v10 =	vsub.f32 v23, v44;
	v60 =	vsub.f32 v51, v53;
	v63 =	vld [tilespmem:$0x1FB40];
	v52 =	vmul.f32 v18, v18  }
0x2f6: {  	v55 =	vmul.f32 v50, v50;
	v4 =	vadd.f32 v8, v4;
	v12 =	vmul.f32 v59, v59  }
0x2f7: {  	v61 =	vmul.f32 v60, v60;
	v8 =	vmul.f32 v57, v57;
	v2 =	vadd.f32 v52, v2  }
0x2f8: {  	v10 =	vmul.f32 v10, v10;
	v0 =	vadd.f32 v55, v0;
	v4 =	vadd.f32 v12, v4  }
0x2f9: {  	p0 =	sne.s32 s31, $0x1E0;
	v5 =	vadd.f32 v8, v5;
	v2 =	vadd.f32 v61, v2  }
.Ltmp1:
0x2fa: {  	v1 =	vadd.f32 v10, v1;
	v0 =	vadd.f32 v4, v0;
	(pc) =	sbr.rel @p0 .LBB2_4-.Ltmp1, $4  }
0x2fb: {  	v2 =	vadd.f32 v2, v5;
	[tilespmem:v7+s24+$0x0] =	vst.idx.msk $0xffff, v3  }
0x2fc: {  	v62 =	vadd.f32 v6, v1;
	[tilespmem:v7+s25+$0x0] =	vst.idx.msk $0xffff, v0  }
0x2fd: {  	[tilespmem:v63+s24+$0x0] =	vst.idx.msk $0xffff, v2  }
0x2fe: {  	s31 =	sadd.s32 $0x20, s31;
	v4 =	vlaneseq.u32;
	[tilespmem:v63+s25+$0x0] =	vst.idx.msk $0xffff, v62  }
0x2ff: {  	[hbm4b:s10+s26] =	stream.strided.scatter [tilespmem:s24], [sflag:$0x6], $0x400, s28, s26, $0x38;
	[tilespmem:$0x18C00] =	vst v63  }
0x300: {  	s30 =	sadd.s32 $0x1, s30;
	_ =	swait.ge [sflag:s29], $0x400  }
0x301: {  	p0 =	sne.s32 s30, s12;
	[sflag:s29] =	ssyncset.done $0x0  }
.Ltmp2:
0x302: {  	[sflag:s29] =	ssyncadd.s32 $0xFFFFFC00;
	(pc) =	sbr.rel @p0 .LBB2_1-.Ltmp2, $4  }
0x303: {  	[hbm4b:s11+s26] =	stream.strided.scatter [tilespmem:s25], [sflag:$0x6], $0x400, s28, s26, $0x38;
	[tilespmem:$0x18C00] =	vst v63  }
0x304: {  	_ =	swait.ge [sflag:s29], $0x400  }
0x305: {  	[sflag:s29] =	ssyncset.done $0x0  }
0x306: {  	[sflag:s29] =	ssyncadd.s32 $0xFFFFFC00  }
0x307: {  	_ =	sfence.sel $0x180000  }
0x308: {  	[bflag:$0x0] =	sbarrier.arrive $0xFFFF  }
0x309: {  	_ =	strace $0x90000047  }
0x30a: {  	[bflag:$0x2] =	sbarrier.arrive $0xFFFF  }
0x30b: {  	p0 =	sne.s32 s3, $0x0;
	s0 =	rddreg [dreg:$0x7]  }
0x30c: {  	s0 =	sadd.s32 @!p0 $0x100000, s0  }
0x30d: {  	[sflag:s0] =	ssyncadd.tile.s32 @!p0 $0x1;
	_ =	shalt  }
.Lfunc_end2:
_tile_overlayer_lowered:
.L_overlay_start_2:
0x30e: {  	(tag) =	ssettag $0x2  }
0x30f: {  	s0 =	rddreg [dreg:$0x0];
	s2 =	stileid.u32  }
0x310: {  	s1 =	rddreg [dreg:$0x1];
	p0 =	sne.s32 s2, $0x0  }
0x311: {  	s3 =	rddreg [dreg:$0x2];
	[bflag:$0x3] =	sbarrier.arrive $0xFFFF;
	s2 =	simm.s32 @!p0 $0x1C06  }
0x312: {  	[timem:s3], [sflag:s2] =	dma.local @!p0 [hbm:s0], s1  }
0x313: {  	s0 =	simm.s32 @!p0 $0x6  }
0x314: {  	_ =	swait.ge @!p0 [sflag:s0], s1  }
0x315: {  	s1 =	ssub.s32 @!p0 $0x0, s1;
	[sflag:s0] =	ssyncset.done @!p0 $0x0  }
0x316: {  	[sflag:s0] =	ssyncadd.s32 @!p0 s1  }
0x317: {  	[bflag:$0x3] =	sbarrier.arrive $0xFFFF  }
0x318: {  	_ =	shalt  }

</sc_bundles>
